<compile_context>
chip_gen: v7x
topology: tpu7x:2x2x1
jax: 0.10.2.dev20260603
libtpu: 0.0.44.dev20260713+nightly
codegen_flags: <defaults>
</compile_context>

<pallas_src>
import functools

import jax
import jax.numpy as jnp
from jax import lax
from jax.experimental import pallas as pl
from jax.experimental.pallas import tpu as pltpu
from jax.experimental.pallas import tpu_sc as plsc

_K = 16
_CHUNK = 128
_NBUF = 4


def _gelu(x):
    return 0.5 * x * (1.0 + lax.erf(x * 0.7071067811865476))


def _topk_body(pc_ref, pct_ref, idx_ref, *, base):
    n = pc_ref.shape[1]
    hn = n // 2
    b = pl.program_id(0) + base
    pcb = pc_ref[0]
    pct = pct_ref[0]

    m = jnp.dot(pcb, pct, preferred_element_type=jnp.float32)
    r_row = jnp.sum(pcb * pcb, axis=1, keepdims=True)
    r_col = jnp.sum(pct * pct, axis=0, keepdims=True)
    d = r_row - 2.0 * m + r_col + 1e-5

    inf = jnp.float32(jnp.inf)
    big = jnp.float32(2.0 * n)
    dlo, dhi = d[:, :hn], d[:, hn:]
    colsf = lax.broadcasted_iota(jnp.int32, (n, hn), 1).astype(jnp.float32)
    side = dlo <= dhi
    dm = jnp.minimum(dlo, dhi)
    ds = jnp.maximum(dlo, dhi)
    im = jnp.where(side, colsf, colsf + hn)
    pairsum = 2.0 * colsf + hn
    ams = []
    for t in range(_K + 1):
        minval = jnp.min(dm, axis=1, keepdims=True)
        tt = jnp.where(dm == minval, im, big)
        am = jnp.min(tt, axis=1, keepdims=True)
        if t > 0:
            ams.append(am)
        selp = tt == am
        dm = jnp.where(selp, ds, dm)
        im = jnp.where(selp, pairsum - im, im)
        ds = jnp.where(selp, inf, ds)
    idxf = jnp.concatenate(ams, axis=1)
    idx_ref[0] = idxf.astype(jnp.int32) + b * n


def _mlp_body(g_ref, ft_ref, a1_ref, c1_ref, w2t_ref, b1_ref, b2_ref,
              out_ref):
    n = ft_ref.shape[1]
    f = ft_ref.shape[2]
    h = out_ref.shape[2]
    per = 128 // f
    gw = n * _K * f // 128
    gpp = gw // n
    packed = g_ref[0]
    knn4 = jnp.concatenate([packed[:, q * f:(q + 1) * f] for q in range(per)],
                           axis=0)
    ftb = ft_ref[0]
    c = jnp.dot(ftb, c1_ref[...], preferred_element_type=jnp.float32) + b1_ref[...]
    cb = jnp.broadcast_to(c[:, None, :], (n, gpp, c.shape[-1]))
    cb = cb.reshape(n * gpp, -1)
    cb = jnp.concatenate([cb] * per, axis=0)
    h1 = jnp.dot(knn4, a1_ref[...], preferred_element_type=jnp.float32)
    h1 = _gelu(h1 + cb)
    h2 = jnp.dot(h1, w2t_ref[...],
                 preferred_element_type=jnp.float32) + b2_ref[...]
    h2 = _gelu(h2)
    s = jnp.sum(h2.reshape(per, gw, h), axis=0)
    s = jnp.sum(s.reshape(n, gpp, h), axis=1)
    out_ref[0] = s * (1.0 / _K)


def _sc_gather(table, gidx, n_rows, f):
    info = plsc.get_sparse_core_info()
    nc, ns = info.num_cores, info.num_subcores
    nw = nc * ns
    rows_per_w = n_rows // nw
    chunks = rows_per_w // _CHUNK
    idx3 = gidx.reshape(nw, chunks, _CHUNK)
    mesh = plsc.VectorSubcoreMesh(core_axis_name="c", subcore_axis_name="s")

    @functools.partial(
        pl.kernel,
        mesh=mesh,
        out_type=jax.ShapeDtypeStruct((n_rows, f), jnp.float32),
        scratch_types=[
            pltpu.VMEM((chunks, _CHUNK), jnp.int32),
            pltpu.VMEM((_NBUF, _CHUNK, f), jnp.float32),
            pltpu.SemaphoreType.DMA((_NBUF,)),
            pltpu.SemaphoreType.DMA((_NBUF,)),
        ],
        compiler_params=pltpu.CompilerParams(use_tc_tiling_on_sc=False),
    )
    def gather_k(idx_hbm, table_hbm, out_hbm, idx_v, rows_v, gsem, wsem):
        wid = lax.axis_index("s") * nc + lax.axis_index("c")
        base = wid * rows_per_w
        pltpu.sync_copy(idx_hbm.at[wid], idx_v)

        def body(i, carry):
            gs = []
            for t in range(_NBUF):
                j = i * _NBUF + t
                gs.append(pltpu.async_copy(
                    table_hbm.at[idx_v.at[j]], rows_v.at[t], gsem.at[t]))
            ws = []
            for t in range(_NBUF):
                j = i * _NBUF + t
                gs[t].wait()
                ws.append(pltpu.async_copy(
                    rows_v.at[t], out_hbm.at[pl.ds(base + j * _CHUNK, _CHUNK)],
                    wsem.at[t]))
            for t in range(_NBUF):
                ws[t].wait()
            return carry

        lax.fori_loop(0, chunks // _NBUF, body, 0)

    return gather_k(idx3, table)


def kernel(points, features, W1, b1, W2, b2):
    n, b, pdim = points.shape
    f = features.shape[-1]
    h2dim = W1.shape[0]
    h = W2.shape[0]

    pc = jnp.transpose(points, (1, 0, 2))
    pcp = jnp.pad(pc, ((0, 0), (0, 0), (0, 8 - pdim)))
    pct = jnp.transpose(pcp, (0, 2, 1))
    ft = jnp.transpose(features, (1, 0, 2))
    w1t = W1.T
    a1 = w1t[:f]
    c1 = w1t[f:] - a1
    w2t = W2.T

    ft2d = ft.reshape(b * n, f)
    b1r, b2r = b1.reshape(1, -1), b2.reshape(1, -1)
    ns = 2 if b % 2 == 0 else 1
    bs = b // ns

    gidxs, gats, outs = [], [], []
    for s in range(ns):
        gidxs.append(pl.pallas_call(
            functools.partial(_topk_body, base=s * bs),
            grid=(bs,),
            in_specs=[
                pl.BlockSpec((1, n, 8), lambda i, s=s: (i + s * bs, 0, 0)),
                pl.BlockSpec((1, 8, n), lambda i, s=s: (i + s * bs, 0, 0)),
            ],
            out_specs=pl.BlockSpec((1, n, _K), lambda i: (i, 0, 0)),
            out_shape=jax.ShapeDtypeStruct((bs, n, _K), jnp.int32),
        )(pcp, pct))

    gw = n * _K * f // 128
    for s in range(ns):
        gathered = _sc_gather(ft2d, gidxs[s].reshape(-1), bs * n * _K, f)
        gats.append(gathered.reshape(bs, gw, 128))

    for s in range(ns):
        outs.append(pl.pallas_call(
            _mlp_body,
            grid=(bs,),
            in_specs=[
                pl.BlockSpec((1, gw, 128), lambda i: (i, 0, 0)),
                pl.BlockSpec((1, n, f), lambda i, s=s: (i + s * bs, 0, 0)),
                pl.BlockSpec((f, h2dim), lambda i: (0, 0)),
                pl.BlockSpec((f, h2dim), lambda i: (0, 0)),
                pl.BlockSpec((h2dim, h), lambda i: (0, 0)),
                pl.BlockSpec((1, h2dim), lambda i: (0, 0)),
                pl.BlockSpec((1, h), lambda i: (0, 0)),
            ],
            out_specs=pl.BlockSpec((1, n, h), lambda i: (i, 0, 0)),
            out_shape=jax.ShapeDtypeStruct((bs, n, h), jnp.float32),
        )(gats[s], ft, a1, c1, w2t, b1r, b2r))
    out = outs[0] if ns == 1 else jnp.concatenate(outs, axis=0)
    return jnp.transpose(out, (1, 0, 2))

# --- scband reference (transcript-rebuilt; emitter-appended) ---
"""Pipeline reference for scband-local-embed-block-22093311770773 (READ-ONLY COPY).

The authoritative reference and input builder live on the scoring server;
editing this copy changes nothing except your own understanding.
"""

import jax, jax.numpy as jnp
import numpy as np

N, B, PDIM, F, H, K = 512, 128, 3, 32, 64, 16

def setup_inputs(seed: int = 0):
    key = jax.random.key(seed)
    ks = jax.random.split(key, 4)
    points = jax.random.normal(ks[0], (N, B, PDIM), dtype=jnp.float32)
    features = jax.random.normal(ks[1], (N, B, F), dtype=jnp.float32)
    W1 = jax.random.normal(ks[2], (2 * H, 2 * F), dtype=jnp.float32) * (1.0 / np.sqrt(2 * F))
    b1 = jnp.zeros((2 * H,), dtype=jnp.float32)
    W2 = jax.random.normal(ks[3], (H, 2 * H), dtype=jnp.float32) * (1.0 / np.sqrt(2 * H))
    b2 = jnp.zeros((H,), dtype=jnp.float32)
    return {"points": points, "features": features, "W1": W1, "b1": b1, "W2": W2, "b2": b2}

def reference(points, features, W1, b1, W2, b2):
    # points: [N, B, PDIM], features: [N, B, F]
    pc = jnp.transpose(points, (1, 0, 2))  # [B, N, PDIM]
    r = jnp.sum(pc * pc, axis=2, keepdims=True)  # [B, N, 1]
    m = jnp.einsum('bnd,bmd->bnm', pc, pc)  # [B, N, N]
    drij = r - 2.0 * m + jnp.transpose(r, (0, 2, 1)) + 1e-05  # [B, N, N] (double transpose in torch is identity)
    _, idx = jax.lax.top_k(-drij, K + 1)  # [B, N, K+1]
    idx = idx[:, :, 1:]  # drop self -> [B, N, K]
    ft = jnp.transpose(features, (1, 0, 2))  # [B, N, F]
    b_idx = jnp.arange(ft.shape[0])[:, None, None]
    knn_fts = ft[b_idx, idx]  # [B, N, K, F] gather
    center = jnp.broadcast_to(ft[:, :, None, :], knn_fts.shape)  # [B, N, K, F]
    local = jnp.concatenate([knn_fts - center, center], axis=-1)  # [B, N, K, 2F]
    local = jax.nn.gelu(local @ W1.T + b1, approximate=False)  # torch GELU default is exact erf
    local = jax.nn.gelu(local @ W2.T + b2, approximate=False)
    out = jnp.mean(local, axis=2)  # [B, N, H]
    return jnp.transpose(out, (1, 0, 2))  # [N, B, H]

if __name__ == "__main__":
    import jax
    _d = setup_inputs()
    print(jax.jit(kernel)(*tuple(_d.values())))

</pallas_src>

<mosaic_0001>
#map = affine_map<(d0, d1) -> (0, 0, 0)>
#map1 = affine_map<(d0, d1) -> (0, 0)>
module attributes {stable_mosaic.version = 14 : i64} {
  func.func @gather_k(%arg0: i32, %arg1: i32, %arg2: memref<32x128x128xi32, #tpu.memory_space<hbm>>, %arg3: memref<65536x32xf32, #tpu.memory_space<hbm>>, %arg4: memref<524288x32xf32, #tpu.memory_space<hbm>>, %arg5: memref<128x128xi32, #tpu.memory_space<vmem>>, %arg6: memref<4x128x32xf32, #tpu.memory_space<vmem>>, %arg7: memref<4x!tpu.dma_semaphore, #tpu.memory_space<semaphore_mem>>, %arg8: memref<4x!tpu.dma_semaphore, #tpu.memory_space<semaphore_mem>>) attributes {dimension_semantics = [#tpu.dimension_semantics<core_parallel>, #tpu.dimension_semantics<subcore_parallel>], iteration_bounds = array<i64: 2, 16>, scalar_prefetch = 0 : i64, scratch_operands = 4 : i64, tpu.core_type = #tpu.core_type<sc_vector_subcore>, window_params = [{transform_indices = #map}, {transform_indices = #map1}, {transform_indices = #map1}]} {
    %mul3A = arith.constant 2 : i32
    %mul3A_0 = arith.muli %arg1, %mul3A : i32
    %add3A = arith.addi %mul3A_0, %arg0 : i32
    %mul3A_1 = arith.constant 16384 : i32
    %mul3A_2 = arith.muli %add3A, %mul3A_1 : i32
    "tpu.region"() ({
      %run_scoped3A = tpu.sem_alloc : memref<!tpu.dma_semaphore, #tpu.memory_space<semaphore_mem>>
      %dma_start3A = arith.constant 0 : i32
      %dma_start3A_8 = arith.constant 0 : i32
      %dma_start3A_9 = tpu.memref_slice %arg2[%add3A, %dma_start3A, %dma_start3A_8] : memref<32x128x128xi32, #tpu.memory_space<hbm>> -> memref<1x128x128xi32, #tpu.memory_space<hbm>>
      %dma_start3A_10 = tpu.memref_squeeze %dma_start3A_9 : memref<1x128x128xi32, #tpu.memory_space<hbm>> -> memref<128x128xi32, #tpu.memory_space<hbm>>
      %dma_start3A_11 = arith.constant 0 : i32
      %dma_start3A_12 = arith.constant 0 : i32
      %dma_start3A_13 = tpu.memref_slice %arg2[%add3A, %dma_start3A_11, %dma_start3A_12] : memref<32x128x128xi32, #tpu.memory_space<hbm>> -> memref<1x128x128xi32, #tpu.memory_space<hbm>>
      %dma_start3A_14 = tpu.memref_squeeze %dma_start3A_13 : memref<1x128x128xi32, #tpu.memory_space<hbm>> -> memref<128x128xi32, #tpu.memory_space<hbm>>
      tpu.enqueue_dma source(%dma_start3A_14 : memref<128x128xi32, #tpu.memory_space<hbm>>) target(%arg5 : memref<128x128xi32, #tpu.memory_space<vmem>>) target_semaphore(%run_scoped3A : memref<!tpu.dma_semaphore, #tpu.memory_space<semaphore_mem>>)
      %dma_wait3A = arith.constant 0 : i32
      %dma_wait3A_15 = arith.constant 0 : i32
      %dma_wait3A_16 = tpu.memref_slice %arg2[%add3A, %dma_wait3A, %dma_wait3A_15] : memref<32x128x128xi32, #tpu.memory_space<hbm>> -> memref<1x128x128xi32, #tpu.memory_space<hbm>>
      %dma_wait3A_17 = tpu.memref_squeeze %dma_wait3A_16 : memref<1x128x128xi32, #tpu.memory_space<hbm>> -> memref<128x128xi32, #tpu.memory_space<hbm>>
      %dma_wait3A_18 = arith.constant 0 : i32
      %dma_wait3A_19 = arith.constant 0 : i32
      %dma_wait3A_20 = tpu.memref_slice %arg2[%add3A, %dma_wait3A_18, %dma_wait3A_19] : memref<32x128x128xi32, #tpu.memory_space<hbm>> -> memref<1x128x128xi32, #tpu.memory_space<hbm>>
      %dma_wait3A_21 = tpu.memref_squeeze %dma_wait3A_20 : memref<1x128x128xi32, #tpu.memory_space<hbm>> -> memref<128x128xi32, #tpu.memory_space<hbm>>
      tpu.wait_dma2 semaphore(%run_scoped3A : memref<!tpu.dma_semaphore, #tpu.memory_space<semaphore_mem>>) src(%dma_wait3A_21 : memref<128x128xi32, #tpu.memory_space<hbm>>) dst(%arg5 : memref<128x128xi32, #tpu.memory_space<vmem>>)
      tpu.yield
    }) : () -> ()
    %scan3A = arith.constant 0 : i32
    %scan3A_3 = arith.constant 0 : i32
    %scan3A_4 = arith.constant 32 : i32
    %scan3A_5 = arith.addi %scan3A_3, %scan3A_4 : i32
    %scan3A_6 = arith.constant 1 : i32
    scf.for %scan3A_8 = %scan3A_3 to %scan3A_5 step %scan3A_6  : i32 {
      %mul3A_9 = arith.constant 4 : i32
      %mul3A_10 = arith.muli %scan3A_8, %mul3A_9 : i32
      %add3A_11 = arith.constant 0 : i32
      %add3A_12 = arith.addi %mul3A_10, %add3A_11 : i32
      %dma_start3A = arith.constant 0 : i32
      %dma_start3A_13 = arith.constant 0 : i32
      %dma_start3A_14 = arith.constant 0 : i32
      %dma_start3A_15 = arith.constant 0 : i32
      %dma_start3A_16 = tpu.memref_slice %arg6[%dma_start3A, %dma_start3A_14, %dma_start3A_15] : memref<4x128x32xf32, #tpu.memory_space<vmem>> -> memref<1x128x32xf32, #tpu.memory_space<vmem>>
      %dma_start3A_17 = tpu.memref_squeeze %dma_start3A_16 : memref<1x128x32xf32, #tpu.memory_space<vmem>> -> memref<128x32xf32, #tpu.memory_space<vmem>>
      %dma_start3A_18 = arith.constant 0 : i32
      %dma_start3A_19 = tpu.memref_slice %arg5[%add3A_12, %dma_start3A_18] : memref<128x128xi32, #tpu.memory_space<vmem>> -> memref<1x128xi32, #tpu.memory_space<vmem>>
      %dma_start3A_20 = tpu.memref_squeeze %dma_start3A_19 : memref<1x128xi32, #tpu.memory_space<vmem>> -> memref<128xi32, #tpu.memory_space<vmem>>
      %dma_start3A_21 = arith.constant 0 : i32
      %dma_start3A_22 = arith.constant 0 : i32
      %dma_start3A_23 = tpu.memref_slice %arg3[%dma_start3A_21, %dma_start3A_22] : memref<65536x32xf32, #tpu.memory_space<hbm>> -> memref<65536x32xf32, #tpu.memory_space<hbm>>
      %dma_start3A_24 = tpu.memref_slice %arg7[%dma_start3A_13] : memref<4x!tpu.dma_semaphore, #tpu.memory_space<semaphore_mem>> -> memref<1x!tpu.dma_semaphore, #tpu.memory_space<semaphore_mem>>
      %dma_start3A_25 = tpu.memref_squeeze %dma_start3A_24 : memref<1x!tpu.dma_semaphore, #tpu.memory_space<semaphore_mem>> -> memref<!tpu.dma_semaphore, #tpu.memory_space<semaphore_mem>>
      tpu.enqueue_indirect_dma source(%dma_start3A_23 : memref<65536x32xf32, #tpu.memory_space<hbm>>) target(%dma_start3A_17 : memref<128x32xf32, #tpu.memory_space<vmem>>) offsets(%dma_start3A_20 : memref<128xi32, #tpu.memory_space<vmem>>) semaphore(%dma_start3A_25 : memref<!tpu.dma_semaphore, #tpu.memory_space<semaphore_mem>>)
      %mul3A_26 = arith.constant 4 : i32
      %mul3A_27 = arith.muli %scan3A_8, %mul3A_26 : i32
      %add3A_28 = arith.constant 1 : i32
      %add3A_29 = arith.addi %mul3A_27, %add3A_28 : i32
      %dma_start3A_30 = arith.constant 1 : i32
      %dma_start3A_31 = arith.constant 1 : i32
      %dma_start3A_32 = arith.constant 0 : i32
      %dma_start3A_33 = arith.constant 0 : i32
      %dma_start3A_34 = tpu.memref_slice %arg6[%dma_start3A_30, %dma_start3A_32, %dma_start3A_33] : memref<4x128x32xf32, #tpu.memory_space<vmem>> -> memref<1x128x32xf32, #tpu.memory_space<vmem>>
      %dma_start3A_35 = tpu.memref_squeeze %dma_start3A_34 : memref<1x128x32xf32, #tpu.memory_space<vmem>> -> memref<128x32xf32, #tpu.memory_space<vmem>>
      %dma_start3A_36 = arith.constant 0 : i32
      %dma_start3A_37 = tpu.memref_slice %arg5[%add3A_29, %dma_start3A_36] : memref<128x128xi32, #tpu.memory_space<vmem>> -> memref<1x128xi32, #tpu.memory_space<vmem>>
      %dma_start3A_38 = tpu.memref_squeeze %dma_start3A_37 : memref<1x128xi32, #tpu.memory_space<vmem>> -> memref<128xi32, #tpu.memory_space<vmem>>
      %dma_start3A_39 = arith.constant 0 : i32
      %dma_start3A_40 = arith.constant 0 : i32
      %dma_start3A_41 = tpu.memref_slice %arg3[%dma_start3A_39, %dma_start3A_40] : memref<65536x32xf32, #tpu.memory_space<hbm>> -> memref<65536x32xf32, #tpu.memory_space<hbm>>
      %dma_start3A_42 = tpu.memref_slice %arg7[%dma_start3A_31] : memref<4x!tpu.dma_semaphore, #tpu.memory_space<semaphore_mem>> -> memref<1x!tpu.dma_semaphore, #tpu.memory_space<semaphore_mem>>
      %dma_start3A_43 = tpu.memref_squeeze %dma_start3A_42 : memref<1x!tpu.dma_semaphore, #tpu.memory_space<semaphore_mem>> -> memref<!tpu.dma_semaphore, #tpu.memory_space<semaphore_mem>>
      tpu.enqueue_indirect_dma source(%dma_start3A_41 : memref<65536x32xf32, #tpu.memory_space<hbm>>) target(%dma_start3A_35 : memref<128x32xf32, #tpu.memory_space<vmem>>) offsets(%dma_start3A_38 : memref<128xi32, #tpu.memory_space<vmem>>) semaphore(%dma_start3A_43 : memref<!tpu.dma_semaphore, #tpu.memory_space<semaphore_mem>>)
      %mul3A_44 = arith.constant 4 : i32
      %mul3A_45 = arith.muli %scan3A_8, %mul3A_44 : i32
      %add3A_46 = arith.constant 2 : i32
      %add3A_47 = arith.addi %mul3A_45, %add3A_46 : i32
      %dma_start3A_48 = arith.constant 2 : i32
      %dma_start3A_49 = arith.constant 2 : i32
      %dma_start3A_50 = arith.constant 0 : i32
      %dma_start3A_51 = arith.constant 0 : i32
      %dma_start3A_52 = tpu.memref_slice %arg6[%dma_start3A_48, %dma_start3A_50, %dma_start3A_51] : memref<4x128x32xf32, #tpu.memory_space<vmem>> -> memref<1x128x32xf32, #tpu.memory_space<vmem>>
      %dma_start3A_53 = tpu.memref_squeeze %dma_start3A_52 : memref<1x128x32xf32, #tpu.memory_space<vmem>> -> memref<128x32xf32, #tpu.memory_space<vmem>>
      %dma_start3A_54 = arith.constant 0 : i32
      %dma_start3A_55 = tpu.memref_slice %arg5[%add3A_47, %dma_start3A_54] : memref<128x128xi32, #tpu.memory_space<vmem>> -> memref<1x128xi32, #tpu.memory_space<vmem>>
      %dma_start3A_56 = tpu.memref_squeeze %dma_start3A_55 : memref<1x128xi32, #tpu.memory_space<vmem>> -> memref<128xi32, #tpu.memory_space<vmem>>
      %dma_start3A_57 = arith.constant 0 : i32
      %dma_start3A_58 = arith.constant 0 : i32
      %dma_start3A_59 = tpu.memref_slice %arg3[%dma_start3A_57, %dma_start3A_58] : memref<65536x32xf32, #tpu.memory_space<hbm>> -> memref<65536x32xf32, #tpu.memory_space<hbm>>
      %dma_start3A_60 = tpu.memref_slice %arg7[%dma_start3A_49] : memref<4x!tpu.dma_semaphore, #tpu.memory_space<semaphore_mem>> -> memref<1x!tpu.dma_semaphore, #tpu.memory_space<semaphore_mem>>
      %dma_start3A_61 = tpu.memref_squeeze %dma_start3A_60 : memref<1x!tpu.dma_semaphore, #tpu.memory_space<semaphore_mem>> -> memref<!tpu.dma_semaphore, #tpu.memory_space<semaphore_mem>>
      tpu.enqueue_indirect_dma source(%dma_start3A_59 : memref<65536x32xf32, #tpu.memory_space<hbm>>) target(%dma_start3A_53 : memref<128x32xf32, #tpu.memory_space<vmem>>) offsets(%dma_start3A_56 : memref<128xi32, #tpu.memory_space<vmem>>) semaphore(%dma_start3A_61 : memref<!tpu.dma_semaphore, #tpu.memory_space<semaphore_mem>>)
      %mul3A_62 = arith.constant 4 : i32
      %mul3A_63 = arith.muli %scan3A_8, %mul3A_62 : i32
      %add3A_64 = arith.constant 3 : i32
      %add3A_65 = arith.addi %mul3A_63, %add3A_64 : i32
      %dma_start3A_66 = arith.constant 3 : i32
      %dma_start3A_67 = arith.constant 3 : i32
      %dma_start3A_68 = arith.constant 0 : i32
      %dma_start3A_69 = arith.constant 0 : i32
      %dma_start3A_70 = tpu.memref_slice %arg6[%dma_start3A_66, %dma_start3A_68, %dma_start3A_69] : memref<4x128x32xf32, #tpu.memory_space<vmem>> -> memref<1x128x32xf32, #tpu.memory_space<vmem>>
      %dma_start3A_71 = tpu.memref_squeeze %dma_start3A_70 : memref<1x128x32xf32, #tpu.memory_space<vmem>> -> memref<128x32xf32, #tpu.memory_space<vmem>>
      %dma_start3A_72 = arith.constant 0 : i32
      %dma_start3A_73 = tpu.memref_slice %arg5[%add3A_65, %dma_start3A_72] : memref<128x128xi32, #tpu.memory_space<vmem>> -> memref<1x128xi32, #tpu.memory_space<vmem>>
      %dma_start3A_74 = tpu.memref_squeeze %dma_start3A_73 : memref<1x128xi32, #tpu.memory_space<vmem>> -> memref<128xi32, #tpu.memory_space<vmem>>
      %dma_start3A_75 = arith.constant 0 : i32
      %dma_start3A_76 = arith.constant 0 : i32
      %dma_start3A_77 = tpu.memref_slice %arg3[%dma_start3A_75, %dma_start3A_76] : memref<65536x32xf32, #tpu.memory_space<hbm>> -> memref<65536x32xf32, #tpu.memory_space<hbm>>
      %dma_start3A_78 = tpu.memref_slice %arg7[%dma_start3A_67] : memref<4x!tpu.dma_semaphore, #tpu.memory_space<semaphore_mem>> -> memref<1x!tpu.dma_semaphore, #tpu.memory_space<semaphore_mem>>
      %dma_start3A_79 = tpu.memref_squeeze %dma_start3A_78 : memref<1x!tpu.dma_semaphore, #tpu.memory_space<semaphore_mem>> -> memref<!tpu.dma_semaphore, #tpu.memory_space<semaphore_mem>>
      tpu.enqueue_indirect_dma source(%dma_start3A_77 : memref<65536x32xf32, #tpu.memory_space<hbm>>) target(%dma_start3A_71 : memref<128x32xf32, #tpu.memory_space<vmem>>) offsets(%dma_start3A_74 : memref<128xi32, #tpu.memory_space<vmem>>) semaphore(%dma_start3A_79 : memref<!tpu.dma_semaphore, #tpu.memory_space<semaphore_mem>>)
      %mul3A_80 = arith.constant 4 : i32
      %mul3A_81 = arith.muli %scan3A_8, %mul3A_80 : i32
      %add3A_82 = arith.constant 0 : i32
      %add3A_83 = arith.addi %mul3A_81, %add3A_82 : i32
      %dma_wait3A = arith.constant 0 : i32
      %dma_wait3A_84 = arith.constant 0 : i32
      %dma_wait3A_85 = arith.constant 0 : i32
      %dma_wait3A_86 = arith.constant 0 : i32
      %dma_wait3A_87 = tpu.memref_slice %arg6[%dma_wait3A, %dma_wait3A_85, %dma_wait3A_86] : memref<4x128x32xf32, #tpu.memory_space<vmem>> -> memref<1x128x32xf32, #tpu.memory_space<vmem>>
      %dma_wait3A_88 = tpu.memref_squeeze %dma_wait3A_87 : memref<1x128x32xf32, #tpu.memory_space<vmem>> -> memref<128x32xf32, #tpu.memory_space<vmem>>
      %dma_wait3A_89 = arith.constant 0 : i32
      %dma_wait3A_90 = tpu.memref_slice %arg5[%add3A_12, %dma_wait3A_89] : memref<128x128xi32, #tpu.memory_space<vmem>> -> memref<1x128xi32, #tpu.memory_space<vmem>>
      %dma_wait3A_91 = tpu.memref_squeeze %dma_wait3A_90 : memref<1x128xi32, #tpu.memory_space<vmem>> -> memref<128xi32, #tpu.memory_space<vmem>>
      %dma_wait3A_92 = arith.constant 0 : i32
      %dma_wait3A_93 = arith.constant 0 : i32
      %dma_wait3A_94 = tpu.memref_slice %arg3[%dma_wait3A_92, %dma_wait3A_93] : memref<65536x32xf32, #tpu.memory_space<hbm>> -> memref<65536x32xf32, #tpu.memory_space<hbm>>
      %dma_wait3A_95 = tpu.memref_slice %arg7[%dma_wait3A_84] : memref<4x!tpu.dma_semaphore, #tpu.memory_space<semaphore_mem>> -> memref<1x!tpu.dma_semaphore, #tpu.memory_space<semaphore_mem>>
      %dma_wait3A_96 = tpu.memref_squeeze %dma_wait3A_95 : memref<1x!tpu.dma_semaphore, #tpu.memory_space<semaphore_mem>> -> memref<!tpu.dma_semaphore, #tpu.memory_space<semaphore_mem>>
      tpu.wait_indirect_dma semaphore(%dma_wait3A_96 : memref<!tpu.dma_semaphore, #tpu.memory_space<semaphore_mem>>) src(%dma_wait3A_94 : memref<65536x32xf32, #tpu.memory_space<hbm>>) dst(%dma_wait3A_88 : memref<128x32xf32, #tpu.memory_space<vmem>>)
      %mul3A_97 = arith.constant 128 : i32
      %mul3A_98 = arith.muli %add3A_83, %mul3A_97 : i32
      %add3A_99 = arith.addi %mul3A_2, %mul3A_98 : i32
      %dma_start3A_100 = arith.constant 0 : i32
      %dma_start3A_101 = arith.constant 0 : i32
      %dma_start3A_102 = arith.constant 0 : i32
      %dma_start3A_103 = arith.constant 0 : i32
      %dma_start3A_104 = tpu.memref_slice %arg6[%dma_start3A_100, %dma_start3A_102, %dma_start3A_103] : memref<4x128x32xf32, #tpu.memory_space<vmem>> -> memref<1x128x32xf32, #tpu.memory_space<vmem>>
      %dma_start3A_105 = tpu.memref_squeeze %dma_start3A_104 : memref<1x128x32xf32, #tpu.memory_space<vmem>> -> memref<128x32xf32, #tpu.memory_space<vmem>>
      %dma_start3A_106 = arith.constant 0 : i32
      %dma_start3A_107 = tpu.memref_slice %arg4[%add3A_99, %dma_start3A_106] : memref<524288x32xf32, #tpu.memory_space<hbm>> -> memref<128x32xf32, #tpu.memory_space<hbm>>
      %dma_start3A_108 = tpu.memref_slice %arg8[%dma_start3A_101] : memref<4x!tpu.dma_semaphore, #tpu.memory_space<semaphore_mem>> -> memref<1x!tpu.dma_semaphore, #tpu.memory_space<semaphore_mem>>
      %dma_start3A_109 = tpu.memref_squeeze %dma_start3A_108 : memref<1x!tpu.dma_semaphore, #tpu.memory_space<semaphore_mem>> -> memref<!tpu.dma_semaphore, #tpu.memory_space<semaphore_mem>>
      %dma_start3A_110 = arith.constant 0 : i32
      %dma_start3A_111 = tpu.memref_slice %arg4[%add3A_99, %dma_start3A_110] : memref<524288x32xf32, #tpu.memory_space<hbm>> -> memref<128x32xf32, #tpu.memory_space<hbm>>
      %dma_start3A_112 = arith.constant 0 : i32
      %dma_start3A_113 = arith.constant 0 : i32
      %dma_start3A_114 = tpu.memref_slice %arg6[%dma_start3A_100, %dma_start3A_112, %dma_start3A_113] : memref<4x128x32xf32, #tpu.memory_space<vmem>> -> memref<1x128x32xf32, #tpu.memory_space<vmem>>
      %dma_start3A_115 = tpu.memref_squeeze %dma_start3A_114 : memref<1x128x32xf32, #tpu.memory_space<vmem>> -> memref<128x32xf32, #tpu.memory_space<vmem>>
      tpu.enqueue_dma source(%dma_start3A_115 : memref<128x32xf32, #tpu.memory_space<vmem>>) target(%dma_start3A_111 : memref<128x32xf32, #tpu.memory_space<hbm>>) target_semaphore(%dma_start3A_109 : memref<!tpu.dma_semaphore, #tpu.memory_space<semaphore_mem>>)
      %mul3A_116 = arith.constant 4 : i32
      %mul3A_117 = arith.muli %scan3A_8, %mul3A_116 : i32
      %add3A_118 = arith.constant 1 : i32
      %add3A_119 = arith.addi %mul3A_117, %add3A_118 : i32
      %dma_wait3A_120 = arith.constant 1 : i32
      %dma_wait3A_121 = arith.constant 1 : i32
      %dma_wait3A_122 = arith.constant 0 : i32
      %dma_wait3A_123 = arith.constant 0 : i32
      %dma_wait3A_124 = tpu.memref_slice %arg6[%dma_wait3A_120, %dma_wait3A_122, %dma_wait3A_123] : memref<4x128x32xf32, #tpu.memory_space<vmem>> -> memref<1x128x32xf32, #tpu.memory_space<vmem>>
      %dma_wait3A_125 = tpu.memref_squeeze %dma_wait3A_124 : memref<1x128x32xf32, #tpu.memory_space<vmem>> -> memref<128x32xf32, #tpu.memory_space<vmem>>
      %dma_wait3A_126 = arith.constant 0 : i32
      %dma_wait3A_127 = tpu.memref_slice %arg5[%add3A_29, %dma_wait3A_126] : memref<128x128xi32, #tpu.memory_space<vmem>> -> memref<1x128xi32, #tpu.memory_space<vmem>>
      %dma_wait3A_128 = tpu.memref_squeeze %dma_wait3A_127 : memref<1x128xi32, #tpu.memory_space<vmem>> -> memref<128xi32, #tpu.memory_space<vmem>>
      %dma_wait3A_129 = arith.constant 0 : i32
      %dma_wait3A_130 = arith.constant 0 : i32
      %dma_wait3A_131 = tpu.memref_slice %arg3[%dma_wait3A_129, %dma_wait3A_130] : memref<65536x32xf32, #tpu.memory_space<hbm>> -> memref<65536x32xf32, #tpu.memory_space<hbm>>
      %dma_wait3A_132 = tpu.memref_slice %arg7[%dma_wait3A_121] : memref<4x!tpu.dma_semaphore, #tpu.memory_space<semaphore_mem>> -> memref<1x!tpu.dma_semaphore, #tpu.memory_space<semaphore_mem>>
      %dma_wait3A_133 = tpu.memref_squeeze %dma_wait3A_132 : memref<1x!tpu.dma_semaphore, #tpu.memory_space<semaphore_mem>> -> memref<!tpu.dma_semaphore, #tpu.memory_space<semaphore_mem>>
      tpu.wait_indirect_dma semaphore(%dma_wait3A_133 : memref<!tpu.dma_semaphore, #tpu.memory_space<semaphore_mem>>) src(%dma_wait3A_131 : memref<65536x32xf32, #tpu.memory_space<hbm>>) dst(%dma_wait3A_125 : memref<128x32xf32, #tpu.memory_space<vmem>>)
      %mul3A_134 = arith.constant 128 : i32
      %mul3A_135 = arith.muli %add3A_119, %mul3A_134 : i32
      %add3A_136 = arith.addi %mul3A_2, %mul3A_135 : i32
      %dma_start3A_137 = arith.constant 1 : i32
      %dma_start3A_138 = arith.constant 1 : i32
      %dma_start3A_139 = arith.constant 0 : i32
      %dma_start3A_140 = arith.constant 0 : i32
      %dma_start3A_141 = tpu.memref_slice %arg6[%dma_start3A_137, %dma_start3A_139, %dma_start3A_140] : memref<4x128x32xf32, #tpu.memory_space<vmem>> -> memref<1x128x32xf32, #tpu.memory_space<vmem>>
      %dma_start3A_142 = tpu.memref_squeeze %dma_start3A_141 : memref<1x128x32xf32, #tpu.memory_space<vmem>> -> memref<128x32xf32, #tpu.memory_space<vmem>>
      %dma_start3A_143 = arith.constant 0 : i32
      %dma_start3A_144 = tpu.memref_slice %arg4[%add3A_136, %dma_start3A_143] : memref<524288x32xf32, #tpu.memory_space<hbm>> -> memref<128x32xf32, #tpu.memory_space<hbm>>
      %dma_start3A_145 = tpu.memref_slice %arg8[%dma_start3A_138] : memref<4x!tpu.dma_semaphore, #tpu.memory_space<semaphore_mem>> -> memref<1x!tpu.dma_semaphore, #tpu.memory_space<semaphore_mem>>
      %dma_start3A_146 = tpu.memref_squeeze %dma_start3A_145 : memref<1x!tpu.dma_semaphore, #tpu.memory_space<semaphore_mem>> -> memref<!tpu.dma_semaphore, #tpu.memory_space<semaphore_mem>>
      %dma_start3A_147 = arith.constant 0 : i32
      %dma_start3A_148 = tpu.memref_slice %arg4[%add3A_136, %dma_start3A_147] : memref<524288x32xf32, #tpu.memory_space<hbm>> -> memref<128x32xf32, #tpu.memory_space<hbm>>
      %dma_start3A_149 = arith.constant 0 : i32
      %dma_start3A_150 = arith.constant 0 : i32
      %dma_start3A_151 = tpu.memref_slice %arg6[%dma_start3A_137, %dma_start3A_149, %dma_start3A_150] : memref<4x128x32xf32, #tpu.memory_space<vmem>> -> memref<1x128x32xf32, #tpu.memory_space<vmem>>
      %dma_start3A_152 = tpu.memref_squeeze %dma_start3A_151 : memref<1x128x32xf32, #tpu.memory_space<vmem>> -> memref<128x32xf32, #tpu.memory_space<vmem>>
      tpu.enqueue_dma source(%dma_start3A_152 : memref<128x32xf32, #tpu.memory_space<vmem>>) target(%dma_start3A_148 : memref<128x32xf32, #tpu.memory_space<hbm>>) target_semaphore(%dma_start3A_146 : memref<!tpu.dma_semaphore, #tpu.memory_space<semaphore_mem>>)
      %mul3A_153 = arith.constant 4 : i32
      %mul3A_154 = arith.muli %scan3A_8, %mul3A_153 : i32
      %add3A_155 = arith.constant 2 : i32
      %add3A_156 = arith.addi %mul3A_154, %add3A_155 : i32
      %dma_wait3A_157 = arith.constant 2 : i32
      %dma_wait3A_158 = arith.constant 2 : i32
      %dma_wait3A_159 = arith.constant 0 : i32
      %dma_wait3A_160 = arith.constant 0 : i32
      %dma_wait3A_161 = tpu.memref_slice %arg6[%dma_wait3A_157, %dma_wait3A_159, %dma_wait3A_160] : memref<4x128x32xf32, #tpu.memory_space<vmem>> -> memref<1x128x32xf32, #tpu.memory_space<vmem>>
      %dma_wait3A_162 = tpu.memref_squeeze %dma_wait3A_161 : memref<1x128x32xf32, #tpu.memory_space<vmem>> -> memref<128x32xf32, #tpu.memory_space<vmem>>
      %dma_wait3A_163 = arith.constant 0 : i32
      %dma_wait3A_164 = tpu.memref_slice %arg5[%add3A_47, %dma_wait3A_163] : memref<128x128xi32, #tpu.memory_space<vmem>> -> memref<1x128xi32, #tpu.memory_space<vmem>>
      %dma_wait3A_165 = tpu.memref_squeeze %dma_wait3A_164 : memref<1x128xi32, #tpu.memory_space<vmem>> -> memref<128xi32, #tpu.memory_space<vmem>>
      %dma_wait3A_166 = arith.constant 0 : i32
      %dma_wait3A_167 = arith.constant 0 : i32
      %dma_wait3A_168 = tpu.memref_slice %arg3[%dma_wait3A_166, %dma_wait3A_167] : memref<65536x32xf32, #tpu.memory_space<hbm>> -> memref<65536x32xf32, #tpu.memory_space<hbm>>
      %dma_wait3A_169 = tpu.memref_slice %arg7[%dma_wait3A_158] : memref<4x!tpu.dma_semaphore, #tpu.memory_space<semaphore_mem>> -> memref<1x!tpu.dma_semaphore, #tpu.memory_space<semaphore_mem>>
      %dma_wait3A_170 = tpu.memref_squeeze %dma_wait3A_169 : memref<1x!tpu.dma_semaphore, #tpu.memory_space<semaphore_mem>> -> memref<!tpu.dma_semaphore, #tpu.memory_space<semaphore_mem>>
      tpu.wait_indirect_dma semaphore(%dma_wait3A_170 : memref<!tpu.dma_semaphore, #tpu.memory_space<semaphore_mem>>) src(%dma_wait3A_168 : memref<65536x32xf32, #tpu.memory_space<hbm>>) dst(%dma_wait3A_162 : memref<128x32xf32, #tpu.memory_space<vmem>>)
      %mul3A_171 = arith.constant 128 : i32
      %mul3A_172 = arith.muli %add3A_156, %mul3A_171 : i32
      %add3A_173 = arith.addi %mul3A_2, %mul3A_172 : i32
      %dma_start3A_174 = arith.constant 2 : i32
      %dma_start3A_175 = arith.constant 2 : i32
      %dma_start3A_176 = arith.constant 0 : i32
      %dma_start3A_177 = arith.constant 0 : i32
      %dma_start3A_178 = tpu.memref_slice %arg6[%dma_start3A_174, %dma_start3A_176, %dma_start3A_177] : memref<4x128x32xf32, #tpu.memory_space<vmem>> -> memref<1x128x32xf32, #tpu.memory_space<vmem>>
      %dma_start3A_179 = tpu.memref_squeeze %dma_start3A_178 : memref<1x128x32xf32, #tpu.memory_space<vmem>> -> memref<128x32xf32, #tpu.memory_space<vmem>>
      %dma_start3A_180 = arith.constant 0 : i32
      %dma_start3A_181 = tpu.memref_slice %arg4[%add3A_173, %dma_start3A_180] : memref<524288x32xf32, #tpu.memory_space<hbm>> -> memref<128x32xf32, #tpu.memory_space<hbm>>
      %dma_start3A_182 = tpu.memref_slice %arg8[%dma_start3A_175] : memref<4x!tpu.dma_semaphore, #tpu.memory_space<semaphore_mem>> -> memref<1x!tpu.dma_semaphore, #tpu.memory_space<semaphore_mem>>
      %dma_start3A_183 = tpu.memref_squeeze %dma_start3A_182 : memref<1x!tpu.dma_semaphore, #tpu.memory_space<semaphore_mem>> -> memref<!tpu.dma_semaphore, #tpu.memory_space<semaphore_mem>>
      %dma_start3A_184 = arith.constant 0 : i32
      %dma_start3A_185 = tpu.memref_slice %arg4[%add3A_173, %dma_start3A_184] : memref<524288x32xf32, #tpu.memory_space<hbm>> -> memref<128x32xf32, #tpu.memory_space<hbm>>
      %dma_start3A_186 = arith.constant 0 : i32
      %dma_start3A_187 = arith.constant 0 : i32
      %dma_start3A_188 = tpu.memref_slice %arg6[%dma_start3A_174, %dma_start3A_186, %dma_start3A_187] : memref<4x128x32xf32, #tpu.memory_space<vmem>> -> memref<1x128x32xf32, #tpu.memory_space<vmem>>
      %dma_start3A_189 = tpu.memref_squeeze %dma_start3A_188 : memref<1x128x32xf32, #tpu.memory_space<vmem>> -> memref<128x32xf32, #tpu.memory_space<vmem>>
      tpu.enqueue_dma source(%dma_start3A_189 : memref<128x32xf32, #tpu.memory_space<vmem>>) target(%dma_start3A_185 : memref<128x32xf32, #tpu.memory_space<hbm>>) target_semaphore(%dma_start3A_183 : memref<!tpu.dma_semaphore, #tpu.memory_space<semaphore_mem>>)
      %mul3A_190 = arith.constant 4 : i32
      %mul3A_191 = arith.muli %scan3A_8, %mul3A_190 : i32
      %add3A_192 = arith.constant 3 : i32
      %add3A_193 = arith.addi %mul3A_191, %add3A_192 : i32
      %dma_wait3A_194 = arith.constant 3 : i32
      %dma_wait3A_195 = arith.constant 3 : i32
      %dma_wait3A_196 = arith.constant 0 : i32
      %dma_wait3A_197 = arith.constant 0 : i32
      %dma_wait3A_198 = tpu.memref_slice %arg6[%dma_wait3A_194, %dma_wait3A_196, %dma_wait3A_197] : memref<4x128x32xf32, #tpu.memory_space<vmem>> -> memref<1x128x32xf32, #tpu.memory_space<vmem>>
      %dma_wait3A_199 = tpu.memref_squeeze %dma_wait3A_198 : memref<1x128x32xf32, #tpu.memory_space<vmem>> -> memref<128x32xf32, #tpu.memory_space<vmem>>
      %dma_wait3A_200 = arith.constant 0 : i32
      %dma_wait3A_201 = tpu.memref_slice %arg5[%add3A_65, %dma_wait3A_200] : memref<128x128xi32, #tpu.memory_space<vmem>> -> memref<1x128xi32, #tpu.memory_space<vmem>>
      %dma_wait3A_202 = tpu.memref_squeeze %dma_wait3A_201 : memref<1x128xi32, #tpu.memory_space<vmem>> -> memref<128xi32, #tpu.memory_space<vmem>>
      %dma_wait3A_203 = arith.constant 0 : i32
      %dma_wait3A_204 = arith.constant 0 : i32
      %dma_wait3A_205 = tpu.memref_slice %arg3[%dma_wait3A_203, %dma_wait3A_204] : memref<65536x32xf32, #tpu.memory_space<hbm>> -> memref<65536x32xf32, #tpu.memory_space<hbm>>
      %dma_wait3A_206 = tpu.memref_slice %arg7[%dma_wait3A_195] : memref<4x!tpu.dma_semaphore, #tpu.memory_space<semaphore_mem>> -> memref<1x!tpu.dma_semaphore, #tpu.memory_space<semaphore_mem>>
      %dma_wait3A_207 = tpu.memref_squeeze %dma_wait3A_206 : memref<1x!tpu.dma_semaphore, #tpu.memory_space<semaphore_mem>> -> memref<!tpu.dma_semaphore, #tpu.memory_space<semaphore_mem>>
      tpu.wait_indirect_dma semaphore(%dma_wait3A_207 : memref<!tpu.dma_semaphore, #tpu.memory_space<semaphore_mem>>) src(%dma_wait3A_205 : memref<65536x32xf32, #tpu.memory_space<hbm>>) dst(%dma_wait3A_199 : memref<128x32xf32, #tpu.memory_space<vmem>>)
      %mul3A_208 = arith.constant 128 : i32
      %mul3A_209 = arith.muli %add3A_193, %mul3A_208 : i32
      %add3A_210 = arith.addi %mul3A_2, %mul3A_209 : i32
      %dma_start3A_211 = arith.constant 3 : i32
      %dma_start3A_212 = arith.constant 3 : i32
      %dma_start3A_213 = arith.constant 0 : i32
      %dma_start3A_214 = arith.constant 0 : i32
      %dma_start3A_215 = tpu.memref_slice %arg6[%dma_start3A_211, %dma_start3A_213, %dma_start3A_214] : memref<4x128x32xf32, #tpu.memory_space<vmem>> -> memref<1x128x32xf32, #tpu.memory_space<vmem>>
      %dma_start3A_216 = tpu.memref_squeeze %dma_start3A_215 : memref<1x128x32xf32, #tpu.memory_space<vmem>> -> memref<128x32xf32, #tpu.memory_space<vmem>>
      %dma_start3A_217 = arith.constant 0 : i32
      %dma_start3A_218 = tpu.memref_slice %arg4[%add3A_210, %dma_start3A_217] : memref<524288x32xf32, #tpu.memory_space<hbm>> -> memref<128x32xf32, #tpu.memory_space<hbm>>
      %dma_start3A_219 = tpu.memref_slice %arg8[%dma_start3A_212] : memref<4x!tpu.dma_semaphore, #tpu.memory_space<semaphore_mem>> -> memref<1x!tpu.dma_semaphore, #tpu.memory_space<semaphore_mem>>
      %dma_start3A_220 = tpu.memref_squeeze %dma_start3A_219 : memref<1x!tpu.dma_semaphore, #tpu.memory_space<semaphore_mem>> -> memref<!tpu.dma_semaphore, #tpu.memory_space<semaphore_mem>>
      %dma_start3A_221 = arith.constant 0 : i32
      %dma_start3A_222 = tpu.memref_slice %arg4[%add3A_210, %dma_start3A_221] : memref<524288x32xf32, #tpu.memory_space<hbm>> -> memref<128x32xf32, #tpu.memory_space<hbm>>
      %dma_start3A_223 = arith.constant 0 : i32
      %dma_start3A_224 = arith.constant 0 : i32
      %dma_start3A_225 = tpu.memref_slice %arg6[%dma_start3A_211, %dma_start3A_223, %dma_start3A_224] : memref<4x128x32xf32, #tpu.memory_space<vmem>> -> memref<1x128x32xf32, #tpu.memory_space<vmem>>
      %dma_start3A_226 = tpu.memref_squeeze %dma_start3A_225 : memref<1x128x32xf32, #tpu.memory_space<vmem>> -> memref<128x32xf32, #tpu.memory_space<vmem>>
      tpu.enqueue_dma source(%dma_start3A_226 : memref<128x32xf32, #tpu.memory_space<vmem>>) target(%dma_start3A_222 : memref<128x32xf32, #tpu.memory_space<hbm>>) target_semaphore(%dma_start3A_220 : memref<!tpu.dma_semaphore, #tpu.memory_space<semaphore_mem>>)
      %dma_wait3A_227 = arith.constant 0 : i32
      %dma_wait3A_228 = arith.constant 0 : i32
      %dma_wait3A_229 = arith.constant 0 : i32
      %dma_wait3A_230 = arith.constant 0 : i32
      %dma_wait3A_231 = tpu.memref_slice %arg6[%dma_wait3A_227, %dma_wait3A_229, %dma_wait3A_230] : memref<4x128x32xf32, #tpu.memory_space<vmem>> -> memref<1x128x32xf32, #tpu.memory_space<vmem>>
      %dma_wait3A_232 = tpu.memref_squeeze %dma_wait3A_231 : memref<1x128x32xf32, #tpu.memory_space<vmem>> -> memref<128x32xf32, #tpu.memory_space<vmem>>
      %dma_wait3A_233 = arith.constant 0 : i32
      %dma_wait3A_234 = tpu.memref_slice %arg4[%add3A_99, %dma_wait3A_233] : memref<524288x32xf32, #tpu.memory_space<hbm>> -> memref<128x32xf32, #tpu.memory_space<hbm>>
      %dma_wait3A_235 = tpu.memref_slice %arg8[%dma_wait3A_228] : memref<4x!tpu.dma_semaphore, #tpu.memory_space<semaphore_mem>> -> memref<1x!tpu.dma_semaphore, #tpu.memory_space<semaphore_mem>>
      %dma_wait3A_236 = tpu.memref_squeeze %dma_wait3A_235 : memref<1x!tpu.dma_semaphore, #tpu.memory_space<semaphore_mem>> -> memref<!tpu.dma_semaphore, #tpu.memory_space<semaphore_mem>>
      %dma_wait3A_237 = arith.constant 0 : i32
      %dma_wait3A_238 = tpu.memref_slice %arg4[%add3A_99, %dma_wait3A_237] : memref<524288x32xf32, #tpu.memory_space<hbm>> -> memref<128x32xf32, #tpu.memory_space<hbm>>
      %dma_wait3A_239 = arith.constant 0 : i32
      %dma_wait3A_240 = arith.constant 0 : i32
      %dma_wait3A_241 = tpu.memref_slice %arg6[%dma_wait3A_227, %dma_wait3A_239, %dma_wait3A_240] : memref<4x128x32xf32, #tpu.memory_space<vmem>> -> memref<1x128x32xf32, #tpu.memory_space<vmem>>
      %dma_wait3A_242 = tpu.memref_squeeze %dma_wait3A_241 : memref<1x128x32xf32, #tpu.memory_space<vmem>> -> memref<128x32xf32, #tpu.memory_space<vmem>>
      tpu.wait_dma2 semaphore(%dma_wait3A_236 : memref<!tpu.dma_semaphore, #tpu.memory_space<semaphore_mem>>) src(%dma_wait3A_242 : memref<128x32xf32, #tpu.memory_space<vmem>>) dst(%dma_wait3A_238 : memref<128x32xf32, #tpu.memory_space<hbm>>)
      %dma_wait3A_243 = arith.constant 1 : i32
      %dma_wait3A_244 = arith.constant 1 : i32
      %dma_wait3A_245 = arith.constant 0 : i32
      %dma_wait3A_246 = arith.constant 0 : i32
      %dma_wait3A_247 = tpu.memref_slice %arg6[%dma_wait3A_243, %dma_wait3A_245, %dma_wait3A_246] : memref<4x128x32xf32, #tpu.memory_space<vmem>> -> memref<1x128x32xf32, #tpu.memory_space<vmem>>
      %dma_wait3A_248 = tpu.memref_squeeze %dma_wait3A_247 : memref<1x128x32xf32, #tpu.memory_space<vmem>> -> memref<128x32xf32, #tpu.memory_space<vmem>>
      %dma_wait3A_249 = arith.constant 0 : i32
      %dma_wait3A_250 = tpu.memref_slice %arg4[%add3A_136, %dma_wait3A_249] : memref<524288x32xf32, #tpu.memory_space<hbm>> -> memref<128x32xf32, #tpu.memory_space<hbm>>
      %dma_wait3A_251 = tpu.memref_slice %arg8[%dma_wait3A_244] : memref<4x!tpu.dma_semaphore, #tpu.memory_space<semaphore_mem>> -> memref<1x!tpu.dma_semaphore, #tpu.memory_space<semaphore_mem>>
      %dma_wait3A_252 = tpu.memref_squeeze %dma_wait3A_251 : memref<1x!tpu.dma_semaphore, #tpu.memory_space<semaphore_mem>> -> memref<!tpu.dma_semaphore, #tpu.memory_space<semaphore_mem>>
      %dma_wait3A_253 = arith.constant 0 : i32
      %dma_wait3A_254 = tpu.memref_slice %arg4[%add3A_136, %dma_wait3A_253] : memref<524288x32xf32, #tpu.memory_space<hbm>> -> memref<128x32xf32, #tpu.memory_space<hbm>>
      %dma_wait3A_255 = arith.constant 0 : i32
      %dma_wait3A_256 = arith.constant 0 : i32
      %dma_wait3A_257 = tpu.memref_slice %arg6[%dma_wait3A_243, %dma_wait3A_255, %dma_wait3A_256] : memref<4x128x32xf32, #tpu.memory_space<vmem>> -> memref<1x128x32xf32, #tpu.memory_space<vmem>>
      %dma_wait3A_258 = tpu.memref_squeeze %dma_wait3A_257 : memref<1x128x32xf32, #tpu.memory_space<vmem>> -> memref<128x32xf32, #tpu.memory_space<vmem>>
      tpu.wait_dma2 semaphore(%dma_wait3A_252 : memref<!tpu.dma_semaphore, #tpu.memory_space<semaphore_mem>>) src(%dma_wait3A_258 : memref<128x32xf32, #tpu.memory_space<vmem>>) dst(%dma_wait3A_254 : memref<128x32xf32, #tpu.memory_space<hbm>>)
      %dma_wait3A_259 = arith.constant 2 : i32
      %dma_wait3A_260 = arith.constant 2 : i32
      %dma_wait3A_261 = arith.constant 0 : i32
      %dma_wait3A_262 = arith.constant 0 : i32
      %dma_wait3A_263 = tpu.memref_slice %arg6[%dma_wait3A_259, %dma_wait3A_261, %dma_wait3A_262] : memref<4x128x32xf32, #tpu.memory_space<vmem>> -> memref<1x128x32xf32, #tpu.memory_space<vmem>>
      %dma_wait3A_264 = tpu.memref_squeeze %dma_wait3A_263 : memref<1x128x32xf32, #tpu.memory_space<vmem>> -> memref<128x32xf32, #tpu.memory_space<vmem>>
      %dma_wait3A_265 = arith.constant 0 : i32
      %dma_wait3A_266 = tpu.memref_slice %arg4[%add3A_173, %dma_wait3A_265] : memref<524288x32xf32, #tpu.memory_space<hbm>> -> memref<128x32xf32, #tpu.memory_space<hbm>>
      %dma_wait3A_267 = tpu.memref_slice %arg8[%dma_wait3A_260] : memref<4x!tpu.dma_semaphore, #tpu.memory_space<semaphore_mem>> -> memref<1x!tpu.dma_semaphore, #tpu.memory_space<semaphore_mem>>
      %dma_wait3A_268 = tpu.memref_squeeze %dma_wait3A_267 : memref<1x!tpu.dma_semaphore, #tpu.memory_space<semaphore_mem>> -> memref<!tpu.dma_semaphore, #tpu.memory_space<semaphore_mem>>
      %dma_wait3A_269 = arith.constant 0 : i32
      %dma_wait3A_270 = tpu.memref_slice %arg4[%add3A_173, %dma_wait3A_269] : memref<524288x32xf32, #tpu.memory_space<hbm>> -> memref<128x32xf32, #tpu.memory_space<hbm>>
      %dma_wait3A_271 = arith.constant 0 : i32
      %dma_wait3A_272 = arith.constant 0 : i32
      %dma_wait3A_273 = tpu.memref_slice %arg6[%dma_wait3A_259, %dma_wait3A_271, %dma_wait3A_272] : memref<4x128x32xf32, #tpu.memory_space<vmem>> -> memref<1x128x32xf32, #tpu.memory_space<vmem>>
      %dma_wait3A_274 = tpu.memref_squeeze %dma_wait3A_273 : memref<1x128x32xf32, #tpu.memory_space<vmem>> -> memref<128x32xf32, #tpu.memory_space<vmem>>
      tpu.wait_dma2 semaphore(%dma_wait3A_268 : memref<!tpu.dma_semaphore, #tpu.memory_space<semaphore_mem>>) src(%dma_wait3A_274 : memref<128x32xf32, #tpu.memory_space<vmem>>) dst(%dma_wait3A_270 : memref<128x32xf32, #tpu.memory_space<hbm>>)
      %dma_wait3A_275 = arith.constant 3 : i32
      %dma_wait3A_276 = arith.constant 3 : i32
      %dma_wait3A_277 = arith.constant 0 : i32
      %dma_wait3A_278 = arith.constant 0 : i32
      %dma_wait3A_279 = tpu.memref_slice %arg6[%dma_wait3A_275, %dma_wait3A_277, %dma_wait3A_278] : memref<4x128x32xf32, #tpu.memory_space<vmem>> -> memref<1x128x32xf32, #tpu.memory_space<vmem>>
      %dma_wait3A_280 = tpu.memref_squeeze %dma_wait3A_279 : memref<1x128x32xf32, #tpu.memory_space<vmem>> -> memref<128x32xf32, #tpu.memory_space<vmem>>
      %dma_wait3A_281 = arith.constant 0 : i32
      %dma_wait3A_282 = tpu.memref_slice %arg4[%add3A_210, %dma_wait3A_281] : memref<524288x32xf32, #tpu.memory_space<hbm>> -> memref<128x32xf32, #tpu.memory_space<hbm>>
      %dma_wait3A_283 = tpu.memref_slice %arg8[%dma_wait3A_276] : memref<4x!tpu.dma_semaphore, #tpu.memory_space<semaphore_mem>> -> memref<1x!tpu.dma_semaphore, #tpu.memory_space<semaphore_mem>>
      %dma_wait3A_284 = tpu.memref_squeeze %dma_wait3A_283 : memref<1x!tpu.dma_semaphore, #tpu.memory_space<semaphore_mem>> -> memref<!tpu.dma_semaphore, #tpu.memory_space<semaphore_mem>>
      %dma_wait3A_285 = arith.constant 0 : i32
      %dma_wait3A_286 = tpu.memref_slice %arg4[%add3A_210, %dma_wait3A_285] : memref<524288x32xf32, #tpu.memory_space<hbm>> -> memref<128x32xf32, #tpu.memory_space<hbm>>
      %dma_wait3A_287 = arith.constant 0 : i32
      %dma_wait3A_288 = arith.constant 0 : i32
      %dma_wait3A_289 = tpu.memref_slice %arg6[%dma_wait3A_275, %dma_wait3A_287, %dma_wait3A_288] : memref<4x128x32xf32, #tpu.memory_space<vmem>> -> memref<1x128x32xf32, #tpu.memory_space<vmem>>
      %dma_wait3A_290 = tpu.memref_squeeze %dma_wait3A_289 : memref<1x128x32xf32, #tpu.memory_space<vmem>> -> memref<128x32xf32, #tpu.memory_space<vmem>>
      tpu.wait_dma2 semaphore(%dma_wait3A_284 : memref<!tpu.dma_semaphore, #tpu.memory_space<semaphore_mem>>) src(%dma_wait3A_290 : memref<128x32xf32, #tpu.memory_space<vmem>>) dst(%dma_wait3A_286 : memref<128x32xf32, #tpu.memory_space<hbm>>)
    }
    %scan3A_7 = arith.constant 32 : i32
    return
  }
}

#map = affine_map<(d0, d1) -> (0, 0, 0)>
#map1 = affine_map<(d0, d1) -> (0, 0)>
module attributes {stable_mosaic.version = 14 : i64} {
  func.func @gather_k(%arg0: i32, %arg1: i32, %arg2: memref<32x128x128xi32, #tpu.memory_space<hbm>>, %arg3: memref<65536x32xf32, #tpu.memory_space<hbm>>, %arg4: memref<524288x32xf32, #tpu.memory_space<hbm>>, %arg5: memref<128x128xi32, #tpu.memory_space<vmem>>, %arg6: memref<4x128x32xf32, #tpu.memory_space<vmem>>, %arg7: memref<4x!tpu.dma_semaphore, #tpu.memory_space<semaphore_mem>>, %arg8: memref<4x!tpu.dma_semaphore, #tpu.memory_space<semaphore_mem>>) attributes {dimension_semantics = [#tpu.dimension_semantics<core_parallel>, #tpu.dimension_semantics<subcore_parallel>], iteration_bounds = array<i64: 2, 16>, scalar_prefetch = 0 : i64, scratch_operands = 4 : i64, tpu.core_type = #tpu.core_type<sc_vector_subcore>, window_params = [{transform_indices = #map}, {transform_indices = #map1}, {transform_indices = #map1}]} {
    %mul3A = arith.constant 2 : i32
    %mul3A_0 = arith.muli %arg1, %mul3A : i32
    %add3A = arith.addi %mul3A_0, %arg0 : i32
    %mul3A_1 = arith.constant 16384 : i32
    %mul3A_2 = arith.muli %add3A, %mul3A_1 : i32
    "tpu.region"() ({
      %run_scoped3A = tpu.sem_alloc : memref<!tpu.dma_semaphore, #tpu.memory_space<semaphore_mem>>
      %dma_start3A = arith.constant 0 : i32
      %dma_start3A_8 = arith.constant 0 : i32
      %dma_start3A_9 = tpu.memref_slice %arg2[%add3A, %dma_start3A, %dma_start3A_8] : memref<32x128x128xi32, #tpu.memory_space<hbm>> -> memref<1x128x128xi32, #tpu.memory_space<hbm>>
      %dma_start3A_10 = tpu.memref_squeeze %dma_start3A_9 : memref<1x128x128xi32, #tpu.memory_space<hbm>> -> memref<128x128xi32, #tpu.memory_space<hbm>>
      %dma_start3A_11 = arith.constant 0 : i32
      %dma_start3A_12 = arith.constant 0 : i32
      %dma_start3A_13 = tpu.memref_slice %arg2[%add3A, %dma_start3A_11, %dma_start3A_12] : memref<32x128x128xi32, #tpu.memory_space<hbm>> -> memref<1x128x128xi32, #tpu.memory_space<hbm>>
      %dma_start3A_14 = tpu.memref_squeeze %dma_start3A_13 : memref<1x128x128xi32, #tpu.memory_space<hbm>> -> memref<128x128xi32, #tpu.memory_space<hbm>>
      tpu.enqueue_dma source(%dma_start3A_14 : memref<128x128xi32, #tpu.memory_space<hbm>>) target(%arg5 : memref<128x128xi32, #tpu.memory_space<vmem>>) target_semaphore(%run_scoped3A : memref<!tpu.dma_semaphore, #tpu.memory_space<semaphore_mem>>)
      %dma_wait3A = arith.constant 0 : i32
      %dma_wait3A_15 = arith.constant 0 : i32
      %dma_wait3A_16 = tpu.memref_slice %arg2[%add3A, %dma_wait3A, %dma_wait3A_15] : memref<32x128x128xi32, #tpu.memory_space<hbm>> -> memref<1x128x128xi32, #tpu.memory_space<hbm>>
      %dma_wait3A_17 = tpu.memref_squeeze %dma_wait3A_16 : memref<1x128x128xi32, #tpu.memory_space<hbm>> -> memref<128x128xi32, #tpu.memory_space<hbm>>
      %dma_wait3A_18 = arith.constant 0 : i32
      %dma_wait3A_19 = arith.constant 0 : i32
      %dma_wait3A_20 = tpu.memref_slice %arg2[%add3A, %dma_wait3A_18, %dma_wait3A_19] : memref<32x128x128xi32, #tpu.memory_space<hbm>> -> memref<1x128x128xi32, #tpu.memory_space<hbm>>
      %dma_wait3A_21 = tpu.memref_squeeze %dma_wait3A_20 : memref<1x128x128xi32, #tpu.memory_space<hbm>> -> memref<128x128xi32, #tpu.memory_space<hbm>>
      tpu.wait_dma2 semaphore(%run_scoped3A : memref<!tpu.dma_semaphore, #tpu.memory_space<semaphore_mem>>) src(%dma_wait3A_21 : memref<128x128xi32, #tpu.memory_space<hbm>>) dst(%arg5 : memref<128x128xi32, #tpu.memory_space<vmem>>)
      tpu.yield
    }) : () -> ()
    %scan3A = arith.constant 0 : i32
    %scan3A_3 = arith.constant 0 : i32
    %scan3A_4 = arith.constant 32 : i32
    %scan3A_5 = arith.addi %scan3A_3, %scan3A_4 : i32
    %scan3A_6 = arith.constant 1 : i32
    scf.for %scan3A_8 = %scan3A_3 to %scan3A_5 step %scan3A_6  : i32 {
      %mul3A_9 = arith.constant 4 : i32
      %mul3A_10 = arith.muli %scan3A_8, %mul3A_9 : i32
      %add3A_11 = arith.constant 0 : i32
      %add3A_12 = arith.addi %mul3A_10, %add3A_11 : i32
      %dma_start3A = arith.constant 0 : i32
      %dma_start3A_13 = arith.constant 0 : i32
      %dma_start3A_14 = arith.constant 0 : i32
      %dma_start3A_15 = arith.constant 0 : i32
      %dma_start3A_16 = tpu.memref_slice %arg6[%dma_start3A, %dma_start3A_14, %dma_start3A_15] : memref<4x128x32xf32, #tpu.memory_space<vmem>> -> memref<1x128x32xf32, #tpu.memory_space<vmem>>
      %dma_start3A_17 = tpu.memref_squeeze %dma_start3A_16 : memref<1x128x32xf32, #tpu.memory_space<vmem>> -> memref<128x32xf32, #tpu.memory_space<vmem>>
      %dma_start3A_18 = arith.constant 0 : i32
      %dma_start3A_19 = tpu.memref_slice %arg5[%add3A_12, %dma_start3A_18] : memref<128x128xi32, #tpu.memory_space<vmem>> -> memref<1x128xi32, #tpu.memory_space<vmem>>
      %dma_start3A_20 = tpu.memref_squeeze %dma_start3A_19 : memref<1x128xi32, #tpu.memory_space<vmem>> -> memref<128xi32, #tpu.memory_space<vmem>>
      %dma_start3A_21 = arith.constant 0 : i32
      %dma_start3A_22 = arith.constant 0 : i32
      %dma_start3A_23 = tpu.memref_slice %arg3[%dma_start3A_21, %dma_start3A_22] : memref<65536x32xf32, #tpu.memory_space<hbm>> -> memref<65536x32xf32, #tpu.memory_space<hbm>>
      %dma_start3A_24 = tpu.memref_slice %arg7[%dma_start3A_13] : memref<4x!tpu.dma_semaphore, #tpu.memory_space<semaphore_mem>> -> memref<1x!tpu.dma_semaphore, #tpu.memory_space<semaphore_mem>>
      %dma_start3A_25 = tpu.memref_squeeze %dma_start3A_24 : memref<1x!tpu.dma_semaphore, #tpu.memory_space<semaphore_mem>> -> memref<!tpu.dma_semaphore, #tpu.memory_space<semaphore_mem>>
      tpu.enqueue_indirect_dma source(%dma_start3A_23 : memref<65536x32xf32, #tpu.memory_space<hbm>>) target(%dma_start3A_17 : memref<128x32xf32, #tpu.memory_space<vmem>>) offsets(%dma_start3A_20 : memref<128xi32, #tpu.memory_space<vmem>>) semaphore(%dma_start3A_25 : memref<!tpu.dma_semaphore, #tpu.memory_space<semaphore_mem>>)
      %mul3A_26 = arith.constant 4 : i32
      %mul3A_27 = arith.muli %scan3A_8, %mul3A_26 : i32
      %add3A_28 = arith.constant 1 : i32
      %add3A_29 = arith.addi %mul3A_27, %add3A_28 : i32
      %dma_start3A_30 = arith.constant 1 : i32
      %dma_start3A_31 = arith.constant 1 : i32
      %dma_start3A_32 = arith.constant 0 : i32
      %dma_start3A_33 = arith.constant 0 : i32
      %dma_start3A_34 = tpu.memref_slice %arg6[%dma_start3A_30, %dma_start3A_32, %dma_start3A_33] : memref<4x128x32xf32, #tpu.memory_space<vmem>> -> memref<1x128x32xf32, #tpu.memory_space<vmem>>
      %dma_start3A_35 = tpu.memref_squeeze %dma_start3A_34 : memref<1x128x32xf32, #tpu.memory_space<vmem>> -> memref<128x32xf32, #tpu.memory_space<vmem>>
      %dma_start3A_36 = arith.constant 0 : i32
      %dma_start3A_37 = tpu.memref_slice %arg5[%add3A_29, %dma_start3A_36] : memref<128x128xi32, #tpu.memory_space<vmem>> -> memref<1x128xi32, #tpu.memory_space<vmem>>
      %dma_start3A_38 = tpu.memref_squeeze %dma_start3A_37 : memref<1x128xi32, #tpu.memory_space<vmem>> -> memref<128xi32, #tpu.memory_space<vmem>>
      %dma_start3A_39 = arith.constant 0 : i32
      %dma_start3A_40 = arith.constant 0 : i32
      %dma_start3A_41 = tpu.memref_slice %arg3[%dma_start3A_39, %dma_start3A_40] : memref<65536x32xf32, #tpu.memory_space<hbm>> -> memref<65536x32xf32, #tpu.memory_space<hbm>>
      %dma_start3A_42 = tpu.memref_slice %arg7[%dma_start3A_31] : memref<4x!tpu.dma_semaphore, #tpu.memory_space<semaphore_mem>> -> memref<1x!tpu.dma_semaphore, #tpu.memory_space<semaphore_mem>>
      %dma_start3A_43 = tpu.memref_squeeze %dma_start3A_42 : memref<1x!tpu.dma_semaphore, #tpu.memory_space<semaphore_mem>> -> memref<!tpu.dma_semaphore, #tpu.memory_space<semaphore_mem>>
      tpu.enqueue_indirect_dma source(%dma_start3A_41 : memref<65536x32xf32, #tpu.memory_space<hbm>>) target(%dma_start3A_35 : memref<128x32xf32, #tpu.memory_space<vmem>>) offsets(%dma_start3A_38 : memref<128xi32, #tpu.memory_space<vmem>>) semaphore(%dma_start3A_43 : memref<!tpu.dma_semaphore, #tpu.memory_space<semaphore_mem>>)
      %mul3A_44 = arith.constant 4 : i32
      %mul3A_45 = arith.muli %scan3A_8, %mul3A_44 : i32
      %add3A_46 = arith.constant 2 : i32
      %add3A_47 = arith.addi %mul3A_45, %add3A_46 : i32
      %dma_start3A_48 = arith.constant 2 : i32
      %dma_start3A_49 = arith.constant 2 : i32
      %dma_start3A_50 = arith.constant 0 : i32
      %dma_start3A_51 = arith.constant 0 : i32
      %dma_start3A_52 = tpu.memref_slice %arg6[%dma_start3A_48, %dma_start3A_50, %dma_start3A_51] : memref<4x128x32xf32, #tpu.memory_space<vmem>> -> memref<1x128x32xf32, #tpu.memory_space<vmem>>
      %dma_start3A_53 = tpu.memref_squeeze %dma_start3A_52 : memref<1x128x32xf32, #tpu.memory_space<vmem>> -> memref<128x32xf32, #tpu.memory_space<vmem>>
      %dma_start3A_54 = arith.constant 0 : i32
      %dma_start3A_55 = tpu.memref_slice %arg5[%add3A_47, %dma_start3A_54] : memref<128x128xi32, #tpu.memory_space<vmem>> -> memref<1x128xi32, #tpu.memory_space<vmem>>
      %dma_start3A_56 = tpu.memref_squeeze %dma_start3A_55 : memref<1x128xi32, #tpu.memory_space<vmem>> -> memref<128xi32, #tpu.memory_space<vmem>>
      %dma_start3A_57 = arith.constant 0 : i32
      %dma_start3A_58 = arith.constant 0 : i32
      %dma_start3A_59 = tpu.memref_slice %arg3[%dma_start3A_57, %dma_start3A_58] : memref<65536x32xf32, #tpu.memory_space<hbm>> -> memref<65536x32xf32, #tpu.memory_space<hbm>>
      %dma_start3A_60 = tpu.memref_slice %arg7[%dma_start3A_49] : memref<4x!tpu.dma_semaphore, #tpu.memory_space<semaphore_mem>> -> memref<1x!tpu.dma_semaphore, #tpu.memory_space<semaphore_mem>>
      %dma_start3A_61 = tpu.memref_squeeze %dma_start3A_60 : memref<1x!tpu.dma_semaphore, #tpu.memory_space<semaphore_mem>> -> memref<!tpu.dma_semaphore, #tpu.memory_space<semaphore_mem>>
      tpu.enqueue_indirect_dma source(%dma_start3A_59 : memref<65536x32xf32, #tpu.memory_space<hbm>>) target(%dma_start3A_53 : memref<128x32xf32, #tpu.memory_space<vmem>>) offsets(%dma_start3A_56 : memref<128xi32, #tpu.memory_space<vmem>>) semaphore(%dma_start3A_61 : memref<!tpu.dma_semaphore, #tpu.memory_space<semaphore_mem>>)
      %mul3A_62 = arith.constant 4 : i32
      %mul3A_63 = arith.muli %scan3A_8, %mul3A_62 : i32
      %add3A_64 = arith.constant 3 : i32
      %add3A_65 = arith.addi %mul3A_63, %add3A_64 : i32
      %dma_start3A_66 = arith.constant 3 : i32
      %dma_start3A_67 = arith.constant 3 : i32
      %dma_start3A_68 = arith.constant 0 : i32
      %dma_start3A_69 = arith.constant 0 : i32
      %dma_start3A_70 = tpu.memref_slice %arg6[%dma_start3A_66, %dma_start3A_68, %dma_start3A_69] : memref<4x128x32xf32, #tpu.memory_space<vmem>> -> memref<1x128x32xf32, #tpu.memory_space<vmem>>
      %dma_start3A_71 = tpu.memref_squeeze %dma_start3A_70 : memref<1x128x32xf32, #tpu.memory_space<vmem>> -> memref<128x32xf32, #tpu.memory_space<vmem>>
      %dma_start3A_72 = arith.constant 0 : i32
      %dma_start3A_73 = tpu.memref_slice %arg5[%add3A_65, %dma_start3A_72] : memref<128x128xi32, #tpu.memory_space<vmem>> -> memref<1x128xi32, #tpu.memory_space<vmem>>
      %dma_start3A_74 = tpu.memref_squeeze %dma_start3A_73 : memref<1x128xi32, #tpu.memory_space<vmem>> -> memref<128xi32, #tpu.memory_space<vmem>>
      %dma_start3A_75 = arith.constant 0 : i32
      %dma_start3A_76 = arith.constant 0 : i32
      %dma_start3A_77 = tpu.memref_slice %arg3[%dma_start3A_75, %dma_start3A_76] : memref<65536x32xf32, #tpu.memory_space<hbm>> -> memref<65536x32xf32, #tpu.memory_space<hbm>>
      %dma_start3A_78 = tpu.memref_slice %arg7[%dma_start3A_67] : memref<4x!tpu.dma_semaphore, #tpu.memory_space<semaphore_mem>> -> memref<1x!tpu.dma_semaphore, #tpu.memory_space<semaphore_mem>>
      %dma_start3A_79 = tpu.memref_squeeze %dma_start3A_78 : memref<1x!tpu.dma_semaphore, #tpu.memory_space<semaphore_mem>> -> memref<!tpu.dma_semaphore, #tpu.memory_space<semaphore_mem>>
      tpu.enqueue_indirect_dma source(%dma_start3A_77 : memref<65536x32xf32, #tpu.memory_space<hbm>>) target(%dma_start3A_71 : memref<128x32xf32, #tpu.memory_space<vmem>>) offsets(%dma_start3A_74 : memref<128xi32, #tpu.memory_space<vmem>>) semaphore(%dma_start3A_79 : memref<!tpu.dma_semaphore, #tpu.memory_space<semaphore_mem>>)
      %mul3A_80 = arith.constant 4 : i32
      %mul3A_81 = arith.muli %scan3A_8, %mul3A_80 : i32
      %add3A_82 = arith.constant 0 : i32
      %add3A_83 = arith.addi %mul3A_81, %add3A_82 : i32
      %dma_wait3A = arith.constant 0 : i32
      %dma_wait3A_84 = arith.constant 0 : i32
      %dma_wait3A_85 = arith.constant 0 : i32
      %dma_wait3A_86 = arith.constant 0 : i32
      %dma_wait3A_87 = tpu.memref_slice %arg6[%dma_wait3A, %dma_wait3A_85, %dma_wait3A_86] : memref<4x128x32xf32, #tpu.memory_space<vmem>> -> memref<1x128x32xf32, #tpu.memory_space<vmem>>
      %dma_wait3A_88 = tpu.memref_squeeze %dma_wait3A_87 : memref<1x128x32xf32, #tpu.memory_space<vmem>> -> memref<128x32xf32, #tpu.memory_space<vmem>>
      %dma_wait3A_89 = arith.constant 0 : i32
      %dma_wait3A_90 = tpu.memref_slice %arg5[%add3A_12, %dma_wait3A_89] : memref<128x128xi32, #tpu.memory_space<vmem>> -> memref<1x128xi32, #tpu.memory_space<vmem>>
      %dma_wait3A_91 = tpu.memref_squeeze %dma_wait3A_90 : memref<1x128xi32, #tpu.memory_space<vmem>> -> memref<128xi32, #tpu.memory_space<vmem>>
      %dma_wait3A_92 = arith.constant 0 : i32
      %dma_wait3A_93 = arith.constant 0 : i32
      %dma_wait3A_94 = tpu.memref_slice %arg3[%dma_wait3A_92, %dma_wait3A_93] : memref<65536x32xf32, #tpu.memory_space<hbm>> -> memref<65536x32xf32, #tpu.memory_space<hbm>>
      %dma_wait3A_95 = tpu.memref_slice %arg7[%dma_wait3A_84] : memref<4x!tpu.dma_semaphore, #tpu.memory_space<semaphore_mem>> -> memref<1x!tpu.dma_semaphore, #tpu.memory_space<semaphore_mem>>
      %dma_wait3A_96 = tpu.memref_squeeze %dma_wait3A_95 : memref<1x!tpu.dma_semaphore, #tpu.memory_space<semaphore_mem>> -> memref<!tpu.dma_semaphore, #tpu.memory_space<semaphore_mem>>
      tpu.wait_indirect_dma semaphore(%dma_wait3A_96 : memref<!tpu.dma_semaphore, #tpu.memory_space<semaphore_mem>>) src(%dma_wait3A_94 : memref<65536x32xf32, #tpu.memory_space<hbm>>) dst(%dma_wait3A_88 : memref<128x32xf32, #tpu.memory_space<vmem>>)
      %mul3A_97 = arith.constant 128 : i32
      %mul3A_98 = arith.muli %add3A_83, %mul3A_97 : i32
      %add3A_99 = arith.addi %mul3A_2, %mul3A_98 : i32
      %dma_start3A_100 = arith.constant 0 : i32
      %dma_start3A_101 = arith.constant 0 : i32
      %dma_start3A_102 = arith.constant 0 : i32
      %dma_start3A_103 = arith.constant 0 : i32
      %dma_start3A_104 = tpu.memref_slice %arg6[%dma_start3A_100, %dma_start3A_102, %dma_start3A_103] : memref<4x128x32xf32, #tpu.memory_space<vmem>> -> memref<1x128x32xf32, #tpu.memory_space<vmem>>
      %dma_start3A_105 = tpu.memref_squeeze %dma_start3A_104 : memref<1x128x32xf32, #tpu.memory_space<vmem>> -> memref<128x32xf32, #tpu.memory_space<vmem>>
      %dma_start3A_106 = arith.constant 0 : i32
      %dma_start3A_107 = tpu.memref_slice %arg4[%add3A_99, %dma_start3A_106] : memref<524288x32xf32, #tpu.memory_space<hbm>> -> memref<128x32xf32, #tpu.memory_space<hbm>>
      %dma_start3A_108 = tpu.memref_slice %arg8[%dma_start3A_101] : memref<4x!tpu.dma_semaphore, #tpu.memory_space<semaphore_mem>> -> memref<1x!tpu.dma_semaphore, #tpu.memory_space<semaphore_mem>>
      %dma_start3A_109 = tpu.memref_squeeze %dma_start3A_108 : memref<1x!tpu.dma_semaphore, #tpu.memory_space<semaphore_mem>> -> memref<!tpu.dma_semaphore, #tpu.memory_space<semaphore_mem>>
      %dma_start3A_110 = arith.constant 0 : i32
      %dma_start3A_111 = tpu.memref_slice %arg4[%add3A_99, %dma_start3A_110] : memref<524288x32xf32, #tpu.memory_space<hbm>> -> memref<128x32xf32, #tpu.memory_space<hbm>>
      %dma_start3A_112 = arith.constant 0 : i32
      %dma_start3A_113 = arith.constant 0 : i32
      %dma_start3A_114 = tpu.memref_slice %arg6[%dma_start3A_100, %dma_start3A_112, %dma_start3A_113] : memref<4x128x32xf32, #tpu.memory_space<vmem>> -> memref<1x128x32xf32, #tpu.memory_space<vmem>>
      %dma_start3A_115 = tpu.memref_squeeze %dma_start3A_114 : memref<1x128x32xf32, #tpu.memory_space<vmem>> -> memref<128x32xf32, #tpu.memory_space<vmem>>
      tpu.enqueue_dma source(%dma_start3A_115 : memref<128x32xf32, #tpu.memory_space<vmem>>) target(%dma_start3A_111 : memref<128x32xf32, #tpu.memory_space<hbm>>) target_semaphore(%dma_start3A_109 : memref<!tpu.dma_semaphore, #tpu.memory_space<semaphore_mem>>)
      %mul3A_116 = arith.constant 4 : i32
      %mul3A_117 = arith.muli %scan3A_8, %mul3A_116 : i32
      %add3A_118 = arith.constant 1 : i32
      %add3A_119 = arith.addi %mul3A_117, %add3A_118 : i32
      %dma_wait3A_120 = arith.constant 1 : i32
      %dma_wait3A_121 = arith.constant 1 : i32
      %dma_wait3A_122 = arith.constant 0 : i32
      %dma_wait3A_123 = arith.constant 0 : i32
      %dma_wait3A_124 = tpu.memref_slice %arg6[%dma_wait3A_120, %dma_wait3A_122, %dma_wait3A_123] : memref<4x128x32xf32, #tpu.memory_space<vmem>> -> memref<1x128x32xf32, #tpu.memory_space<vmem>>
      %dma_wait3A_125 = tpu.memref_squeeze %dma_wait3A_124 : memref<1x128x32xf32, #tpu.memory_space<vmem>> -> memref<128x32xf32, #tpu.memory_space<vmem>>
      %dma_wait3A_126 = arith.constant 0 : i32
      %dma_wait3A_127 = tpu.memref_slice %arg5[%add3A_29, %dma_wait3A_126] : memref<128x128xi32, #tpu.memory_space<vmem>> -> memref<1x128xi32, #tpu.memory_space<vmem>>
      %dma_wait3A_128 = tpu.memref_squeeze %dma_wait3A_127 : memref<1x128xi32, #tpu.memory_space<vmem>> -> memref<128xi32, #tpu.memory_space<vmem>>
      %dma_wait3A_129 = arith.constant 0 : i32
      %dma_wait3A_130 = arith.constant 0 : i32
      %dma_wait3A_131 = tpu.memref_slice %arg3[%dma_wait3A_129, %dma_wait3A_130] : memref<65536x32xf32, #tpu.memory_space<hbm>> -> memref<65536x32xf32, #tpu.memory_space<hbm>>
      %dma_wait3A_132 = tpu.memref_slice %arg7[%dma_wait3A_121] : memref<4x!tpu.dma_semaphore, #tpu.memory_space<semaphore_mem>> -> memref<1x!tpu.dma_semaphore, #tpu.memory_space<semaphore_mem>>
      %dma_wait3A_133 = tpu.memref_squeeze %dma_wait3A_132 : memref<1x!tpu.dma_semaphore, #tpu.memory_space<semaphore_mem>> -> memref<!tpu.dma_semaphore, #tpu.memory_space<semaphore_mem>>
      tpu.wait_indirect_dma semaphore(%dma_wait3A_133 : memref<!tpu.dma_semaphore, #tpu.memory_space<semaphore_mem>>) src(%dma_wait3A_131 : memref<65536x32xf32, #tpu.memory_space<hbm>>) dst(%dma_wait3A_125 : memref<128x32xf32, #tpu.memory_space<vmem>>)
      %mul3A_134 = arith.constant 128 : i32
      %mul3A_135 = arith.muli %add3A_119, %mul3A_134 : i32
      %add3A_136 = arith.addi %mul3A_2, %mul3A_135 : i32
      %dma_start3A_137 = arith.constant 1 : i32
      %dma_start3A_138 = arith.constant 1 : i32
      %dma_start3A_139 = arith.constant 0 : i32
      %dma_start3A_140 = arith.constant 0 : i32
      %dma_start3A_141 = tpu.memref_slice %arg6[%dma_start3A_137, %dma_start3A_139, %dma_start3A_140] : memref<4x128x32xf32, #tpu.memory_space<vmem>> -> memref<1x128x32xf32, #tpu.memory_space<vmem>>
      %dma_start3A_142 = tpu.memref_squeeze %dma_start3A_141 : memref<1x128x32xf32, #tpu.memory_space<vmem>> -> memref<128x32xf32, #tpu.memory_space<vmem>>
      %dma_start3A_143 = arith.constant 0 : i32
      %dma_start3A_144 = tpu.memref_slice %arg4[%add3A_136, %dma_start3A_143] : memref<524288x32xf32, #tpu.memory_space<hbm>> -> memref<128x32xf32, #tpu.memory_space<hbm>>
      %dma_start3A_145 = tpu.memref_slice %arg8[%dma_start3A_138] : memref<4x!tpu.dma_semaphore, #tpu.memory_space<semaphore_mem>> -> memref<1x!tpu.dma_semaphore, #tpu.memory_space<semaphore_mem>>
      %dma_start3A_146 = tpu.memref_squeeze %dma_start3A_145 : memref<1x!tpu.dma_semaphore, #tpu.memory_space<semaphore_mem>> -> memref<!tpu.dma_semaphore, #tpu.memory_space<semaphore_mem>>
      %dma_start3A_147 = arith.constant 0 : i32
      %dma_start3A_148 = tpu.memref_slice %arg4[%add3A_136, %dma_start3A_147] : memref<524288x32xf32, #tpu.memory_space<hbm>> -> memref<128x32xf32, #tpu.memory_space<hbm>>
      %dma_start3A_149 = arith.constant 0 : i32
      %dma_start3A_150 = arith.constant 0 : i32
      %dma_start3A_151 = tpu.memref_slice %arg6[%dma_start3A_137, %dma_start3A_149, %dma_start3A_150] : memref<4x128x32xf32, #tpu.memory_space<vmem>> -> memref<1x128x32xf32, #tpu.memory_space<vmem>>
      %dma_start3A_152 = tpu.memref_squeeze %dma_start3A_151 : memref<1x128x32xf32, #tpu.memory_space<vmem>> -> memref<128x32xf32, #tpu.memory_space<vmem>>
      tpu.enqueue_dma source(%dma_start3A_152 : memref<128x32xf32, #tpu.memory_space<vmem>>) target(%dma_start3A_148 : memref<128x32xf32, #tpu.memory_space<hbm>>) target_semaphore(%dma_start3A_146 : memref<!tpu.dma_semaphore, #tpu.memory_space<semaphore_mem>>)
      %mul3A_153 = arith.constant 4 : i32
      %mul3A_154 = arith.muli %scan3A_8, %mul3A_153 : i32
      %add3A_155 = arith.constant 2 : i32
      %add3A_156 = arith.addi %mul3A_154, %add3A_155 : i32
      %dma_wait3A_157 = arith.constant 2 : i32
      %dma_wait3A_158 = arith.constant 2 : i32
      %dma_wait3A_159 = arith.constant 0 : i32
      %dma_wait3A_160 = arith.constant 0 : i32
      %dma_wait3A_161 = tpu.memref_slice %arg6[%dma_wait3A_157, %dma_wait3A_159, %dma_wait3A_160] : memref<4x128x32xf32, #tpu.memory_space<vmem>> -> memref<1x128x32xf32, #tpu.memory_space<vmem>>
      %dma_wait3A_162 = tpu.memref_squeeze %dma_wait3A_161 : memref<1x128x32xf32, #tpu.memory_space<vmem>> -> memref<128x32xf32, #tpu.memory_space<vmem>>
      %dma_wait3A_163 = arith.constant 0 : i32
      %dma_wait3A_164 = tpu.memref_slice %arg5[%add3A_47, %dma_wait3A_163] : memref<128x128xi32, #tpu.memory_space<vmem>> -> memref<1x128xi32, #tpu.memory_space<vmem>>
      %dma_wait3A_165 = tpu.memref_squeeze %dma_wait3A_164 : memref<1x128xi32, #tpu.memory_space<vmem>> -> memref<128xi32, #tpu.memory_space<vmem>>
      %dma_wait3A_166 = arith.constant 0 : i32
      %dma_wait3A_167 = arith.constant 0 : i32
      %dma_wait3A_168 = tpu.memref_slice %arg3[%dma_wait3A_166, %dma_wait3A_167] : memref<65536x32xf32, #tpu.memory_space<hbm>> -> memref<65536x32xf32, #tpu.memory_space<hbm>>
      %dma_wait3A_169 = tpu.memref_slice %arg7[%dma_wait3A_158] : memref<4x!tpu.dma_semaphore, #tpu.memory_space<semaphore_mem>> -> memref<1x!tpu.dma_semaphore, #tpu.memory_space<semaphore_mem>>
      %dma_wait3A_170 = tpu.memref_squeeze %dma_wait3A_169 : memref<1x!tpu.dma_semaphore, #tpu.memory_space<semaphore_mem>> -> memref<!tpu.dma_semaphore, #tpu.memory_space<semaphore_mem>>
      tpu.wait_indirect_dma semaphore(%dma_wait3A_170 : memref<!tpu.dma_semaphore, #tpu.memory_space<semaphore_mem>>) src(%dma_wait3A_168 : memref<65536x32xf32, #tpu.memory_space<hbm>>) dst(%dma_wait3A_162 : memref<128x32xf32, #tpu.memory_space<vmem>>)
      %mul3A_171 = arith.constant 128 : i32
      %mul3A_172 = arith.muli %add3A_156, %mul3A_171 : i32
      %add3A_173 = arith.addi %mul3A_2, %mul3A_172 : i32
      %dma_start3A_174 = arith.constant 2 : i32
      %dma_start3A_175 = arith.constant 2 : i32
      %dma_start3A_176 = arith.constant 0 : i32
      %dma_start3A_177 = arith.constant 0 : i32
      %dma_start3A_178 = tpu.memref_slice %arg6[%dma_start3A_174, %dma_start3A_176, %dma_start3A_177] : memref<4x128x32xf32, #tpu.memory_space<vmem>> -> memref<1x128x32xf32, #tpu.memory_space<vmem>>
      %dma_start3A_179 = tpu.memref_squeeze %dma_start3A_178 : memref<1x128x32xf32, #tpu.memory_space<vmem>> -> memref<128x32xf32, #tpu.memory_space<vmem>>
      %dma_start3A_180 = arith.constant 0 : i32
      %dma_start3A_181 = tpu.memref_slice %arg4[%add3A_173, %dma_start3A_180] : memref<524288x32xf32, #tpu.memory_space<hbm>> -> memref<128x32xf32, #tpu.memory_space<hbm>>
      %dma_start3A_182 = tpu.memref_slice %arg8[%dma_start3A_175] : memref<4x!tpu.dma_semaphore, #tpu.memory_space<semaphore_mem>> -> memref<1x!tpu.dma_semaphore, #tpu.memory_space<semaphore_mem>>
      %dma_start3A_183 = tpu.memref_squeeze %dma_start3A_182 : memref<1x!tpu.dma_semaphore, #tpu.memory_space<semaphore_mem>> -> memref<!tpu.dma_semaphore, #tpu.memory_space<semaphore_mem>>
      %dma_start3A_184 = arith.constant 0 : i32
      %dma_start3A_185 = tpu.memref_slice %arg4[%add3A_173, %dma_start3A_184] : memref<524288x32xf32, #tpu.memory_space<hbm>> -> memref<128x32xf32, #tpu.memory_space<hbm>>
      %dma_start3A_186 = arith.constant 0 : i32
      %dma_start3A_187 = arith.constant 0 : i32
      %dma_start3A_188 = tpu.memref_slice %arg6[%dma_start3A_174, %dma_start3A_186, %dma_start3A_187] : memref<4x128x32xf32, #tpu.memory_space<vmem>> -> memref<1x128x32xf32, #tpu.memory_space<vmem>>
      %dma_start3A_189 = tpu.memref_squeeze %dma_start3A_188 : memref<1x128x32xf32, #tpu.memory_space<vmem>> -> memref<128x32xf32, #tpu.memory_space<vmem>>
      tpu.enqueue_dma source(%dma_start3A_189 : memref<128x32xf32, #tpu.memory_space<vmem>>) target(%dma_start3A_185 : memref<128x32xf32, #tpu.memory_space<hbm>>) target_semaphore(%dma_start3A_183 : memref<!tpu.dma_semaphore, #tpu.memory_space<semaphore_mem>>)
      %mul3A_190 = arith.constant 4 : i32
      %mul3A_191 = arith.muli %scan3A_8, %mul3A_190 : i32
      %add3A_192 = arith.constant 3 : i32
      %add3A_193 = arith.addi %mul3A_191, %add3A_192 : i32
      %dma_wait3A_194 = arith.constant 3 : i32
      %dma_wait3A_195 = arith.constant 3 : i32
      %dma_wait3A_196 = arith.constant 0 : i32
      %dma_wait3A_197 = arith.constant 0 : i32
      %dma_wait3A_198 = tpu.memref_slice %arg6[%dma_wait3A_194, %dma_wait3A_196, %dma_wait3A_197] : memref<4x128x32xf32, #tpu.memory_space<vmem>> -> memref<1x128x32xf32, #tpu.memory_space<vmem>>
      %dma_wait3A_199 = tpu.memref_squeeze %dma_wait3A_198 : memref<1x128x32xf32, #tpu.memory_space<vmem>> -> memref<128x32xf32, #tpu.memory_space<vmem>>
      %dma_wait3A_200 = arith.constant 0 : i32
      %dma_wait3A_201 = tpu.memref_slice %arg5[%add3A_65, %dma_wait3A_200] : memref<128x128xi32, #tpu.memory_space<vmem>> -> memref<1x128xi32, #tpu.memory_space<vmem>>
      %dma_wait3A_202 = tpu.memref_squeeze %dma_wait3A_201 : memref<1x128xi32, #tpu.memory_space<vmem>> -> memref<128xi32, #tpu.memory_space<vmem>>
      %dma_wait3A_203 = arith.constant 0 : i32
      %dma_wait3A_204 = arith.constant 0 : i32
      %dma_wait3A_205 = tpu.memref_slice %arg3[%dma_wait3A_203, %dma_wait3A_204] : memref<65536x32xf32, #tpu.memory_space<hbm>> -> memref<65536x32xf32, #tpu.memory_space<hbm>>
      %dma_wait3A_206 = tpu.memref_slice %arg7[%dma_wait3A_195] : memref<4x!tpu.dma_semaphore, #tpu.memory_space<semaphore_mem>> -> memref<1x!tpu.dma_semaphore, #tpu.memory_space<semaphore_mem>>
      %dma_wait3A_207 = tpu.memref_squeeze %dma_wait3A_206 : memref<1x!tpu.dma_semaphore, #tpu.memory_space<semaphore_mem>> -> memref<!tpu.dma_semaphore, #tpu.memory_space<semaphore_mem>>
      tpu.wait_indirect_dma semaphore(%dma_wait3A_207 : memref<!tpu.dma_semaphore, #tpu.memory_space<semaphore_mem>>) src(%dma_wait3A_205 : memref<65536x32xf32, #tpu.memory_space<hbm>>) dst(%dma_wait3A_199 : memref<128x32xf32, #tpu.memory_space<vmem>>)
      %mul3A_208 = arith.constant 128 : i32
      %mul3A_209 = arith.muli %add3A_193, %mul3A_208 : i32
      %add3A_210 = arith.addi %mul3A_2, %mul3A_209 : i32
      %dma_start3A_211 = arith.constant 3 : i32
      %dma_start3A_212 = arith.constant 3 : i32
      %dma_start3A_213 = arith.constant 0 : i32
      %dma_start3A_214 = arith.constant 0 : i32
      %dma_start3A_215 = tpu.memref_slice %arg6[%dma_start3A_211, %dma_start3A_213, %dma_start3A_214] : memref<4x128x32xf32, #tpu.memory_space<vmem>> -> memref<1x128x32xf32, #tpu.memory_space<vmem>>
      %dma_start3A_216 = tpu.memref_squeeze %dma_start3A_215 : memref<1x128x32xf32, #tpu.memory_space<vmem>> -> memref<128x32xf32, #tpu.memory_space<vmem>>
      %dma_start3A_217 = arith.constant 0 : i32
      %dma_start3A_218 = tpu.memref_slice %arg4[%add3A_210, %dma_start3A_217] : memref<524288x32xf32, #tpu.memory_space<hbm>> -> memref<128x32xf32, #tpu.memory_space<hbm>>
      %dma_start3A_219 = tpu.memref_slice %arg8[%dma_start3A_212] : memref<4x!tpu.dma_semaphore, #tpu.memory_space<semaphore_mem>> -> memref<1x!tpu.dma_semaphore, #tpu.memory_space<semaphore_mem>>
      %dma_start3A_220 = tpu.memref_squeeze %dma_start3A_219 : memref<1x!tpu.dma_semaphore, #tpu.memory_space<semaphore_mem>> -> memref<!tpu.dma_semaphore, #tpu.memory_space<semaphore_mem>>
      %dma_start3A_221 = arith.constant 0 : i32
      %dma_start3A_222 = tpu.memref_slice %arg4[%add3A_210, %dma_start3A_221] : memref<524288x32xf32, #tpu.memory_space<hbm>> -> memref<128x32xf32, #tpu.memory_space<hbm>>
      %dma_start3A_223 = arith.constant 0 : i32
      %dma_start3A_224 = arith.constant 0 : i32
      %dma_start3A_225 = tpu.memref_slice %arg6[%dma_start3A_211, %dma_start3A_223, %dma_start3A_224] : memref<4x128x32xf32, #tpu.memory_space<vmem>> -> memref<1x128x32xf32, #tpu.memory_space<vmem>>
      %dma_start3A_226 = tpu.memref_squeeze %dma_start3A_225 : memref<1x128x32xf32, #tpu.memory_space<vmem>> -> memref<128x32xf32, #tpu.memory_space<vmem>>
      tpu.enqueue_dma source(%dma_start3A_226 : memref<128x32xf32, #tpu.memory_space<vmem>>) target(%dma_start3A_222 : memref<128x32xf32, #tpu.memory_space<hbm>>) target_semaphore(%dma_start3A_220 : memref<!tpu.dma_semaphore, #tpu.memory_space<semaphore_mem>>)
      %dma_wait3A_227 = arith.constant 0 : i32
      %dma_wait3A_228 = arith.constant 0 : i32
      %dma_wait3A_229 = arith.constant 0 : i32
      %dma_wait3A_230 = arith.constant 0 : i32
      %dma_wait3A_231 = tpu.memref_slice %arg6[%dma_wait3A_227, %dma_wait3A_229, %dma_wait3A_230] : memref<4x128x32xf32, #tpu.memory_space<vmem>> -> memref<1x128x32xf32, #tpu.memory_space<vmem>>
      %dma_wait3A_232 = tpu.memref_squeeze %dma_wait3A_231 : memref<1x128x32xf32, #tpu.memory_space<vmem>> -> memref<128x32xf32, #tpu.memory_space<vmem>>
      %dma_wait3A_233 = arith.constant 0 : i32
      %dma_wait3A_234 = tpu.memref_slice %arg4[%add3A_99, %dma_wait3A_233] : memref<524288x32xf32, #tpu.memory_space<hbm>> -> memref<128x32xf32, #tpu.memory_space<hbm>>
      %dma_wait3A_235 = tpu.memref_slice %arg8[%dma_wait3A_228] : memref<4x!tpu.dma_semaphore, #tpu.memory_space<semaphore_mem>> -> memref<1x!tpu.dma_semaphore, #tpu.memory_space<semaphore_mem>>
      %dma_wait3A_236 = tpu.memref_squeeze %dma_wait3A_235 : memref<1x!tpu.dma_semaphore, #tpu.memory_space<semaphore_mem>> -> memref<!tpu.dma_semaphore, #tpu.memory_space<semaphore_mem>>
      %dma_wait3A_237 = arith.constant 0 : i32
      %dma_wait3A_238 = tpu.memref_slice %arg4[%add3A_99, %dma_wait3A_237] : memref<524288x32xf32, #tpu.memory_space<hbm>> -> memref<128x32xf32, #tpu.memory_space<hbm>>
      %dma_wait3A_239 = arith.constant 0 : i32
      %dma_wait3A_240 = arith.constant 0 : i32
      %dma_wait3A_241 = tpu.memref_slice %arg6[%dma_wait3A_227, %dma_wait3A_239, %dma_wait3A_240] : memref<4x128x32xf32, #tpu.memory_space<vmem>> -> memref<1x128x32xf32, #tpu.memory_space<vmem>>
      %dma_wait3A_242 = tpu.memref_squeeze %dma_wait3A_241 : memref<1x128x32xf32, #tpu.memory_space<vmem>> -> memref<128x32xf32, #tpu.memory_space<vmem>>
      tpu.wait_dma2 semaphore(%dma_wait3A_236 : memref<!tpu.dma_semaphore, #tpu.memory_space<semaphore_mem>>) src(%dma_wait3A_242 : memref<128x32xf32, #tpu.memory_space<vmem>>) dst(%dma_wait3A_238 : memref<128x32xf32, #tpu.memory_space<hbm>>)
      %dma_wait3A_243 = arith.constant 1 : i32
      %dma_wait3A_244 = arith.constant 1 : i32
      %dma_wait3A_245 = arith.constant 0 : i32
      %dma_wait3A_246 = arith.constant 0 : i32
      %dma_wait3A_247 = tpu.memref_slice %arg6[%dma_wait3A_243, %dma_wait3A_245, %dma_wait3A_246] : memref<4x128x32xf32, #tpu.memory_space<vmem>> -> memref<1x128x32xf32, #tpu.memory_space<vmem>>
      %dma_wait3A_248 = tpu.memref_squeeze %dma_wait3A_247 : memref<1x128x32xf32, #tpu.memory_space<vmem>> -> memref<128x32xf32, #tpu.memory_space<vmem>>
      %dma_wait3A_249 = arith.constant 0 : i32
      %dma_wait3A_250 = tpu.memref_slice %arg4[%add3A_136, %dma_wait3A_249] : memref<524288x32xf32, #tpu.memory_space<hbm>> -> memref<128x32xf32, #tpu.memory_space<hbm>>
      %dma_wait3A_251 = tpu.memref_slice %arg8[%dma_wait3A_244] : memref<4x!tpu.dma_semaphore, #tpu.memory_space<semaphore_mem>> -> memref<1x!tpu.dma_semaphore, #tpu.memory_space<semaphore_mem>>
      %dma_wait3A_252 = tpu.memref_squeeze %dma_wait3A_251 : memref<1x!tpu.dma_semaphore, #tpu.memory_space<semaphore_mem>> -> memref<!tpu.dma_semaphore, #tpu.memory_space<semaphore_mem>>
      %dma_wait3A_253 = arith.constant 0 : i32
      %dma_wait3A_254 = tpu.memref_slice %arg4[%add3A_136, %dma_wait3A_253] : memref<524288x32xf32, #tpu.memory_space<hbm>> -> memref<128x32xf32, #tpu.memory_space<hbm>>
      %dma_wait3A_255 = arith.constant 0 : i32
      %dma_wait3A_256 = arith.constant 0 : i32
      %dma_wait3A_257 = tpu.memref_slice %arg6[%dma_wait3A_243, %dma_wait3A_255, %dma_wait3A_256] : memref<4x128x32xf32, #tpu.memory_space<vmem>> -> memref<1x128x32xf32, #tpu.memory_space<vmem>>
      %dma_wait3A_258 = tpu.memref_squeeze %dma_wait3A_257 : memref<1x128x32xf32, #tpu.memory_space<vmem>> -> memref<128x32xf32, #tpu.memory_space<vmem>>
      tpu.wait_dma2 semaphore(%dma_wait3A_252 : memref<!tpu.dma_semaphore, #tpu.memory_space<semaphore_mem>>) src(%dma_wait3A_258 : memref<128x32xf32, #tpu.memory_space<vmem>>) dst(%dma_wait3A_254 : memref<128x32xf32, #tpu.memory_space<hbm>>)
      %dma_wait3A_259 = arith.constant 2 : i32
      %dma_wait3A_260 = arith.constant 2 : i32
      %dma_wait3A_261 = arith.constant 0 : i32
      %dma_wait3A_262 = arith.constant 0 : i32
      %dma_wait3A_263 = tpu.memref_slice %arg6[%dma_wait3A_259, %dma_wait3A_261, %dma_wait3A_262] : memref<4x128x32xf32, #tpu.memory_space<vmem>> -> memref<1x128x32xf32, #tpu.memory_space<vmem>>
      %dma_wait3A_264 = tpu.memref_squeeze %dma_wait3A_263 : memref<1x128x32xf32, #tpu.memory_space<vmem>> -> memref<128x32xf32, #tpu.memory_space<vmem>>
      %dma_wait3A_265 = arith.constant 0 : i32
      %dma_wait3A_266 = tpu.memref_slice %arg4[%add3A_173, %dma_wait3A_265] : memref<524288x32xf32, #tpu.memory_space<hbm>> -> memref<128x32xf32, #tpu.memory_space<hbm>>
      %dma_wait3A_267 = tpu.memref_slice %arg8[%dma_wait3A_260] : memref<4x!tpu.dma_semaphore, #tpu.memory_space<semaphore_mem>> -> memref<1x!tpu.dma_semaphore, #tpu.memory_space<semaphore_mem>>
      %dma_wait3A_268 = tpu.memref_squeeze %dma_wait3A_267 : memref<1x!tpu.dma_semaphore, #tpu.memory_space<semaphore_mem>> -> memref<!tpu.dma_semaphore, #tpu.memory_space<semaphore_mem>>
      %dma_wait3A_269 = arith.constant 0 : i32
      %dma_wait3A_270 = tpu.memref_slice %arg4[%add3A_173, %dma_wait3A_269] : memref<524288x32xf32, #tpu.memory_space<hbm>> -> memref<128x32xf32, #tpu.memory_space<hbm>>
      %dma_wait3A_271 = arith.constant 0 : i32
      %dma_wait3A_272 = arith.constant 0 : i32
      %dma_wait3A_273 = tpu.memref_slice %arg6[%dma_wait3A_259, %dma_wait3A_271, %dma_wait3A_272] : memref<4x128x32xf32, #tpu.memory_space<vmem>> -> memref<1x128x32xf32, #tpu.memory_space<vmem>>
      %dma_wait3A_274 = tpu.memref_squeeze %dma_wait3A_273 : memref<1x128x32xf32, #tpu.memory_space<vmem>> -> memref<128x32xf32, #tpu.memory_space<vmem>>
      tpu.wait_dma2 semaphore(%dma_wait3A_268 : memref<!tpu.dma_semaphore, #tpu.memory_space<semaphore_mem>>) src(%dma_wait3A_274 : memref<128x32xf32, #tpu.memory_space<vmem>>) dst(%dma_wait3A_270 : memref<128x32xf32, #tpu.memory_space<hbm>>)
      %dma_wait3A_275 = arith.constant 3 : i32
      %dma_wait3A_276 = arith.constant 3 : i32
      %dma_wait3A_277 = arith.constant 0 : i32
      %dma_wait3A_278 = arith.constant 0 : i32
      %dma_wait3A_279 = tpu.memref_slice %arg6[%dma_wait3A_275, %dma_wait3A_277, %dma_wait3A_278] : memref<4x128x32xf32, #tpu.memory_space<vmem>> -> memref<1x128x32xf32, #tpu.memory_space<vmem>>
      %dma_wait3A_280 = tpu.memref_squeeze %dma_wait3A_279 : memref<1x128x32xf32, #tpu.memory_space<vmem>> -> memref<128x32xf32, #tpu.memory_space<vmem>>
      %dma_wait3A_281 = arith.constant 0 : i32
      %dma_wait3A_282 = tpu.memref_slice %arg4[%add3A_210, %dma_wait3A_281] : memref<524288x32xf32, #tpu.memory_space<hbm>> -> memref<128x32xf32, #tpu.memory_space<hbm>>
      %dma_wait3A_283 = tpu.memref_slice %arg8[%dma_wait3A_276] : memref<4x!tpu.dma_semaphore, #tpu.memory_space<semaphore_mem>> -> memref<1x!tpu.dma_semaphore, #tpu.memory_space<semaphore_mem>>
      %dma_wait3A_284 = tpu.memref_squeeze %dma_wait3A_283 : memref<1x!tpu.dma_semaphore, #tpu.memory_space<semaphore_mem>> -> memref<!tpu.dma_semaphore, #tpu.memory_space<semaphore_mem>>
      %dma_wait3A_285 = arith.constant 0 : i32
      %dma_wait3A_286 = tpu.memref_slice %arg4[%add3A_210, %dma_wait3A_285] : memref<524288x32xf32, #tpu.memory_space<hbm>> -> memref<128x32xf32, #tpu.memory_space<hbm>>
      %dma_wait3A_287 = arith.constant 0 : i32
      %dma_wait3A_288 = arith.constant 0 : i32
      %dma_wait3A_289 = tpu.memref_slice %arg6[%dma_wait3A_275, %dma_wait3A_287, %dma_wait3A_288] : memref<4x128x32xf32, #tpu.memory_space<vmem>> -> memref<1x128x32xf32, #tpu.memory_space<vmem>>
      %dma_wait3A_290 = tpu.memref_squeeze %dma_wait3A_289 : memref<1x128x32xf32, #tpu.memory_space<vmem>> -> memref<128x32xf32, #tpu.memory_space<vmem>>
      tpu.wait_dma2 semaphore(%dma_wait3A_284 : memref<!tpu.dma_semaphore, #tpu.memory_space<semaphore_mem>>) src(%dma_wait3A_290 : memref<128x32xf32, #tpu.memory_space<vmem>>) dst(%dma_wait3A_286 : memref<128x32xf32, #tpu.memory_space<hbm>>)
    }
    %scan3A_7 = arith.constant 32 : i32
    return
  }
}

module attributes {stable_mosaic.version = 14 : i64} {
  func.func @_topk_body(%arg0: i32, %arg1: memref<1x512x8xf32, #tpu.memory_space<vmem>>, %arg2: memref<1x8x512xf32, #tpu.memory_space<vmem>>, %arg3: memref<1x512x16xi32, #tpu.memory_space<vmem>>) attributes {dimension_semantics = [#tpu.dimension_semantics<arbitrary>], iteration_bounds = array<i64: 64>, scalar_prefetch = 0 : i64, scratch_operands = 0 : i64, tpu.core_type = #tpu.core_type<tc>, window_params = [{transform_indices = @transform_0, window_bounds = array<i64: 1, 512, 8>}, {transform_indices = @transform_1, window_bounds = array<i64: 1, 8, 512>}, {transform_indices = @transform_2, window_bounds = array<i64: 1, 512, 16>}]} {
    %add3A = arith.constant 64 : i32
    %add3A_0 = arith.addi %arg0, %add3A : i32
    %get3A = arith.constant 0 : index
    %get3A_1 = arith.constant 0 : index
    %get3A_2 = arith.constant 0 : index
    %get3A_3 = vector.load %arg1[%get3A, %get3A_1, %get3A_2] : memref<1x512x8xf32, #tpu.memory_space<vmem>>, vector<1x512x8xf32>
    %get3A_4 = vector.shape_cast %get3A_3 : vector<1x512x8xf32> to vector<512x8xf32>
    %get3A_5 = arith.constant 0 : index
    %get3A_6 = arith.constant 0 : index
    %get3A_7 = arith.constant 0 : index
    %get3A_8 = vector.load %arg2[%get3A_5, %get3A_6, %get3A_7] : memref<1x8x512xf32, #tpu.memory_space<vmem>>, vector<1x8x512xf32>
    %get3A_9 = vector.shape_cast %get3A_8 : vector<1x8x512xf32> to vector<8x512xf32>
    %dot_general3A = arith.constant dense<0.000000e+00> : vector<512x512xf32>
    %dot_general3A_10 = tpu.matmul %get3A_4, %get3A_9, %dot_general3A {dimension_numbers = #tpu.dot_dimension_numbers<[1], [0], [0], [1], [0, 0, 1, 1], [], []>, transpose_lhs_hint = false} : vector<512x8xf32>, vector<8x512xf32>, vector<512x512xf32> -> vector<512x512xf32>
    %mul3A = arith.mulf %get3A_4, %get3A_4 : vector<512x8xf32>
    %reduce_sum3A = arith.constant dense<0.000000e+00> : vector<512xf32>
    %reduce_sum3A_11 = vector.multi_reduction <add>, %mul3A, %reduce_sum3A [1] : vector<512x8xf32> to vector<512xf32>
    %broadcast_in_dim3A = vector.shape_cast %reduce_sum3A_11 : vector<512xf32> to vector<512x1xf32>
    %mul3A_12 = arith.mulf %get3A_9, %get3A_9 : vector<8x512xf32>
    %reduce_sum3A_13 = arith.constant dense<0.000000e+00> : vector<512xf32>
    %reduce_sum3A_14 = vector.multi_reduction <add>, %mul3A_12, %reduce_sum3A_13 [0] : vector<8x512xf32> to vector<512xf32>
    %broadcast_in_dim3A_15 = vector.shape_cast %reduce_sum3A_14 : vector<512xf32> to vector<1x512xf32>
    %mul3A_16 = arith.constant 2.000000e+00 : f32
    %mul3A_17 = vector.broadcast %mul3A_16 : f32 to vector<512x512xf32>
    %mul3A_18 = arith.mulf %mul3A_17, %dot_general3A_10 : vector<512x512xf32>
    %sub3A = vector.broadcast %broadcast_in_dim3A : vector<512x1xf32> to vector<512x512xf32>
    %sub3A_19 = arith.subf %sub3A, %mul3A_18 : vector<512x512xf32>
    %add3A_20 = vector.broadcast %broadcast_in_dim3A_15 : vector<1x512xf32> to vector<512x512xf32>
    %add3A_21 = arith.addf %sub3A_19, %add3A_20 : vector<512x512xf32>
    %add3A_22 = arith.constant 9.99999974E-6 : f32
    %add3A_23 = vector.broadcast %add3A_22 : f32 to vector<512x512xf32>
    %add3A_24 = arith.addf %add3A_21, %add3A_23 : vector<512x512xf32>
    %slice3A = vector.extract_strided_slice %add3A_24 {offsets = [0, 0], sizes = [512, 256], strides = [1, 1]} : vector<512x512xf32> to vector<512x256xf32>
    %slice3A_25 = vector.extract_strided_slice %add3A_24 {offsets = [0, 256], sizes = [512, 256], strides = [1, 1]} : vector<512x512xf32> to vector<512x256xf32>
    %iota3A = tpu.iota {dimensions = array<i32: 1>} : vector<512x256xi32>
    %convert_element_type3A = arith.sitofp %iota3A : vector<512x256xi32> to vector<512x256xf32>
    %le3A = arith.cmpf ole, %slice3A, %slice3A_25 : vector<512x256xf32>
    %min3A = arith.minimumf %slice3A, %slice3A_25 : vector<512x256xf32>
    %max3A = arith.maximumf %slice3A, %slice3A_25 : vector<512x256xf32>
    %add3A_26 = arith.constant 2.560000e+02 : f32
    %add3A_27 = vector.broadcast %add3A_26 : f32 to vector<512x256xf32>
    %add3A_28 = arith.addf %convert_element_type3A, %add3A_27 : vector<512x256xf32>
    %select_n3A = arith.select %le3A, %convert_element_type3A, %add3A_28 : vector<512x256xi1>, vector<512x256xf32>
    %mul3A_29 = arith.constant 2.000000e+00 : f32
    %mul3A_30 = vector.broadcast %mul3A_29 : f32 to vector<512x256xf32>
    %mul3A_31 = arith.mulf %mul3A_30, %convert_element_type3A : vector<512x256xf32>
    %add3A_32 = arith.constant 2.560000e+02 : f32
    %add3A_33 = vector.broadcast %add3A_32 : f32 to vector<512x256xf32>
    %add3A_34 = arith.addf %mul3A_31, %add3A_33 : vector<512x256xf32>
    %reduce_min3A = arith.constant dense<0x7F800000> : vector<512xf32>
    %reduce_min3A_35 = vector.multi_reduction <minimumf>, %min3A, %reduce_min3A [1] : vector<512x256xf32> to vector<512xf32>
    %broadcast_in_dim3A_36 = vector.shape_cast %reduce_min3A_35 : vector<512xf32> to vector<512x1xf32>
    %eq3A = vector.broadcast %broadcast_in_dim3A_36 : vector<512x1xf32> to vector<512x256xf32>
    %eq3A_37 = arith.cmpf oeq, %min3A, %eq3A : vector<512x256xf32>
    %jit3A = arith.constant 1.024000e+03 : f32
    %broadcast_in_dim3A_38 = vector.broadcast %jit3A : f32 to vector<512x256xf32>
    %select_n3A_39 = arith.select %eq3A_37, %select_n3A, %broadcast_in_dim3A_38 : vector<512x256xi1>, vector<512x256xf32>
    %reduce_min3A_40 = arith.constant dense<0x7F800000> : vector<512xf32>
    %reduce_min3A_41 = vector.multi_reduction <minimumf>, %select_n3A_39, %reduce_min3A_40 [1] : vector<512x256xf32> to vector<512xf32>
    %broadcast_in_dim3A_42 = vector.shape_cast %reduce_min3A_41 : vector<512xf32> to vector<512x1xf32>
    %eq3A_43 = vector.broadcast %broadcast_in_dim3A_42 : vector<512x1xf32> to vector<512x256xf32>
    %eq3A_44 = arith.cmpf oeq, %select_n3A_39, %eq3A_43 : vector<512x256xf32>
    %select_n3A_45 = arith.select %eq3A_44, %max3A, %min3A : vector<512x256xi1>, vector<512x256xf32>
    %sub3A_46 = arith.subf %add3A_34, %select_n3A : vector<512x256xf32>
    %select_n3A_47 = arith.select %eq3A_44, %sub3A_46, %select_n3A : vector<512x256xi1>, vector<512x256xf32>
    %jit3A_48 = arith.constant 0x7F800000 : f32
    %broadcast_in_dim3A_49 = vector.broadcast %jit3A_48 : f32 to vector<512x256xf32>
    %select_n3A_50 = arith.select %eq3A_44, %broadcast_in_dim3A_49, %max3A : vector<512x256xi1>, vector<512x256xf32>
    %reduce_min3A_51 = arith.constant dense<0x7F800000> : vector<512xf32>
    %reduce_min3A_52 = vector.multi_reduction <minimumf>, %select_n3A_45, %reduce_min3A_51 [1] : vector<512x256xf32> to vector<512xf32>
    %broadcast_in_dim3A_53 = vector.shape_cast %reduce_min3A_52 : vector<512xf32> to vector<512x1xf32>
    %eq3A_54 = vector.broadcast %broadcast_in_dim3A_53 : vector<512x1xf32> to vector<512x256xf32>
    %eq3A_55 = arith.cmpf oeq, %select_n3A_45, %eq3A_54 : vector<512x256xf32>
    %jit3A_56 = arith.constant 1.024000e+03 : f32
    %broadcast_in_dim3A_57 = vector.broadcast %jit3A_56 : f32 to vector<512x256xf32>
    %select_n3A_58 = arith.select %eq3A_55, %select_n3A_47, %broadcast_in_dim3A_57 : vector<512x256xi1>, vector<512x256xf32>
    %reduce_min3A_59 = arith.constant dense<0x7F800000> : vector<512xf32>
    %reduce_min3A_60 = vector.multi_reduction <minimumf>, %select_n3A_58, %reduce_min3A_59 [1] : vector<512x256xf32> to vector<512xf32>
    %broadcast_in_dim3A_61 = vector.shape_cast %reduce_min3A_60 : vector<512xf32> to vector<512x1xf32>
    %eq3A_62 = vector.broadcast %broadcast_in_dim3A_61 : vector<512x1xf32> to vector<512x256xf32>
    %eq3A_63 = arith.cmpf oeq, %select_n3A_58, %eq3A_62 : vector<512x256xf32>
    %select_n3A_64 = arith.select %eq3A_63, %select_n3A_50, %select_n3A_45 : vector<512x256xi1>, vector<512x256xf32>
    %sub3A_65 = arith.subf %add3A_34, %select_n3A_47 : vector<512x256xf32>
    %select_n3A_66 = arith.select %eq3A_63, %sub3A_65, %select_n3A_47 : vector<512x256xi1>, vector<512x256xf32>
    %jit3A_67 = arith.constant 0x7F800000 : f32
    %broadcast_in_dim3A_68 = vector.broadcast %jit3A_67 : f32 to vector<512x256xf32>
    %select_n3A_69 = arith.select %eq3A_63, %broadcast_in_dim3A_68, %select_n3A_50 : vector<512x256xi1>, vector<512x256xf32>
    %reduce_min3A_70 = arith.constant dense<0x7F800000> : vector<512xf32>
    %reduce_min3A_71 = vector.multi_reduction <minimumf>, %select_n3A_64, %reduce_min3A_70 [1] : vector<512x256xf32> to vector<512xf32>
    %broadcast_in_dim3A_72 = vector.shape_cast %reduce_min3A_71 : vector<512xf32> to vector<512x1xf32>
    %eq3A_73 = vector.broadcast %broadcast_in_dim3A_72 : vector<512x1xf32> to vector<512x256xf32>
    %eq3A_74 = arith.cmpf oeq, %select_n3A_64, %eq3A_73 : vector<512x256xf32>
    %jit3A_75 = arith.constant 1.024000e+03 : f32
    %broadcast_in_dim3A_76 = vector.broadcast %jit3A_75 : f32 to vector<512x256xf32>
    %select_n3A_77 = arith.select %eq3A_74, %select_n3A_66, %broadcast_in_dim3A_76 : vector<512x256xi1>, vector<512x256xf32>
    %reduce_min3A_78 = arith.constant dense<0x7F800000> : vector<512xf32>
    %reduce_min3A_79 = vector.multi_reduction <minimumf>, %select_n3A_77, %reduce_min3A_78 [1] : vector<512x256xf32> to vector<512xf32>
    %broadcast_in_dim3A_80 = vector.shape_cast %reduce_min3A_79 : vector<512xf32> to vector<512x1xf32>
    %eq3A_81 = vector.broadcast %broadcast_in_dim3A_80 : vector<512x1xf32> to vector<512x256xf32>
    %eq3A_82 = arith.cmpf oeq, %select_n3A_77, %eq3A_81 : vector<512x256xf32>
    %select_n3A_83 = arith.select %eq3A_82, %select_n3A_69, %select_n3A_64 : vector<512x256xi1>, vector<512x256xf32>
    %sub3A_84 = arith.subf %add3A_34, %select_n3A_66 : vector<512x256xf32>
    %select_n3A_85 = arith.select %eq3A_82, %sub3A_84, %select_n3A_66 : vector<512x256xi1>, vector<512x256xf32>
    %jit3A_86 = arith.constant 0x7F800000 : f32
    %broadcast_in_dim3A_87 = vector.broadcast %jit3A_86 : f32 to vector<512x256xf32>
    %select_n3A_88 = arith.select %eq3A_82, %broadcast_in_dim3A_87, %select_n3A_69 : vector<512x256xi1>, vector<512x256xf32>
    %reduce_min3A_89 = arith.constant dense<0x7F800000> : vector<512xf32>
    %reduce_min3A_90 = vector.multi_reduction <minimumf>, %select_n3A_83, %reduce_min3A_89 [1] : vector<512x256xf32> to vector<512xf32>
    %broadcast_in_dim3A_91 = vector.shape_cast %reduce_min3A_90 : vector<512xf32> to vector<512x1xf32>
    %eq3A_92 = vector.broadcast %broadcast_in_dim3A_91 : vector<512x1xf32> to vector<512x256xf32>
    %eq3A_93 = arith.cmpf oeq, %select_n3A_83, %eq3A_92 : vector<512x256xf32>
    %jit3A_94 = arith.constant 1.024000e+03 : f32
    %broadcast_in_dim3A_95 = vector.broadcast %jit3A_94 : f32 to vector<512x256xf32>
    %select_n3A_96 = arith.select %eq3A_93, %select_n3A_85, %broadcast_in_dim3A_95 : vector<512x256xi1>, vector<512x256xf32>
    %reduce_min3A_97 = arith.constant dense<0x7F800000> : vector<512xf32>
    %reduce_min3A_98 = vector.multi_reduction <minimumf>, %select_n3A_96, %reduce_min3A_97 [1] : vector<512x256xf32> to vector<512xf32>
    %broadcast_in_dim3A_99 = vector.shape_cast %reduce_min3A_98 : vector<512xf32> to vector<512x1xf32>
    %eq3A_100 = vector.broadcast %broadcast_in_dim3A_99 : vector<512x1xf32> to vector<512x256xf32>
    %eq3A_101 = arith.cmpf oeq, %select_n3A_96, %eq3A_100 : vector<512x256xf32>
    %select_n3A_102 = arith.select %eq3A_101, %select_n3A_88, %select_n3A_83 : vector<512x256xi1>, vector<512x256xf32>
    %sub3A_103 = arith.subf %add3A_34, %select_n3A_85 : vector<512x256xf32>
    %select_n3A_104 = arith.select %eq3A_101, %sub3A_103, %select_n3A_85 : vector<512x256xi1>, vector<512x256xf32>
    %jit3A_105 = arith.constant 0x7F800000 : f32
    %broadcast_in_dim3A_106 = vector.broadcast %jit3A_105 : f32 to vector<512x256xf32>
    %select_n3A_107 = arith.select %eq3A_101, %broadcast_in_dim3A_106, %select_n3A_88 : vector<512x256xi1>, vector<512x256xf32>
    %reduce_min3A_108 = arith.constant dense<0x7F800000> : vector<512xf32>
    %reduce_min3A_109 = vector.multi_reduction <minimumf>, %select_n3A_102, %reduce_min3A_108 [1] : vector<512x256xf32> to vector<512xf32>
    %broadcast_in_dim3A_110 = vector.shape_cast %reduce_min3A_109 : vector<512xf32> to vector<512x1xf32>
    %eq3A_111 = vector.broadcast %broadcast_in_dim3A_110 : vector<512x1xf32> to vector<512x256xf32>
    %eq3A_112 = arith.cmpf oeq, %select_n3A_102, %eq3A_111 : vector<512x256xf32>
    %jit3A_113 = arith.constant 1.024000e+03 : f32
    %broadcast_in_dim3A_114 = vector.broadcast %jit3A_113 : f32 to vector<512x256xf32>
    %select_n3A_115 = arith.select %eq3A_112, %select_n3A_104, %broadcast_in_dim3A_114 : vector<512x256xi1>, vector<512x256xf32>
    %reduce_min3A_116 = arith.constant dense<0x7F800000> : vector<512xf32>
    %reduce_min3A_117 = vector.multi_reduction <minimumf>, %select_n3A_115, %reduce_min3A_116 [1] : vector<512x256xf32> to vector<512xf32>
    %broadcast_in_dim3A_118 = vector.shape_cast %reduce_min3A_117 : vector<512xf32> to vector<512x1xf32>
    %eq3A_119 = vector.broadcast %broadcast_in_dim3A_118 : vector<512x1xf32> to vector<512x256xf32>
    %eq3A_120 = arith.cmpf oeq, %select_n3A_115, %eq3A_119 : vector<512x256xf32>
    %select_n3A_121 = arith.select %eq3A_120, %select_n3A_107, %select_n3A_102 : vector<512x256xi1>, vector<512x256xf32>
    %sub3A_122 = arith.subf %add3A_34, %select_n3A_104 : vector<512x256xf32>
    %select_n3A_123 = arith.select %eq3A_120, %sub3A_122, %select_n3A_104 : vector<512x256xi1>, vector<512x256xf32>
    %jit3A_124 = arith.constant 0x7F800000 : f32
    %broadcast_in_dim3A_125 = vector.broadcast %jit3A_124 : f32 to vector<512x256xf32>
    %select_n3A_126 = arith.select %eq3A_120, %broadcast_in_dim3A_125, %select_n3A_107 : vector<512x256xi1>, vector<512x256xf32>
    %reduce_min3A_127 = arith.constant dense<0x7F800000> : vector<512xf32>
    %reduce_min3A_128 = vector.multi_reduction <minimumf>, %select_n3A_121, %reduce_min3A_127 [1] : vector<512x256xf32> to vector<512xf32>
    %broadcast_in_dim3A_129 = vector.shape_cast %reduce_min3A_128 : vector<512xf32> to vector<512x1xf32>
    %eq3A_130 = vector.broadcast %broadcast_in_dim3A_129 : vector<512x1xf32> to vector<512x256xf32>
    %eq3A_131 = arith.cmpf oeq, %select_n3A_121, %eq3A_130 : vector<512x256xf32>
    %jit3A_132 = arith.constant 1.024000e+03 : f32
    %broadcast_in_dim3A_133 = vector.broadcast %jit3A_132 : f32 to vector<512x256xf32>
    %select_n3A_134 = arith.select %eq3A_131, %select_n3A_123, %broadcast_in_dim3A_133 : vector<512x256xi1>, vector<512x256xf32>
    %reduce_min3A_135 = arith.constant dense<0x7F800000> : vector<512xf32>
    %reduce_min3A_136 = vector.multi_reduction <minimumf>, %select_n3A_134, %reduce_min3A_135 [1] : vector<512x256xf32> to vector<512xf32>
    %broadcast_in_dim3A_137 = vector.shape_cast %reduce_min3A_136 : vector<512xf32> to vector<512x1xf32>
    %eq3A_138 = vector.broadcast %broadcast_in_dim3A_137 : vector<512x1xf32> to vector<512x256xf32>
    %eq3A_139 = arith.cmpf oeq, %select_n3A_134, %eq3A_138 : vector<512x256xf32>
    %select_n3A_140 = arith.select %eq3A_139, %select_n3A_126, %select_n3A_121 : vector<512x256xi1>, vector<512x256xf32>
    %sub3A_141 = arith.subf %add3A_34, %select_n3A_123 : vector<512x256xf32>
    %select_n3A_142 = arith.select %eq3A_139, %sub3A_141, %select_n3A_123 : vector<512x256xi1>, vector<512x256xf32>
    %jit3A_143 = arith.constant 0x7F800000 : f32
    %broadcast_in_dim3A_144 = vector.broadcast %jit3A_143 : f32 to vector<512x256xf32>
    %select_n3A_145 = arith.select %eq3A_139, %broadcast_in_dim3A_144, %select_n3A_126 : vector<512x256xi1>, vector<512x256xf32>
    %reduce_min3A_146 = arith.constant dense<0x7F800000> : vector<512xf32>
    %reduce_min3A_147 = vector.multi_reduction <minimumf>, %select_n3A_140, %reduce_min3A_146 [1] : vector<512x256xf32> to vector<512xf32>
    %broadcast_in_dim3A_148 = vector.shape_cast %reduce_min3A_147 : vector<512xf32> to vector<512x1xf32>
    %eq3A_149 = vector.broadcast %broadcast_in_dim3A_148 : vector<512x1xf32> to vector<512x256xf32>
    %eq3A_150 = arith.cmpf oeq, %select_n3A_140, %eq3A_149 : vector<512x256xf32>
    %jit3A_151 = arith.constant 1.024000e+03 : f32
    %broadcast_in_dim3A_152 = vector.broadcast %jit3A_151 : f32 to vector<512x256xf32>
    %select_n3A_153 = arith.select %eq3A_150, %select_n3A_142, %broadcast_in_dim3A_152 : vector<512x256xi1>, vector<512x256xf32>
    %reduce_min3A_154 = arith.constant dense<0x7F800000> : vector<512xf32>
    %reduce_min3A_155 = vector.multi_reduction <minimumf>, %select_n3A_153, %reduce_min3A_154 [1] : vector<512x256xf32> to vector<512xf32>
    %broadcast_in_dim3A_156 = vector.shape_cast %reduce_min3A_155 : vector<512xf32> to vector<512x1xf32>
    %eq3A_157 = vector.broadcast %broadcast_in_dim3A_156 : vector<512x1xf32> to vector<512x256xf32>
    %eq3A_158 = arith.cmpf oeq, %select_n3A_153, %eq3A_157 : vector<512x256xf32>
    %select_n3A_159 = arith.select %eq3A_158, %select_n3A_145, %select_n3A_140 : vector<512x256xi1>, vector<512x256xf32>
    %sub3A_160 = arith.subf %add3A_34, %select_n3A_142 : vector<512x256xf32>
    %select_n3A_161 = arith.select %eq3A_158, %sub3A_160, %select_n3A_142 : vector<512x256xi1>, vector<512x256xf32>
    %jit3A_162 = arith.constant 0x7F800000 : f32
    %broadcast_in_dim3A_163 = vector.broadcast %jit3A_162 : f32 to vector<512x256xf32>
    %select_n3A_164 = arith.select %eq3A_158, %broadcast_in_dim3A_163, %select_n3A_145 : vector<512x256xi1>, vector<512x256xf32>
    %reduce_min3A_165 = arith.constant dense<0x7F800000> : vector<512xf32>
    %reduce_min3A_166 = vector.multi_reduction <minimumf>, %select_n3A_159, %reduce_min3A_165 [1] : vector<512x256xf32> to vector<512xf32>
    %broadcast_in_dim3A_167 = vector.shape_cast %reduce_min3A_166 : vector<512xf32> to vector<512x1xf32>
    %eq3A_168 = vector.broadcast %broadcast_in_dim3A_167 : vector<512x1xf32> to vector<512x256xf32>
    %eq3A_169 = arith.cmpf oeq, %select_n3A_159, %eq3A_168 : vector<512x256xf32>
    %jit3A_170 = arith.constant 1.024000e+03 : f32
    %broadcast_in_dim3A_171 = vector.broadcast %jit3A_170 : f32 to vector<512x256xf32>
    %select_n3A_172 = arith.select %eq3A_169, %select_n3A_161, %broadcast_in_dim3A_171 : vector<512x256xi1>, vector<512x256xf32>
    %reduce_min3A_173 = arith.constant dense<0x7F800000> : vector<512xf32>
    %reduce_min3A_174 = vector.multi_reduction <minimumf>, %select_n3A_172, %reduce_min3A_173 [1] : vector<512x256xf32> to vector<512xf32>
    %broadcast_in_dim3A_175 = vector.shape_cast %reduce_min3A_174 : vector<512xf32> to vector<512x1xf32>
    %eq3A_176 = vector.broadcast %broadcast_in_dim3A_175 : vector<512x1xf32> to vector<512x256xf32>
    %eq3A_177 = arith.cmpf oeq, %select_n3A_172, %eq3A_176 : vector<512x256xf32>
    %select_n3A_178 = arith.select %eq3A_177, %select_n3A_164, %select_n3A_159 : vector<512x256xi1>, vector<512x256xf32>
    %sub3A_179 = arith.subf %add3A_34, %select_n3A_161 : vector<512x256xf32>
    %select_n3A_180 = arith.select %eq3A_177, %sub3A_179, %select_n3A_161 : vector<512x256xi1>, vector<512x256xf32>
    %jit3A_181 = arith.constant 0x7F800000 : f32
    %broadcast_in_dim3A_182 = vector.broadcast %jit3A_181 : f32 to vector<512x256xf32>
    %select_n3A_183 = arith.select %eq3A_177, %broadcast_in_dim3A_182, %select_n3A_164 : vector<512x256xi1>, vector<512x256xf32>
    %reduce_min3A_184 = arith.constant dense<0x7F800000> : vector<512xf32>
    %reduce_min3A_185 = vector.multi_reduction <minimumf>, %select_n3A_178, %reduce_min3A_184 [1] : vector<512x256xf32> to vector<512xf32>
    %broadcast_in_dim3A_186 = vector.shape_cast %reduce_min3A_185 : vector<512xf32> to vector<512x1xf32>
    %eq3A_187 = vector.broadcast %broadcast_in_dim3A_186 : vector<512x1xf32> to vector<512x256xf32>
    %eq3A_188 = arith.cmpf oeq, %select_n3A_178, %eq3A_187 : vector<512x256xf32>
    %jit3A_189 = arith.constant 1.024000e+03 : f32
    %broadcast_in_dim3A_190 = vector.broadcast %jit3A_189 : f32 to vector<512x256xf32>
    %select_n3A_191 = arith.select %eq3A_188, %select_n3A_180, %broadcast_in_dim3A_190 : vector<512x256xi1>, vector<512x256xf32>
    %reduce_min3A_192 = arith.constant dense<0x7F800000> : vector<512xf32>
    %reduce_min3A_193 = vector.multi_reduction <minimumf>, %select_n3A_191, %reduce_min3A_192 [1] : vector<512x256xf32> to vector<512xf32>
    %broadcast_in_dim3A_194 = vector.shape_cast %reduce_min3A_193 : vector<512xf32> to vector<512x1xf32>
    %eq3A_195 = vector.broadcast %broadcast_in_dim3A_194 : vector<512x1xf32> to vector<512x256xf32>
    %eq3A_196 = arith.cmpf oeq, %select_n3A_191, %eq3A_195 : vector<512x256xf32>
    %select_n3A_197 = arith.select %eq3A_196, %select_n3A_183, %select_n3A_178 : vector<512x256xi1>, vector<512x256xf32>
    %sub3A_198 = arith.subf %add3A_34, %select_n3A_180 : vector<512x256xf32>
    %select_n3A_199 = arith.select %eq3A_196, %sub3A_198, %select_n3A_180 : vector<512x256xi1>, vector<512x256xf32>
    %jit3A_200 = arith.constant 0x7F800000 : f32
    %broadcast_in_dim3A_201 = vector.broadcast %jit3A_200 : f32 to vector<512x256xf32>
    %select_n3A_202 = arith.select %eq3A_196, %broadcast_in_dim3A_201, %select_n3A_183 : vector<512x256xi1>, vector<512x256xf32>
    %reduce_min3A_203 = arith.constant dense<0x7F800000> : vector<512xf32>
    %reduce_min3A_204 = vector.multi_reduction <minimumf>, %select_n3A_197, %reduce_min3A_203 [1] : vector<512x256xf32> to vector<512xf32>
    %broadcast_in_dim3A_205 = vector.shape_cast %reduce_min3A_204 : vector<512xf32> to vector<512x1xf32>
    %eq3A_206 = vector.broadcast %broadcast_in_dim3A_205 : vector<512x1xf32> to vector<512x256xf32>
    %eq3A_207 = arith.cmpf oeq, %select_n3A_197, %eq3A_206 : vector<512x256xf32>
    %jit3A_208 = arith.constant 1.024000e+03 : f32
    %broadcast_in_dim3A_209 = vector.broadcast %jit3A_208 : f32 to vector<512x256xf32>
    %select_n3A_210 = arith.select %eq3A_207, %select_n3A_199, %broadcast_in_dim3A_209 : vector<512x256xi1>, vector<512x256xf32>
    %reduce_min3A_211 = arith.constant dense<0x7F800000> : vector<512xf32>
    %reduce_min3A_212 = vector.multi_reduction <minimumf>, %select_n3A_210, %reduce_min3A_211 [1] : vector<512x256xf32> to vector<512xf32>
    %broadcast_in_dim3A_213 = vector.shape_cast %reduce_min3A_212 : vector<512xf32> to vector<512x1xf32>
    %eq3A_214 = vector.broadcast %broadcast_in_dim3A_213 : vector<512x1xf32> to vector<512x256xf32>
    %eq3A_215 = arith.cmpf oeq, %select_n3A_210, %eq3A_214 : vector<512x256xf32>
    %select_n3A_216 = arith.select %eq3A_215, %select_n3A_202, %select_n3A_197 : vector<512x256xi1>, vector<512x256xf32>
    %sub3A_217 = arith.subf %add3A_34, %select_n3A_199 : vector<512x256xf32>
    %select_n3A_218 = arith.select %eq3A_215, %sub3A_217, %select_n3A_199 : vector<512x256xi1>, vector<512x256xf32>
    %jit3A_219 = arith.constant 0x7F800000 : f32
    %broadcast_in_dim3A_220 = vector.broadcast %jit3A_219 : f32 to vector<512x256xf32>
    %select_n3A_221 = arith.select %eq3A_215, %broadcast_in_dim3A_220, %select_n3A_202 : vector<512x256xi1>, vector<512x256xf32>
    %reduce_min3A_222 = arith.constant dense<0x7F800000> : vector<512xf32>
    %reduce_min3A_223 = vector.multi_reduction <minimumf>, %select_n3A_216, %reduce_min3A_222 [1] : vector<512x256xf32> to vector<512xf32>
    %broadcast_in_dim3A_224 = vector.shape_cast %reduce_min3A_223 : vector<512xf32> to vector<512x1xf32>
    %eq3A_225 = vector.broadcast %broadcast_in_dim3A_224 : vector<512x1xf32> to vector<512x256xf32>
    %eq3A_226 = arith.cmpf oeq, %select_n3A_216, %eq3A_225 : vector<512x256xf32>
    %jit3A_227 = arith.constant 1.024000e+03 : f32
    %broadcast_in_dim3A_228 = vector.broadcast %jit3A_227 : f32 to vector<512x256xf32>
    %select_n3A_229 = arith.select %eq3A_226, %select_n3A_218, %broadcast_in_dim3A_228 : vector<512x256xi1>, vector<512x256xf32>
    %reduce_min3A_230 = arith.constant dense<0x7F800000> : vector<512xf32>
    %reduce_min3A_231 = vector.multi_reduction <minimumf>, %select_n3A_229, %reduce_min3A_230 [1] : vector<512x256xf32> to vector<512xf32>
    %broadcast_in_dim3A_232 = vector.shape_cast %reduce_min3A_231 : vector<512xf32> to vector<512x1xf32>
    %eq3A_233 = vector.broadcast %broadcast_in_dim3A_232 : vector<512x1xf32> to vector<512x256xf32>
    %eq3A_234 = arith.cmpf oeq, %select_n3A_229, %eq3A_233 : vector<512x256xf32>
    %select_n3A_235 = arith.select %eq3A_234, %select_n3A_221, %select_n3A_216 : vector<512x256xi1>, vector<512x256xf32>
    %sub3A_236 = arith.subf %add3A_34, %select_n3A_218 : vector<512x256xf32>
    %select_n3A_237 = arith.select %eq3A_234, %sub3A_236, %select_n3A_218 : vector<512x256xi1>, vector<512x256xf32>
    %jit3A_238 = arith.constant 0x7F800000 : f32
    %broadcast_in_dim3A_239 = vector.broadcast %jit3A_238 : f32 to vector<512x256xf32>
    %select_n3A_240 = arith.select %eq3A_234, %broadcast_in_dim3A_239, %select_n3A_221 : vector<512x256xi1>, vector<512x256xf32>
    %reduce_min3A_241 = arith.constant dense<0x7F800000> : vector<512xf32>
    %reduce_min3A_242 = vector.multi_reduction <minimumf>, %select_n3A_235, %reduce_min3A_241 [1] : vector<512x256xf32> to vector<512xf32>
    %broadcast_in_dim3A_243 = vector.shape_cast %reduce_min3A_242 : vector<512xf32> to vector<512x1xf32>
    %eq3A_244 = vector.broadcast %broadcast_in_dim3A_243 : vector<512x1xf32> to vector<512x256xf32>
    %eq3A_245 = arith.cmpf oeq, %select_n3A_235, %eq3A_244 : vector<512x256xf32>
    %jit3A_246 = arith.constant 1.024000e+03 : f32
    %broadcast_in_dim3A_247 = vector.broadcast %jit3A_246 : f32 to vector<512x256xf32>
    %select_n3A_248 = arith.select %eq3A_245, %select_n3A_237, %broadcast_in_dim3A_247 : vector<512x256xi1>, vector<512x256xf32>
    %reduce_min3A_249 = arith.constant dense<0x7F800000> : vector<512xf32>
    %reduce_min3A_250 = vector.multi_reduction <minimumf>, %select_n3A_248, %reduce_min3A_249 [1] : vector<512x256xf32> to vector<512xf32>
    %broadcast_in_dim3A_251 = vector.shape_cast %reduce_min3A_250 : vector<512xf32> to vector<512x1xf32>
    %eq3A_252 = vector.broadcast %broadcast_in_dim3A_251 : vector<512x1xf32> to vector<512x256xf32>
    %eq3A_253 = arith.cmpf oeq, %select_n3A_248, %eq3A_252 : vector<512x256xf32>
    %select_n3A_254 = arith.select %eq3A_253, %select_n3A_240, %select_n3A_235 : vector<512x256xi1>, vector<512x256xf32>
    %sub3A_255 = arith.subf %add3A_34, %select_n3A_237 : vector<512x256xf32>
    %select_n3A_256 = arith.select %eq3A_253, %sub3A_255, %select_n3A_237 : vector<512x256xi1>, vector<512x256xf32>
    %jit3A_257 = arith.constant 0x7F800000 : f32
    %broadcast_in_dim3A_258 = vector.broadcast %jit3A_257 : f32 to vector<512x256xf32>
    %select_n3A_259 = arith.select %eq3A_253, %broadcast_in_dim3A_258, %select_n3A_240 : vector<512x256xi1>, vector<512x256xf32>
    %reduce_min3A_260 = arith.constant dense<0x7F800000> : vector<512xf32>
    %reduce_min3A_261 = vector.multi_reduction <minimumf>, %select_n3A_254, %reduce_min3A_260 [1] : vector<512x256xf32> to vector<512xf32>
    %broadcast_in_dim3A_262 = vector.shape_cast %reduce_min3A_261 : vector<512xf32> to vector<512x1xf32>
    %eq3A_263 = vector.broadcast %broadcast_in_dim3A_262 : vector<512x1xf32> to vector<512x256xf32>
    %eq3A_264 = arith.cmpf oeq, %select_n3A_254, %eq3A_263 : vector<512x256xf32>
    %jit3A_265 = arith.constant 1.024000e+03 : f32
    %broadcast_in_dim3A_266 = vector.broadcast %jit3A_265 : f32 to vector<512x256xf32>
    %select_n3A_267 = arith.select %eq3A_264, %select_n3A_256, %broadcast_in_dim3A_266 : vector<512x256xi1>, vector<512x256xf32>
    %reduce_min3A_268 = arith.constant dense<0x7F800000> : vector<512xf32>
    %reduce_min3A_269 = vector.multi_reduction <minimumf>, %select_n3A_267, %reduce_min3A_268 [1] : vector<512x256xf32> to vector<512xf32>
    %broadcast_in_dim3A_270 = vector.shape_cast %reduce_min3A_269 : vector<512xf32> to vector<512x1xf32>
    %eq3A_271 = vector.broadcast %broadcast_in_dim3A_270 : vector<512x1xf32> to vector<512x256xf32>
    %eq3A_272 = arith.cmpf oeq, %select_n3A_267, %eq3A_271 : vector<512x256xf32>
    %select_n3A_273 = arith.select %eq3A_272, %select_n3A_259, %select_n3A_254 : vector<512x256xi1>, vector<512x256xf32>
    %sub3A_274 = arith.subf %add3A_34, %select_n3A_256 : vector<512x256xf32>
    %select_n3A_275 = arith.select %eq3A_272, %sub3A_274, %select_n3A_256 : vector<512x256xi1>, vector<512x256xf32>
    %jit3A_276 = arith.constant 0x7F800000 : f32
    %broadcast_in_dim3A_277 = vector.broadcast %jit3A_276 : f32 to vector<512x256xf32>
    %select_n3A_278 = arith.select %eq3A_272, %broadcast_in_dim3A_277, %select_n3A_259 : vector<512x256xi1>, vector<512x256xf32>
    %reduce_min3A_279 = arith.constant dense<0x7F800000> : vector<512xf32>
    %reduce_min3A_280 = vector.multi_reduction <minimumf>, %select_n3A_273, %reduce_min3A_279 [1] : vector<512x256xf32> to vector<512xf32>
    %broadcast_in_dim3A_281 = vector.shape_cast %reduce_min3A_280 : vector<512xf32> to vector<512x1xf32>
    %eq3A_282 = vector.broadcast %broadcast_in_dim3A_281 : vector<512x1xf32> to vector<512x256xf32>
    %eq3A_283 = arith.cmpf oeq, %select_n3A_273, %eq3A_282 : vector<512x256xf32>
    %jit3A_284 = arith.constant 1.024000e+03 : f32
    %broadcast_in_dim3A_285 = vector.broadcast %jit3A_284 : f32 to vector<512x256xf32>
    %select_n3A_286 = arith.select %eq3A_283, %select_n3A_275, %broadcast_in_dim3A_285 : vector<512x256xi1>, vector<512x256xf32>
    %reduce_min3A_287 = arith.constant dense<0x7F800000> : vector<512xf32>
    %reduce_min3A_288 = vector.multi_reduction <minimumf>, %select_n3A_286, %reduce_min3A_287 [1] : vector<512x256xf32> to vector<512xf32>
    %broadcast_in_dim3A_289 = vector.shape_cast %reduce_min3A_288 : vector<512xf32> to vector<512x1xf32>
    %eq3A_290 = vector.broadcast %broadcast_in_dim3A_289 : vector<512x1xf32> to vector<512x256xf32>
    %eq3A_291 = arith.cmpf oeq, %select_n3A_286, %eq3A_290 : vector<512x256xf32>
    %select_n3A_292 = arith.select %eq3A_291, %select_n3A_278, %select_n3A_273 : vector<512x256xi1>, vector<512x256xf32>
    %sub3A_293 = arith.subf %add3A_34, %select_n3A_275 : vector<512x256xf32>
    %select_n3A_294 = arith.select %eq3A_291, %sub3A_293, %select_n3A_275 : vector<512x256xi1>, vector<512x256xf32>
    %jit3A_295 = arith.constant 0x7F800000 : f32
    %broadcast_in_dim3A_296 = vector.broadcast %jit3A_295 : f32 to vector<512x256xf32>
    %select_n3A_297 = arith.select %eq3A_291, %broadcast_in_dim3A_296, %select_n3A_278 : vector<512x256xi1>, vector<512x256xf32>
    %reduce_min3A_298 = arith.constant dense<0x7F800000> : vector<512xf32>
    %reduce_min3A_299 = vector.multi_reduction <minimumf>, %select_n3A_292, %reduce_min3A_298 [1] : vector<512x256xf32> to vector<512xf32>
    %broadcast_in_dim3A_300 = vector.shape_cast %reduce_min3A_299 : vector<512xf32> to vector<512x1xf32>
    %eq3A_301 = vector.broadcast %broadcast_in_dim3A_300 : vector<512x1xf32> to vector<512x256xf32>
    %eq3A_302 = arith.cmpf oeq, %select_n3A_292, %eq3A_301 : vector<512x256xf32>
    %jit3A_303 = arith.constant 1.024000e+03 : f32
    %broadcast_in_dim3A_304 = vector.broadcast %jit3A_303 : f32 to vector<512x256xf32>
    %select_n3A_305 = arith.select %eq3A_302, %select_n3A_294, %broadcast_in_dim3A_304 : vector<512x256xi1>, vector<512x256xf32>
    %reduce_min3A_306 = arith.constant dense<0x7F800000> : vector<512xf32>
    %reduce_min3A_307 = vector.multi_reduction <minimumf>, %select_n3A_305, %reduce_min3A_306 [1] : vector<512x256xf32> to vector<512xf32>
    %broadcast_in_dim3A_308 = vector.shape_cast %reduce_min3A_307 : vector<512xf32> to vector<512x1xf32>
    %eq3A_309 = vector.broadcast %broadcast_in_dim3A_308 : vector<512x1xf32> to vector<512x256xf32>
    %eq3A_310 = arith.cmpf oeq, %select_n3A_305, %eq3A_309 : vector<512x256xf32>
    %select_n3A_311 = arith.select %eq3A_310, %select_n3A_297, %select_n3A_292 : vector<512x256xi1>, vector<512x256xf32>
    %sub3A_312 = arith.subf %add3A_34, %select_n3A_294 : vector<512x256xf32>
    %select_n3A_313 = arith.select %eq3A_310, %sub3A_312, %select_n3A_294 : vector<512x256xi1>, vector<512x256xf32>
    %jit3A_314 = arith.constant 0x7F800000 : f32
    %broadcast_in_dim3A_315 = vector.broadcast %jit3A_314 : f32 to vector<512x256xf32>
    %select_n3A_316 = arith.select %eq3A_310, %broadcast_in_dim3A_315, %select_n3A_297 : vector<512x256xi1>, vector<512x256xf32>
    %reduce_min3A_317 = arith.constant dense<0x7F800000> : vector<512xf32>
    %reduce_min3A_318 = vector.multi_reduction <minimumf>, %select_n3A_311, %reduce_min3A_317 [1] : vector<512x256xf32> to vector<512xf32>
    %broadcast_in_dim3A_319 = vector.shape_cast %reduce_min3A_318 : vector<512xf32> to vector<512x1xf32>
    %eq3A_320 = vector.broadcast %broadcast_in_dim3A_319 : vector<512x1xf32> to vector<512x256xf32>
    %eq3A_321 = arith.cmpf oeq, %select_n3A_311, %eq3A_320 : vector<512x256xf32>
    %jit3A_322 = arith.constant 1.024000e+03 : f32
    %broadcast_in_dim3A_323 = vector.broadcast %jit3A_322 : f32 to vector<512x256xf32>
    %select_n3A_324 = arith.select %eq3A_321, %select_n3A_313, %broadcast_in_dim3A_323 : vector<512x256xi1>, vector<512x256xf32>
    %reduce_min3A_325 = arith.constant dense<0x7F800000> : vector<512xf32>
    %reduce_min3A_326 = vector.multi_reduction <minimumf>, %select_n3A_324, %reduce_min3A_325 [1] : vector<512x256xf32> to vector<512xf32>
    %broadcast_in_dim3A_327 = vector.shape_cast %reduce_min3A_326 : vector<512xf32> to vector<512x1xf32>
    %eq3A_328 = vector.broadcast %broadcast_in_dim3A_327 : vector<512x1xf32> to vector<512x256xf32>
    %eq3A_329 = arith.cmpf oeq, %select_n3A_324, %eq3A_328 : vector<512x256xf32>
    %select_n3A_330 = arith.select %eq3A_329, %select_n3A_316, %select_n3A_311 : vector<512x256xi1>, vector<512x256xf32>
    %sub3A_331 = arith.subf %add3A_34, %select_n3A_313 : vector<512x256xf32>
    %select_n3A_332 = arith.select %eq3A_329, %sub3A_331, %select_n3A_313 : vector<512x256xi1>, vector<512x256xf32>
    %reduce_min3A_333 = arith.constant dense<0x7F800000> : vector<512xf32>
    %reduce_min3A_334 = vector.multi_reduction <minimumf>, %select_n3A_330, %reduce_min3A_333 [1] : vector<512x256xf32> to vector<512xf32>
    %broadcast_in_dim3A_335 = vector.shape_cast %reduce_min3A_334 : vector<512xf32> to vector<512x1xf32>
    %eq3A_336 = vector.broadcast %broadcast_in_dim3A_335 : vector<512x1xf32> to vector<512x256xf32>
    %eq3A_337 = arith.cmpf oeq, %select_n3A_330, %eq3A_336 : vector<512x256xf32>
    %jit3A_338 = arith.constant 1.024000e+03 : f32
    %broadcast_in_dim3A_339 = vector.broadcast %jit3A_338 : f32 to vector<512x256xf32>
    %select_n3A_340 = arith.select %eq3A_337, %select_n3A_332, %broadcast_in_dim3A_339 : vector<512x256xi1>, vector<512x256xf32>
    %reduce_min3A_341 = arith.constant dense<0x7F800000> : vector<512xf32>
    %reduce_min3A_342 = vector.multi_reduction <minimumf>, %select_n3A_340, %reduce_min3A_341 [1] : vector<512x256xf32> to vector<512xf32>
    %broadcast_in_dim3A_343 = vector.shape_cast %reduce_min3A_342 : vector<512xf32> to vector<512x1xf32>
    %concatenate3A = tpu.concatenate %broadcast_in_dim3A_61, %broadcast_in_dim3A_80, %broadcast_in_dim3A_99, %broadcast_in_dim3A_118, %broadcast_in_dim3A_137, %broadcast_in_dim3A_156, %broadcast_in_dim3A_175, %broadcast_in_dim3A_194, %broadcast_in_dim3A_213, %broadcast_in_dim3A_232, %broadcast_in_dim3A_251, %broadcast_in_dim3A_270, %broadcast_in_dim3A_289, %broadcast_in_dim3A_308, %broadcast_in_dim3A_327, %broadcast_in_dim3A_343 in 1 : vector<512x1xf32>, vector<512x1xf32>, vector<512x1xf32>, vector<512x1xf32>, vector<512x1xf32>, vector<512x1xf32>, vector<512x1xf32>, vector<512x1xf32>, vector<512x1xf32>, vector<512x1xf32>, vector<512x1xf32>, vector<512x1xf32>, vector<512x1xf32>, vector<512x1xf32>, vector<512x1xf32>, vector<512x1xf32> -> vector<512x16xf32>
    %convert_element_type3A_344 = arith.fptosi %concatenate3A : vector<512x16xf32> to vector<512x16xi32>
    %mul3A_345 = arith.constant 512 : i32
    %mul3A_346 = arith.muli %add3A_0, %mul3A_345 : i32
    %add3A_347 = vector.broadcast %mul3A_346 : i32 to vector<512x16xi32>
    %add3A_348 = arith.addi %convert_element_type3A_344, %add3A_347 : vector<512x16xi32>
    %swap3A = arith.constant 0 : index
    %swap3A_349 = arith.constant 0 : index
    %swap3A_350 = arith.constant 0 : index
    %swap3A_351 = vector.load %arg3[%swap3A, %swap3A_349, %swap3A_350] : memref<1x512x16xi32, #tpu.memory_space<vmem>>, vector<1x512x16xi32>
    %swap3A_352 = vector.shape_cast %swap3A_351 : vector<1x512x16xi32> to vector<512x16xi32>
    %swap3A_353 = vector.shape_cast %add3A_348 : vector<512x16xi32> to vector<1x512x16xi32>
    tpu.vector_store %arg3[%swap3A, %swap3A_349, %swap3A_350], %swap3A_353 {strides = array<i32>} : memref<1x512x16xi32, #tpu.memory_space<vmem>>, vector<1x512x16xi32>,
    return
  }
  func.func @transform_0(%arg0: i32) -> (i32, i32, i32) {
    %add3A = arith.constant 64 : i32
    %add3A_0 = arith.addi %arg0, %add3A : i32
    %c0_i32 = arith.constant 0 : i32
    %c0_i32_1 = arith.constant 0 : i32
    %c0_i32_2 = arith.constant 0 : i32
    return %add3A_0, %c0_i32, %c0_i32_1 : i32, i32, i32
  }
  func.func @transform_1(%arg0: i32) -> (i32, i32, i32) {
    %add3A = arith.constant 64 : i32
    %add3A_0 = arith.addi %arg0, %add3A : i32
    %c0_i32 = arith.constant 0 : i32
    %c0_i32_1 = arith.constant 0 : i32
    %c0_i32_2 = arith.constant 0 : i32
    return %add3A_0, %c0_i32, %c0_i32_1 : i32, i32, i32
  }
  func.func @transform_2(%arg0: i32) -> (i32, i32, i32) {
    %c0_i32 = arith.constant 0 : i32
    %c0_i32_0 = arith.constant 0 : i32
    %c0_i32_1 = arith.constant 0 : i32
    return %arg0, %c0_i32, %c0_i32_0 : i32, i32, i32
  }
}

module attributes {stable_mosaic.version = 14 : i64} {
  func.func @_topk_body(%arg0: i32, %arg1: memref<1x512x8xf32, #tpu.memory_space<vmem>>, %arg2: memref<1x8x512xf32, #tpu.memory_space<vmem>>, %arg3: memref<1x512x16xi32, #tpu.memory_space<vmem>>) attributes {dimension_semantics = [#tpu.dimension_semantics<arbitrary>], iteration_bounds = array<i64: 64>, scalar_prefetch = 0 : i64, scratch_operands = 0 : i64, tpu.core_type = #tpu.core_type<tc>, window_params = [{transform_indices = @transform_0, window_bounds = array<i64: 1, 512, 8>}, {transform_indices = @transform_1, window_bounds = array<i64: 1, 8, 512>}, {transform_indices = @transform_2, window_bounds = array<i64: 1, 512, 16>}]} {
    %add3A = arith.constant 0 : i32
    %add3A_0 = arith.addi %arg0, %add3A : i32
    %get3A = arith.constant 0 : index
    %get3A_1 = arith.constant 0 : index
    %get3A_2 = arith.constant 0 : index
    %get3A_3 = vector.load %arg1[%get3A, %get3A_1, %get3A_2] : memref<1x512x8xf32, #tpu.memory_space<vmem>>, vector<1x512x8xf32>
    %get3A_4 = vector.shape_cast %get3A_3 : vector<1x512x8xf32> to vector<512x8xf32>
    %get3A_5 = arith.constant 0 : index
    %get3A_6 = arith.constant 0 : index
    %get3A_7 = arith.constant 0 : index
    %get3A_8 = vector.load %arg2[%get3A_5, %get3A_6, %get3A_7] : memref<1x8x512xf32, #tpu.memory_space<vmem>>, vector<1x8x512xf32>
    %get3A_9 = vector.shape_cast %get3A_8 : vector<1x8x512xf32> to vector<8x512xf32>
    %dot_general3A = arith.constant dense<0.000000e+00> : vector<512x512xf32>
    %dot_general3A_10 = tpu.matmul %get3A_4, %get3A_9, %dot_general3A {dimension_numbers = #tpu.dot_dimension_numbers<[1], [0], [0], [1], [0, 0, 1, 1], [], []>, transpose_lhs_hint = false} : vector<512x8xf32>, vector<8x512xf32>, vector<512x512xf32> -> vector<512x512xf32>
    %mul3A = arith.mulf %get3A_4, %get3A_4 : vector<512x8xf32>
    %reduce_sum3A = arith.constant dense<0.000000e+00> : vector<512xf32>
    %reduce_sum3A_11 = vector.multi_reduction <add>, %mul3A, %reduce_sum3A [1] : vector<512x8xf32> to vector<512xf32>
    %broadcast_in_dim3A = vector.shape_cast %reduce_sum3A_11 : vector<512xf32> to vector<512x1xf32>
    %mul3A_12 = arith.mulf %get3A_9, %get3A_9 : vector<8x512xf32>
    %reduce_sum3A_13 = arith.constant dense<0.000000e+00> : vector<512xf32>
    %reduce_sum3A_14 = vector.multi_reduction <add>, %mul3A_12, %reduce_sum3A_13 [0] : vector<8x512xf32> to vector<512xf32>
    %broadcast_in_dim3A_15 = vector.shape_cast %reduce_sum3A_14 : vector<512xf32> to vector<1x512xf32>
    %mul3A_16 = arith.constant 2.000000e+00 : f32
    %mul3A_17 = vector.broadcast %mul3A_16 : f32 to vector<512x512xf32>
    %mul3A_18 = arith.mulf %mul3A_17, %dot_general3A_10 : vector<512x512xf32>
    %sub3A = vector.broadcast %broadcast_in_dim3A : vector<512x1xf32> to vector<512x512xf32>
    %sub3A_19 = arith.subf %sub3A, %mul3A_18 : vector<512x512xf32>
    %add3A_20 = vector.broadcast %broadcast_in_dim3A_15 : vector<1x512xf32> to vector<512x512xf32>
    %add3A_21 = arith.addf %sub3A_19, %add3A_20 : vector<512x512xf32>
    %add3A_22 = arith.constant 9.99999974E-6 : f32
    %add3A_23 = vector.broadcast %add3A_22 : f32 to vector<512x512xf32>
    %add3A_24 = arith.addf %add3A_21, %add3A_23 : vector<512x512xf32>
    %slice3A = vector.extract_strided_slice %add3A_24 {offsets = [0, 0], sizes = [512, 256], strides = [1, 1]} : vector<512x512xf32> to vector<512x256xf32>
    %slice3A_25 = vector.extract_strided_slice %add3A_24 {offsets = [0, 256], sizes = [512, 256], strides = [1, 1]} : vector<512x512xf32> to vector<512x256xf32>
    %iota3A = tpu.iota {dimensions = array<i32: 1>} : vector<512x256xi32>
    %convert_element_type3A = arith.sitofp %iota3A : vector<512x256xi32> to vector<512x256xf32>
    %le3A = arith.cmpf ole, %slice3A, %slice3A_25 : vector<512x256xf32>
    %min3A = arith.minimumf %slice3A, %slice3A_25 : vector<512x256xf32>
    %max3A = arith.maximumf %slice3A, %slice3A_25 : vector<512x256xf32>
    %add3A_26 = arith.constant 2.560000e+02 : f32
    %add3A_27 = vector.broadcast %add3A_26 : f32 to vector<512x256xf32>
    %add3A_28 = arith.addf %convert_element_type3A, %add3A_27 : vector<512x256xf32>
    %select_n3A = arith.select %le3A, %convert_element_type3A, %add3A_28 : vector<512x256xi1>, vector<512x256xf32>
    %mul3A_29 = arith.constant 2.000000e+00 : f32
    %mul3A_30 = vector.broadcast %mul3A_29 : f32 to vector<512x256xf32>
    %mul3A_31 = arith.mulf %mul3A_30, %convert_element_type3A : vector<512x256xf32>
    %add3A_32 = arith.constant 2.560000e+02 : f32
    %add3A_33 = vector.broadcast %add3A_32 : f32 to vector<512x256xf32>
    %add3A_34 = arith.addf %mul3A_31, %add3A_33 : vector<512x256xf32>
    %reduce_min3A = arith.constant dense<0x7F800000> : vector<512xf32>
    %reduce_min3A_35 = vector.multi_reduction <minimumf>, %min3A, %reduce_min3A [1] : vector<512x256xf32> to vector<512xf32>
    %broadcast_in_dim3A_36 = vector.shape_cast %reduce_min3A_35 : vector<512xf32> to vector<512x1xf32>
    %eq3A = vector.broadcast %broadcast_in_dim3A_36 : vector<512x1xf32> to vector<512x256xf32>
    %eq3A_37 = arith.cmpf oeq, %min3A, %eq3A : vector<512x256xf32>
    %jit3A = arith.constant 1.024000e+03 : f32
    %broadcast_in_dim3A_38 = vector.broadcast %jit3A : f32 to vector<512x256xf32>
    %select_n3A_39 = arith.select %eq3A_37, %select_n3A, %broadcast_in_dim3A_38 : vector<512x256xi1>, vector<512x256xf32>
    %reduce_min3A_40 = arith.constant dense<0x7F800000> : vector<512xf32>
    %reduce_min3A_41 = vector.multi_reduction <minimumf>, %select_n3A_39, %reduce_min3A_40 [1] : vector<512x256xf32> to vector<512xf32>
    %broadcast_in_dim3A_42 = vector.shape_cast %reduce_min3A_41 : vector<512xf32> to vector<512x1xf32>
    %eq3A_43 = vector.broadcast %broadcast_in_dim3A_42 : vector<512x1xf32> to vector<512x256xf32>
    %eq3A_44 = arith.cmpf oeq, %select_n3A_39, %eq3A_43 : vector<512x256xf32>
    %select_n3A_45 = arith.select %eq3A_44, %max3A, %min3A : vector<512x256xi1>, vector<512x256xf32>
    %sub3A_46 = arith.subf %add3A_34, %select_n3A : vector<512x256xf32>
    %select_n3A_47 = arith.select %eq3A_44, %sub3A_46, %select_n3A : vector<512x256xi1>, vector<512x256xf32>
    %jit3A_48 = arith.constant 0x7F800000 : f32
    %broadcast_in_dim3A_49 = vector.broadcast %jit3A_48 : f32 to vector<512x256xf32>
    %select_n3A_50 = arith.select %eq3A_44, %broadcast_in_dim3A_49, %max3A : vector<512x256xi1>, vector<512x256xf32>
    %reduce_min3A_51 = arith.constant dense<0x7F800000> : vector<512xf32>
    %reduce_min3A_52 = vector.multi_reduction <minimumf>, %select_n3A_45, %reduce_min3A_51 [1] : vector<512x256xf32> to vector<512xf32>
    %broadcast_in_dim3A_53 = vector.shape_cast %reduce_min3A_52 : vector<512xf32> to vector<512x1xf32>
    %eq3A_54 = vector.broadcast %broadcast_in_dim3A_53 : vector<512x1xf32> to vector<512x256xf32>
    %eq3A_55 = arith.cmpf oeq, %select_n3A_45, %eq3A_54 : vector<512x256xf32>
    %jit3A_56 = arith.constant 1.024000e+03 : f32
    %broadcast_in_dim3A_57 = vector.broadcast %jit3A_56 : f32 to vector<512x256xf32>
    %select_n3A_58 = arith.select %eq3A_55, %select_n3A_47, %broadcast_in_dim3A_57 : vector<512x256xi1>, vector<512x256xf32>
    %reduce_min3A_59 = arith.constant dense<0x7F800000> : vector<512xf32>
    %reduce_min3A_60 = vector.multi_reduction <minimumf>, %select_n3A_58, %reduce_min3A_59 [1] : vector<512x256xf32> to vector<512xf32>
    %broadcast_in_dim3A_61 = vector.shape_cast %reduce_min3A_60 : vector<512xf32> to vector<512x1xf32>
    %eq3A_62 = vector.broadcast %broadcast_in_dim3A_61 : vector<512x1xf32> to vector<512x256xf32>
    %eq3A_63 = arith.cmpf oeq, %select_n3A_58, %eq3A_62 : vector<512x256xf32>
    %select_n3A_64 = arith.select %eq3A_63, %select_n3A_50, %select_n3A_45 : vector<512x256xi1>, vector<512x256xf32>
    %sub3A_65 = arith.subf %add3A_34, %select_n3A_47 : vector<512x256xf32>
    %select_n3A_66 = arith.select %eq3A_63, %sub3A_65, %select_n3A_47 : vector<512x256xi1>, vector<512x256xf32>
    %jit3A_67 = arith.constant 0x7F800000 : f32
    %broadcast_in_dim3A_68 = vector.broadcast %jit3A_67 : f32 to vector<512x256xf32>
    %select_n3A_69 = arith.select %eq3A_63, %broadcast_in_dim3A_68, %select_n3A_50 : vector<512x256xi1>, vector<512x256xf32>
    %reduce_min3A_70 = arith.constant dense<0x7F800000> : vector<512xf32>
    %reduce_min3A_71 = vector.multi_reduction <minimumf>, %select_n3A_64, %reduce_min3A_70 [1] : vector<512x256xf32> to vector<512xf32>
    %broadcast_in_dim3A_72 = vector.shape_cast %reduce_min3A_71 : vector<512xf32> to vector<512x1xf32>
    %eq3A_73 = vector.broadcast %broadcast_in_dim3A_72 : vector<512x1xf32> to vector<512x256xf32>
    %eq3A_74 = arith.cmpf oeq, %select_n3A_64, %eq3A_73 : vector<512x256xf32>
    %jit3A_75 = arith.constant 1.024000e+03 : f32
    %broadcast_in_dim3A_76 = vector.broadcast %jit3A_75 : f32 to vector<512x256xf32>
    %select_n3A_77 = arith.select %eq3A_74, %select_n3A_66, %broadcast_in_dim3A_76 : vector<512x256xi1>, vector<512x256xf32>
    %reduce_min3A_78 = arith.constant dense<0x7F800000> : vector<512xf32>
    %reduce_min3A_79 = vector.multi_reduction <minimumf>, %select_n3A_77, %reduce_min3A_78 [1] : vector<512x256xf32> to vector<512xf32>
    %broadcast_in_dim3A_80 = vector.shape_cast %reduce_min3A_79 : vector<512xf32> to vector<512x1xf32>
    %eq3A_81 = vector.broadcast %broadcast_in_dim3A_80 : vector<512x1xf32> to vector<512x256xf32>
    %eq3A_82 = arith.cmpf oeq, %select_n3A_77, %eq3A_81 : vector<512x256xf32>
    %select_n3A_83 = arith.select %eq3A_82, %select_n3A_69, %select_n3A_64 : vector<512x256xi1>, vector<512x256xf32>
    %sub3A_84 = arith.subf %add3A_34, %select_n3A_66 : vector<512x256xf32>
    %select_n3A_85 = arith.select %eq3A_82, %sub3A_84, %select_n3A_66 : vector<512x256xi1>, vector<512x256xf32>
    %jit3A_86 = arith.constant 0x7F800000 : f32
    %broadcast_in_dim3A_87 = vector.broadcast %jit3A_86 : f32 to vector<512x256xf32>
    %select_n3A_88 = arith.select %eq3A_82, %broadcast_in_dim3A_87, %select_n3A_69 : vector<512x256xi1>, vector<512x256xf32>
    %reduce_min3A_89 = arith.constant dense<0x7F800000> : vector<512xf32>
    %reduce_min3A_90 = vector.multi_reduction <minimumf>, %select_n3A_83, %reduce_min3A_89 [1] : vector<512x256xf32> to vector<512xf32>
    %broadcast_in_dim3A_91 = vector.shape_cast %reduce_min3A_90 : vector<512xf32> to vector<512x1xf32>
    %eq3A_92 = vector.broadcast %broadcast_in_dim3A_91 : vector<512x1xf32> to vector<512x256xf32>
    %eq3A_93 = arith.cmpf oeq, %select_n3A_83, %eq3A_92 : vector<512x256xf32>
    %jit3A_94 = arith.constant 1.024000e+03 : f32
    %broadcast_in_dim3A_95 = vector.broadcast %jit3A_94 : f32 to vector<512x256xf32>
    %select_n3A_96 = arith.select %eq3A_93, %select_n3A_85, %broadcast_in_dim3A_95 : vector<512x256xi1>, vector<512x256xf32>
    %reduce_min3A_97 = arith.constant dense<0x7F800000> : vector<512xf32>
    %reduce_min3A_98 = vector.multi_reduction <minimumf>, %select_n3A_96, %reduce_min3A_97 [1] : vector<512x256xf32> to vector<512xf32>
    %broadcast_in_dim3A_99 = vector.shape_cast %reduce_min3A_98 : vector<512xf32> to vector<512x1xf32>
    %eq3A_100 = vector.broadcast %broadcast_in_dim3A_99 : vector<512x1xf32> to vector<512x256xf32>
    %eq3A_101 = arith.cmpf oeq, %select_n3A_96, %eq3A_100 : vector<512x256xf32>
    %select_n3A_102 = arith.select %eq3A_101, %select_n3A_88, %select_n3A_83 : vector<512x256xi1>, vector<512x256xf32>
    %sub3A_103 = arith.subf %add3A_34, %select_n3A_85 : vector<512x256xf32>
    %select_n3A_104 = arith.select %eq3A_101, %sub3A_103, %select_n3A_85 : vector<512x256xi1>, vector<512x256xf32>
    %jit3A_105 = arith.constant 0x7F800000 : f32
    %broadcast_in_dim3A_106 = vector.broadcast %jit3A_105 : f32 to vector<512x256xf32>
    %select_n3A_107 = arith.select %eq3A_101, %broadcast_in_dim3A_106, %select_n3A_88 : vector<512x256xi1>, vector<512x256xf32>
    %reduce_min3A_108 = arith.constant dense<0x7F800000> : vector<512xf32>
    %reduce_min3A_109 = vector.multi_reduction <minimumf>, %select_n3A_102, %reduce_min3A_108 [1] : vector<512x256xf32> to vector<512xf32>
    %broadcast_in_dim3A_110 = vector.shape_cast %reduce_min3A_109 : vector<512xf32> to vector<512x1xf32>
    %eq3A_111 = vector.broadcast %broadcast_in_dim3A_110 : vector<512x1xf32> to vector<512x256xf32>
    %eq3A_112 = arith.cmpf oeq, %select_n3A_102, %eq3A_111 : vector<512x256xf32>
    %jit3A_113 = arith.constant 1.024000e+03 : f32
    %broadcast_in_dim3A_114 = vector.broadcast %jit3A_113 : f32 to vector<512x256xf32>
    %select_n3A_115 = arith.select %eq3A_112, %select_n3A_104, %broadcast_in_dim3A_114 : vector<512x256xi1>, vector<512x256xf32>
    %reduce_min3A_116 = arith.constant dense<0x7F800000> : vector<512xf32>
    %reduce_min3A_117 = vector.multi_reduction <minimumf>, %select_n3A_115, %reduce_min3A_116 [1] : vector<512x256xf32> to vector<512xf32>
    %broadcast_in_dim3A_118 = vector.shape_cast %reduce_min3A_117 : vector<512xf32> to vector<512x1xf32>
    %eq3A_119 = vector.broadcast %broadcast_in_dim3A_118 : vector<512x1xf32> to vector<512x256xf32>
    %eq3A_120 = arith.cmpf oeq, %select_n3A_115, %eq3A_119 : vector<512x256xf32>
    %select_n3A_121 = arith.select %eq3A_120, %select_n3A_107, %select_n3A_102 : vector<512x256xi1>, vector<512x256xf32>
    %sub3A_122 = arith.subf %add3A_34, %select_n3A_104 : vector<512x256xf32>
    %select_n3A_123 = arith.select %eq3A_120, %sub3A_122, %select_n3A_104 : vector<512x256xi1>, vector<512x256xf32>
    %jit3A_124 = arith.constant 0x7F800000 : f32
    %broadcast_in_dim3A_125 = vector.broadcast %jit3A_124 : f32 to vector<512x256xf32>
    %select_n3A_126 = arith.select %eq3A_120, %broadcast_in_dim3A_125, %select_n3A_107 : vector<512x256xi1>, vector<512x256xf32>
    %reduce_min3A_127 = arith.constant dense<0x7F800000> : vector<512xf32>
    %reduce_min3A_128 = vector.multi_reduction <minimumf>, %select_n3A_121, %reduce_min3A_127 [1] : vector<512x256xf32> to vector<512xf32>
    %broadcast_in_dim3A_129 = vector.shape_cast %reduce_min3A_128 : vector<512xf32> to vector<512x1xf32>
    %eq3A_130 = vector.broadcast %broadcast_in_dim3A_129 : vector<512x1xf32> to vector<512x256xf32>
    %eq3A_131 = arith.cmpf oeq, %select_n3A_121, %eq3A_130 : vector<512x256xf32>
    %jit3A_132 = arith.constant 1.024000e+03 : f32
    %broadcast_in_dim3A_133 = vector.broadcast %jit3A_132 : f32 to vector<512x256xf32>
    %select_n3A_134 = arith.select %eq3A_131, %select_n3A_123, %broadcast_in_dim3A_133 : vector<512x256xi1>, vector<512x256xf32>
    %reduce_min3A_135 = arith.constant dense<0x7F800000> : vector<512xf32>
    %reduce_min3A_136 = vector.multi_reduction <minimumf>, %select_n3A_134, %reduce_min3A_135 [1] : vector<512x256xf32> to vector<512xf32>
    %broadcast_in_dim3A_137 = vector.shape_cast %reduce_min3A_136 : vector<512xf32> to vector<512x1xf32>
    %eq3A_138 = vector.broadcast %broadcast_in_dim3A_137 : vector<512x1xf32> to vector<512x256xf32>
    %eq3A_139 = arith.cmpf oeq, %select_n3A_134, %eq3A_138 : vector<512x256xf32>
    %select_n3A_140 = arith.select %eq3A_139, %select_n3A_126, %select_n3A_121 : vector<512x256xi1>, vector<512x256xf32>
    %sub3A_141 = arith.subf %add3A_34, %select_n3A_123 : vector<512x256xf32>
    %select_n3A_142 = arith.select %eq3A_139, %sub3A_141, %select_n3A_123 : vector<512x256xi1>, vector<512x256xf32>
    %jit3A_143 = arith.constant 0x7F800000 : f32
    %broadcast_in_dim3A_144 = vector.broadcast %jit3A_143 : f32 to vector<512x256xf32>
    %select_n3A_145 = arith.select %eq3A_139, %broadcast_in_dim3A_144, %select_n3A_126 : vector<512x256xi1>, vector<512x256xf32>
    %reduce_min3A_146 = arith.constant dense<0x7F800000> : vector<512xf32>
    %reduce_min3A_147 = vector.multi_reduction <minimumf>, %select_n3A_140, %reduce_min3A_146 [1] : vector<512x256xf32> to vector<512xf32>
    %broadcast_in_dim3A_148 = vector.shape_cast %reduce_min3A_147 : vector<512xf32> to vector<512x1xf32>
    %eq3A_149 = vector.broadcast %broadcast_in_dim3A_148 : vector<512x1xf32> to vector<512x256xf32>
    %eq3A_150 = arith.cmpf oeq, %select_n3A_140, %eq3A_149 : vector<512x256xf32>
    %jit3A_151 = arith.constant 1.024000e+03 : f32
    %broadcast_in_dim3A_152 = vector.broadcast %jit3A_151 : f32 to vector<512x256xf32>
    %select_n3A_153 = arith.select %eq3A_150, %select_n3A_142, %broadcast_in_dim3A_152 : vector<512x256xi1>, vector<512x256xf32>
    %reduce_min3A_154 = arith.constant dense<0x7F800000> : vector<512xf32>
    %reduce_min3A_155 = vector.multi_reduction <minimumf>, %select_n3A_153, %reduce_min3A_154 [1] : vector<512x256xf32> to vector<512xf32>
    %broadcast_in_dim3A_156 = vector.shape_cast %reduce_min3A_155 : vector<512xf32> to vector<512x1xf32>
    %eq3A_157 = vector.broadcast %broadcast_in_dim3A_156 : vector<512x1xf32> to vector<512x256xf32>
    %eq3A_158 = arith.cmpf oeq, %select_n3A_153, %eq3A_157 : vector<512x256xf32>
    %select_n3A_159 = arith.select %eq3A_158, %select_n3A_145, %select_n3A_140 : vector<512x256xi1>, vector<512x256xf32>
    %sub3A_160 = arith.subf %add3A_34, %select_n3A_142 : vector<512x256xf32>
    %select_n3A_161 = arith.select %eq3A_158, %sub3A_160, %select_n3A_142 : vector<512x256xi1>, vector<512x256xf32>
    %jit3A_162 = arith.constant 0x7F800000 : f32
    %broadcast_in_dim3A_163 = vector.broadcast %jit3A_162 : f32 to vector<512x256xf32>
    %select_n3A_164 = arith.select %eq3A_158, %broadcast_in_dim3A_163, %select_n3A_145 : vector<512x256xi1>, vector<512x256xf32>
    %reduce_min3A_165 = arith.constant dense<0x7F800000> : vector<512xf32>
    %reduce_min3A_166 = vector.multi_reduction <minimumf>, %select_n3A_159, %reduce_min3A_165 [1] : vector<512x256xf32> to vector<512xf32>
    %broadcast_in_dim3A_167 = vector.shape_cast %reduce_min3A_166 : vector<512xf32> to vector<512x1xf32>
    %eq3A_168 = vector.broadcast %broadcast_in_dim3A_167 : vector<512x1xf32> to vector<512x256xf32>
    %eq3A_169 = arith.cmpf oeq, %select_n3A_159, %eq3A_168 : vector<512x256xf32>
    %jit3A_170 = arith.constant 1.024000e+03 : f32
    %broadcast_in_dim3A_171 = vector.broadcast %jit3A_170 : f32 to vector<512x256xf32>
    %select_n3A_172 = arith.select %eq3A_169, %select_n3A_161, %broadcast_in_dim3A_171 : vector<512x256xi1>, vector<512x256xf32>
    %reduce_min3A_173 = arith.constant dense<0x7F800000> : vector<512xf32>
    %reduce_min3A_174 = vector.multi_reduction <minimumf>, %select_n3A_172, %reduce_min3A_173 [1] : vector<512x256xf32> to vector<512xf32>
    %broadcast_in_dim3A_175 = vector.shape_cast %reduce_min3A_174 : vector<512xf32> to vector<512x1xf32>
    %eq3A_176 = vector.broadcast %broadcast_in_dim3A_175 : vector<512x1xf32> to vector<512x256xf32>
    %eq3A_177 = arith.cmpf oeq, %select_n3A_172, %eq3A_176 : vector<512x256xf32>
    %select_n3A_178 = arith.select %eq3A_177, %select_n3A_164, %select_n3A_159 : vector<512x256xi1>, vector<512x256xf32>
    %sub3A_179 = arith.subf %add3A_34, %select_n3A_161 : vector<512x256xf32>
    %select_n3A_180 = arith.select %eq3A_177, %sub3A_179, %select_n3A_161 : vector<512x256xi1>, vector<512x256xf32>
    %jit3A_181 = arith.constant 0x7F800000 : f32
    %broadcast_in_dim3A_182 = vector.broadcast %jit3A_181 : f32 to vector<512x256xf32>
    %select_n3A_183 = arith.select %eq3A_177, %broadcast_in_dim3A_182, %select_n3A_164 : vector<512x256xi1>, vector<512x256xf32>
    %reduce_min3A_184 = arith.constant dense<0x7F800000> : vector<512xf32>
    %reduce_min3A_185 = vector.multi_reduction <minimumf>, %select_n3A_178, %reduce_min3A_184 [1] : vector<512x256xf32> to vector<512xf32>
    %broadcast_in_dim3A_186 = vector.shape_cast %reduce_min3A_185 : vector<512xf32> to vector<512x1xf32>
    %eq3A_187 = vector.broadcast %broadcast_in_dim3A_186 : vector<512x1xf32> to vector<512x256xf32>
    %eq3A_188 = arith.cmpf oeq, %select_n3A_178, %eq3A_187 : vector<512x256xf32>
    %jit3A_189 = arith.constant 1.024000e+03 : f32
    %broadcast_in_dim3A_190 = vector.broadcast %jit3A_189 : f32 to vector<512x256xf32>
    %select_n3A_191 = arith.select %eq3A_188, %select_n3A_180, %broadcast_in_dim3A_190 : vector<512x256xi1>, vector<512x256xf32>
    %reduce_min3A_192 = arith.constant dense<0x7F800000> : vector<512xf32>
    %reduce_min3A_193 = vector.multi_reduction <minimumf>, %select_n3A_191, %reduce_min3A_192 [1] : vector<512x256xf32> to vector<512xf32>
    %broadcast_in_dim3A_194 = vector.shape_cast %reduce_min3A_193 : vector<512xf32> to vector<512x1xf32>
    %eq3A_195 = vector.broadcast %broadcast_in_dim3A_194 : vector<512x1xf32> to vector<512x256xf32>
    %eq3A_196 = arith.cmpf oeq, %select_n3A_191, %eq3A_195 : vector<512x256xf32>
    %select_n3A_197 = arith.select %eq3A_196, %select_n3A_183, %select_n3A_178 : vector<512x256xi1>, vector<512x256xf32>
    %sub3A_198 = arith.subf %add3A_34, %select_n3A_180 : vector<512x256xf32>
    %select_n3A_199 = arith.select %eq3A_196, %sub3A_198, %select_n3A_180 : vector<512x256xi1>, vector<512x256xf32>
    %jit3A_200 = arith.constant 0x7F800000 : f32
    %broadcast_in_dim3A_201 = vector.broadcast %jit3A_200 : f32 to vector<512x256xf32>
    %select_n3A_202 = arith.select %eq3A_196, %broadcast_in_dim3A_201, %select_n3A_183 : vector<512x256xi1>, vector<512x256xf32>
    %reduce_min3A_203 = arith.constant dense<0x7F800000> : vector<512xf32>
    %reduce_min3A_204 = vector.multi_reduction <minimumf>, %select_n3A_197, %reduce_min3A_203 [1] : vector<512x256xf32> to vector<512xf32>
    %broadcast_in_dim3A_205 = vector.shape_cast %reduce_min3A_204 : vector<512xf32> to vector<512x1xf32>
    %eq3A_206 = vector.broadcast %broadcast_in_dim3A_205 : vector<512x1xf32> to vector<512x256xf32>
    %eq3A_207 = arith.cmpf oeq, %select_n3A_197, %eq3A_206 : vector<512x256xf32>
    %jit3A_208 = arith.constant 1.024000e+03 : f32
    %broadcast_in_dim3A_209 = vector.broadcast %jit3A_208 : f32 to vector<512x256xf32>
    %select_n3A_210 = arith.select %eq3A_207, %select_n3A_199, %broadcast_in_dim3A_209 : vector<512x256xi1>, vector<512x256xf32>
    %reduce_min3A_211 = arith.constant dense<0x7F800000> : vector<512xf32>
    %reduce_min3A_212 = vector.multi_reduction <minimumf>, %select_n3A_210, %reduce_min3A_211 [1] : vector<512x256xf32> to vector<512xf32>
    %broadcast_in_dim3A_213 = vector.shape_cast %reduce_min3A_212 : vector<512xf32> to vector<512x1xf32>
    %eq3A_214 = vector.broadcast %broadcast_in_dim3A_213 : vector<512x1xf32> to vector<512x256xf32>
    %eq3A_215 = arith.cmpf oeq, %select_n3A_210, %eq3A_214 : vector<512x256xf32>
    %select_n3A_216 = arith.select %eq3A_215, %select_n3A_202, %select_n3A_197 : vector<512x256xi1>, vector<512x256xf32>
    %sub3A_217 = arith.subf %add3A_34, %select_n3A_199 : vector<512x256xf32>
    %select_n3A_218 = arith.select %eq3A_215, %sub3A_217, %select_n3A_199 : vector<512x256xi1>, vector<512x256xf32>
    %jit3A_219 = arith.constant 0x7F800000 : f32
    %broadcast_in_dim3A_220 = vector.broadcast %jit3A_219 : f32 to vector<512x256xf32>
    %select_n3A_221 = arith.select %eq3A_215, %broadcast_in_dim3A_220, %select_n3A_202 : vector<512x256xi1>, vector<512x256xf32>
    %reduce_min3A_222 = arith.constant dense<0x7F800000> : vector<512xf32>
    %reduce_min3A_223 = vector.multi_reduction <minimumf>, %select_n3A_216, %reduce_min3A_222 [1] : vector<512x256xf32> to vector<512xf32>
    %broadcast_in_dim3A_224 = vector.shape_cast %reduce_min3A_223 : vector<512xf32> to vector<512x1xf32>
    %eq3A_225 = vector.broadcast %broadcast_in_dim3A_224 : vector<512x1xf32> to vector<512x256xf32>
    %eq3A_226 = arith.cmpf oeq, %select_n3A_216, %eq3A_225 : vector<512x256xf32>
    %jit3A_227 = arith.constant 1.024000e+03 : f32
    %broadcast_in_dim3A_228 = vector.broadcast %jit3A_227 : f32 to vector<512x256xf32>
    %select_n3A_229 = arith.select %eq3A_226, %select_n3A_218, %broadcast_in_dim3A_228 : vector<512x256xi1>, vector<512x256xf32>
    %reduce_min3A_230 = arith.constant dense<0x7F800000> : vector<512xf32>
    %reduce_min3A_231 = vector.multi_reduction <minimumf>, %select_n3A_229, %reduce_min3A_230 [1] : vector<512x256xf32> to vector<512xf32>
    %broadcast_in_dim3A_232 = vector.shape_cast %reduce_min3A_231 : vector<512xf32> to vector<512x1xf32>
    %eq3A_233 = vector.broadcast %broadcast_in_dim3A_232 : vector<512x1xf32> to vector<512x256xf32>
    %eq3A_234 = arith.cmpf oeq, %select_n3A_229, %eq3A_233 : vector<512x256xf32>
    %select_n3A_235 = arith.select %eq3A_234, %select_n3A_221, %select_n3A_216 : vector<512x256xi1>, vector<512x256xf32>
    %sub3A_236 = arith.subf %add3A_34, %select_n3A_218 : vector<512x256xf32>
    %select_n3A_237 = arith.select %eq3A_234, %sub3A_236, %select_n3A_218 : vector<512x256xi1>, vector<512x256xf32>
    %jit3A_238 = arith.constant 0x7F800000 : f32
    %broadcast_in_dim3A_239 = vector.broadcast %jit3A_238 : f32 to vector<512x256xf32>
    %select_n3A_240 = arith.select %eq3A_234, %broadcast_in_dim3A_239, %select_n3A_221 : vector<512x256xi1>, vector<512x256xf32>
    %reduce_min3A_241 = arith.constant dense<0x7F800000> : vector<512xf32>
    %reduce_min3A_242 = vector.multi_reduction <minimumf>, %select_n3A_235, %reduce_min3A_241 [1] : vector<512x256xf32> to vector<512xf32>
    %broadcast_in_dim3A_243 = vector.shape_cast %reduce_min3A_242 : vector<512xf32> to vector<512x1xf32>
    %eq3A_244 = vector.broadcast %broadcast_in_dim3A_243 : vector<512x1xf32> to vector<512x256xf32>
    %eq3A_245 = arith.cmpf oeq, %select_n3A_235, %eq3A_244 : vector<512x256xf32>
    %jit3A_246 = arith.constant 1.024000e+03 : f32
    %broadcast_in_dim3A_247 = vector.broadcast %jit3A_246 : f32 to vector<512x256xf32>
    %select_n3A_248 = arith.select %eq3A_245, %select_n3A_237, %broadcast_in_dim3A_247 : vector<512x256xi1>, vector<512x256xf32>
    %reduce_min3A_249 = arith.constant dense<0x7F800000> : vector<512xf32>
    %reduce_min3A_250 = vector.multi_reduction <minimumf>, %select_n3A_248, %reduce_min3A_249 [1] : vector<512x256xf32> to vector<512xf32>
    %broadcast_in_dim3A_251 = vector.shape_cast %reduce_min3A_250 : vector<512xf32> to vector<512x1xf32>
    %eq3A_252 = vector.broadcast %broadcast_in_dim3A_251 : vector<512x1xf32> to vector<512x256xf32>
    %eq3A_253 = arith.cmpf oeq, %select_n3A_248, %eq3A_252 : vector<512x256xf32>
    %select_n3A_254 = arith.select %eq3A_253, %select_n3A_240, %select_n3A_235 : vector<512x256xi1>, vector<512x256xf32>
    %sub3A_255 = arith.subf %add3A_34, %select_n3A_237 : vector<512x256xf32>
    %select_n3A_256 = arith.select %eq3A_253, %sub3A_255, %select_n3A_237 : vector<512x256xi1>, vector<512x256xf32>
    %jit3A_257 = arith.constant 0x7F800000 : f32
    %broadcast_in_dim3A_258 = vector.broadcast %jit3A_257 : f32 to vector<512x256xf32>
    %select_n3A_259 = arith.select %eq3A_253, %broadcast_in_dim3A_258, %select_n3A_240 : vector<512x256xi1>, vector<512x256xf32>
    %reduce_min3A_260 = arith.constant dense<0x7F800000> : vector<512xf32>
    %reduce_min3A_261 = vector.multi_reduction <minimumf>, %select_n3A_254, %reduce_min3A_260 [1] : vector<512x256xf32> to vector<512xf32>
    %broadcast_in_dim3A_262 = vector.shape_cast %reduce_min3A_261 : vector<512xf32> to vector<512x1xf32>
    %eq3A_263 = vector.broadcast %broadcast_in_dim3A_262 : vector<512x1xf32> to vector<512x256xf32>
    %eq3A_264 = arith.cmpf oeq, %select_n3A_254, %eq3A_263 : vector<512x256xf32>
    %jit3A_265 = arith.constant 1.024000e+03 : f32
    %broadcast_in_dim3A_266 = vector.broadcast %jit3A_265 : f32 to vector<512x256xf32>
    %select_n3A_267 = arith.select %eq3A_264, %select_n3A_256, %broadcast_in_dim3A_266 : vector<512x256xi1>, vector<512x256xf32>
    %reduce_min3A_268 = arith.constant dense<0x7F800000> : vector<512xf32>
    %reduce_min3A_269 = vector.multi_reduction <minimumf>, %select_n3A_267, %reduce_min3A_268 [1] : vector<512x256xf32> to vector<512xf32>
    %broadcast_in_dim3A_270 = vector.shape_cast %reduce_min3A_269 : vector<512xf32> to vector<512x1xf32>
    %eq3A_271 = vector.broadcast %broadcast_in_dim3A_270 : vector<512x1xf32> to vector<512x256xf32>
    %eq3A_272 = arith.cmpf oeq, %select_n3A_267, %eq3A_271 : vector<512x256xf32>
    %select_n3A_273 = arith.select %eq3A_272, %select_n3A_259, %select_n3A_254 : vector<512x256xi1>, vector<512x256xf32>
    %sub3A_274 = arith.subf %add3A_34, %select_n3A_256 : vector<512x256xf32>
    %select_n3A_275 = arith.select %eq3A_272, %sub3A_274, %select_n3A_256 : vector<512x256xi1>, vector<512x256xf32>
    %jit3A_276 = arith.constant 0x7F800000 : f32
    %broadcast_in_dim3A_277 = vector.broadcast %jit3A_276 : f32 to vector<512x256xf32>
    %select_n3A_278 = arith.select %eq3A_272, %broadcast_in_dim3A_277, %select_n3A_259 : vector<512x256xi1>, vector<512x256xf32>
    %reduce_min3A_279 = arith.constant dense<0x7F800000> : vector<512xf32>
    %reduce_min3A_280 = vector.multi_reduction <minimumf>, %select_n3A_273, %reduce_min3A_279 [1] : vector<512x256xf32> to vector<512xf32>
    %broadcast_in_dim3A_281 = vector.shape_cast %reduce_min3A_280 : vector<512xf32> to vector<512x1xf32>
    %eq3A_282 = vector.broadcast %broadcast_in_dim3A_281 : vector<512x1xf32> to vector<512x256xf32>
    %eq3A_283 = arith.cmpf oeq, %select_n3A_273, %eq3A_282 : vector<512x256xf32>
    %jit3A_284 = arith.constant 1.024000e+03 : f32
    %broadcast_in_dim3A_285 = vector.broadcast %jit3A_284 : f32 to vector<512x256xf32>
    %select_n3A_286 = arith.select %eq3A_283, %select_n3A_275, %broadcast_in_dim3A_285 : vector<512x256xi1>, vector<512x256xf32>
    %reduce_min3A_287 = arith.constant dense<0x7F800000> : vector<512xf32>
    %reduce_min3A_288 = vector.multi_reduction <minimumf>, %select_n3A_286, %reduce_min3A_287 [1] : vector<512x256xf32> to vector<512xf32>
    %broadcast_in_dim3A_289 = vector.shape_cast %reduce_min3A_288 : vector<512xf32> to vector<512x1xf32>
    %eq3A_290 = vector.broadcast %broadcast_in_dim3A_289 : vector<512x1xf32> to vector<512x256xf32>
    %eq3A_291 = arith.cmpf oeq, %select_n3A_286, %eq3A_290 : vector<512x256xf32>
    %select_n3A_292 = arith.select %eq3A_291, %select_n3A_278, %select_n3A_273 : vector<512x256xi1>, vector<512x256xf32>
    %sub3A_293 = arith.subf %add3A_34, %select_n3A_275 : vector<512x256xf32>
    %select_n3A_294 = arith.select %eq3A_291, %sub3A_293, %select_n3A_275 : vector<512x256xi1>, vector<512x256xf32>
    %jit3A_295 = arith.constant 0x7F800000 : f32
    %broadcast_in_dim3A_296 = vector.broadcast %jit3A_295 : f32 to vector<512x256xf32>
    %select_n3A_297 = arith.select %eq3A_291, %broadcast_in_dim3A_296, %select_n3A_278 : vector<512x256xi1>, vector<512x256xf32>
    %reduce_min3A_298 = arith.constant dense<0x7F800000> : vector<512xf32>
    %reduce_min3A_299 = vector.multi_reduction <minimumf>, %select_n3A_292, %reduce_min3A_298 [1] : vector<512x256xf32> to vector<512xf32>
    %broadcast_in_dim3A_300 = vector.shape_cast %reduce_min3A_299 : vector<512xf32> to vector<512x1xf32>
    %eq3A_301 = vector.broadcast %broadcast_in_dim3A_300 : vector<512x1xf32> to vector<512x256xf32>
    %eq3A_302 = arith.cmpf oeq, %select_n3A_292, %eq3A_301 : vector<512x256xf32>
    %jit3A_303 = arith.constant 1.024000e+03 : f32
    %broadcast_in_dim3A_304 = vector.broadcast %jit3A_303 : f32 to vector<512x256xf32>
    %select_n3A_305 = arith.select %eq3A_302, %select_n3A_294, %broadcast_in_dim3A_304 : vector<512x256xi1>, vector<512x256xf32>
    %reduce_min3A_306 = arith.constant dense<0x7F800000> : vector<512xf32>
    %reduce_min3A_307 = vector.multi_reduction <minimumf>, %select_n3A_305, %reduce_min3A_306 [1] : vector<512x256xf32> to vector<512xf32>
    %broadcast_in_dim3A_308 = vector.shape_cast %reduce_min3A_307 : vector<512xf32> to vector<512x1xf32>
    %eq3A_309 = vector.broadcast %broadcast_in_dim3A_308 : vector<512x1xf32> to vector<512x256xf32>
    %eq3A_310 = arith.cmpf oeq, %select_n3A_305, %eq3A_309 : vector<512x256xf32>
    %select_n3A_311 = arith.select %eq3A_310, %select_n3A_297, %select_n3A_292 : vector<512x256xi1>, vector<512x256xf32>
    %sub3A_312 = arith.subf %add3A_34, %select_n3A_294 : vector<512x256xf32>
    %select_n3A_313 = arith.select %eq3A_310, %sub3A_312, %select_n3A_294 : vector<512x256xi1>, vector<512x256xf32>
    %jit3A_314 = arith.constant 0x7F800000 : f32
    %broadcast_in_dim3A_315 = vector.broadcast %jit3A_314 : f32 to vector<512x256xf32>
    %select_n3A_316 = arith.select %eq3A_310, %broadcast_in_dim3A_315, %select_n3A_297 : vector<512x256xi1>, vector<512x256xf32>
    %reduce_min3A_317 = arith.constant dense<0x7F800000> : vector<512xf32>
    %reduce_min3A_318 = vector.multi_reduction <minimumf>, %select_n3A_311, %reduce_min3A_317 [1] : vector<512x256xf32> to vector<512xf32>
    %broadcast_in_dim3A_319 = vector.shape_cast %reduce_min3A_318 : vector<512xf32> to vector<512x1xf32>
    %eq3A_320 = vector.broadcast %broadcast_in_dim3A_319 : vector<512x1xf32> to vector<512x256xf32>
    %eq3A_321 = arith.cmpf oeq, %select_n3A_311, %eq3A_320 : vector<512x256xf32>
    %jit3A_322 = arith.constant 1.024000e+03 : f32
    %broadcast_in_dim3A_323 = vector.broadcast %jit3A_322 : f32 to vector<512x256xf32>
    %select_n3A_324 = arith.select %eq3A_321, %select_n3A_313, %broadcast_in_dim3A_323 : vector<512x256xi1>, vector<512x256xf32>
    %reduce_min3A_325 = arith.constant dense<0x7F800000> : vector<512xf32>
    %reduce_min3A_326 = vector.multi_reduction <minimumf>, %select_n3A_324, %reduce_min3A_325 [1] : vector<512x256xf32> to vector<512xf32>
    %broadcast_in_dim3A_327 = vector.shape_cast %reduce_min3A_326 : vector<512xf32> to vector<512x1xf32>
    %eq3A_328 = vector.broadcast %broadcast_in_dim3A_327 : vector<512x1xf32> to vector<512x256xf32>
    %eq3A_329 = arith.cmpf oeq, %select_n3A_324, %eq3A_328 : vector<512x256xf32>
    %select_n3A_330 = arith.select %eq3A_329, %select_n3A_316, %select_n3A_311 : vector<512x256xi1>, vector<512x256xf32>
    %sub3A_331 = arith.subf %add3A_34, %select_n3A_313 : vector<512x256xf32>
    %select_n3A_332 = arith.select %eq3A_329, %sub3A_331, %select_n3A_313 : vector<512x256xi1>, vector<512x256xf32>
    %reduce_min3A_333 = arith.constant dense<0x7F800000> : vector<512xf32>
    %reduce_min3A_334 = vector.multi_reduction <minimumf>, %select_n3A_330, %reduce_min3A_333 [1] : vector<512x256xf32> to vector<512xf32>
    %broadcast_in_dim3A_335 = vector.shape_cast %reduce_min3A_334 : vector<512xf32> to vector<512x1xf32>
    %eq3A_336 = vector.broadcast %broadcast_in_dim3A_335 : vector<512x1xf32> to vector<512x256xf32>
    %eq3A_337 = arith.cmpf oeq, %select_n3A_330, %eq3A_336 : vector<512x256xf32>
    %jit3A_338 = arith.constant 1.024000e+03 : f32
    %broadcast_in_dim3A_339 = vector.broadcast %jit3A_338 : f32 to vector<512x256xf32>
    %select_n3A_340 = arith.select %eq3A_337, %select_n3A_332, %broadcast_in_dim3A_339 : vector<512x256xi1>, vector<512x256xf32>
    %reduce_min3A_341 = arith.constant dense<0x7F800000> : vector<512xf32>
    %reduce_min3A_342 = vector.multi_reduction <minimumf>, %select_n3A_340, %reduce_min3A_341 [1] : vector<512x256xf32> to vector<512xf32>
    %broadcast_in_dim3A_343 = vector.shape_cast %reduce_min3A_342 : vector<512xf32> to vector<512x1xf32>
    %concatenate3A = tpu.concatenate %broadcast_in_dim3A_61, %broadcast_in_dim3A_80, %broadcast_in_dim3A_99, %broadcast_in_dim3A_118, %broadcast_in_dim3A_137, %broadcast_in_dim3A_156, %broadcast_in_dim3A_175, %broadcast_in_dim3A_194, %broadcast_in_dim3A_213, %broadcast_in_dim3A_232, %broadcast_in_dim3A_251, %broadcast_in_dim3A_270, %broadcast_in_dim3A_289, %broadcast_in_dim3A_308, %broadcast_in_dim3A_327, %broadcast_in_dim3A_343 in 1 : vector<512x1xf32>, vector<512x1xf32>, vector<512x1xf32>, vector<512x1xf32>, vector<512x1xf32>, vector<512x1xf32>, vector<512x1xf32>, vector<512x1xf32>, vector<512x1xf32>, vector<512x1xf32>, vector<512x1xf32>, vector<512x1xf32>, vector<512x1xf32>, vector<512x1xf32>, vector<512x1xf32>, vector<512x1xf32> -> vector<512x16xf32>
    %convert_element_type3A_344 = arith.fptosi %concatenate3A : vector<512x16xf32> to vector<512x16xi32>
    %mul3A_345 = arith.constant 512 : i32
    %mul3A_346 = arith.muli %add3A_0, %mul3A_345 : i32
    %add3A_347 = vector.broadcast %mul3A_346 : i32 to vector<512x16xi32>
    %add3A_348 = arith.addi %convert_element_type3A_344, %add3A_347 : vector<512x16xi32>
    %swap3A = arith.constant 0 : index
    %swap3A_349 = arith.constant 0 : index
    %swap3A_350 = arith.constant 0 : index
    %swap3A_351 = vector.load %arg3[%swap3A, %swap3A_349, %swap3A_350] : memref<1x512x16xi32, #tpu.memory_space<vmem>>, vector<1x512x16xi32>
    %swap3A_352 = vector.shape_cast %swap3A_351 : vector<1x512x16xi32> to vector<512x16xi32>
    %swap3A_353 = vector.shape_cast %add3A_348 : vector<512x16xi32> to vector<1x512x16xi32>
    tpu.vector_store %arg3[%swap3A, %swap3A_349, %swap3A_350], %swap3A_353 {strides = array<i32>} : memref<1x512x16xi32, #tpu.memory_space<vmem>>, vector<1x512x16xi32>,
    return
  }
  func.func @transform_0(%arg0: i32) -> (i32, i32, i32) {
    %add3A = arith.constant 0 : i32
    %add3A_0 = arith.addi %arg0, %add3A : i32
    %c0_i32 = arith.constant 0 : i32
    %c0_i32_1 = arith.constant 0 : i32
    %c0_i32_2 = arith.constant 0 : i32
    return %add3A_0, %c0_i32, %c0_i32_1 : i32, i32, i32
  }
  func.func @transform_1(%arg0: i32) -> (i32, i32, i32) {
    %add3A = arith.constant 0 : i32
    %add3A_0 = arith.addi %arg0, %add3A : i32
    %c0_i32 = arith.constant 0 : i32
    %c0_i32_1 = arith.constant 0 : i32
    %c0_i32_2 = arith.constant 0 : i32
    return %add3A_0, %c0_i32, %c0_i32_1 : i32, i32, i32
  }
  func.func @transform_2(%arg0: i32) -> (i32, i32, i32) {
    %c0_i32 = arith.constant 0 : i32
    %c0_i32_0 = arith.constant 0 : i32
    %c0_i32_1 = arith.constant 0 : i32
    return %arg0, %c0_i32, %c0_i32_0 : i32, i32, i32
  }
}

module attributes {stable_mosaic.version = 14 : i64} {
  func.func @_mlp_body(%arg0: i32, %arg1: memref<1x2048x128xf32, #tpu.memory_space<vmem>>, %arg2: memref<1x512x32xf32, #tpu.memory_space<vmem>>, %arg3: memref<32x128xf32, #tpu.memory_space<vmem>>, %arg4: memref<32x128xf32, #tpu.memory_space<vmem>>, %arg5: memref<128x64xf32, #tpu.memory_space<vmem>>, %arg6: memref<1x128xf32, #tpu.memory_space<vmem>>, %arg7: memref<1x64xf32, #tpu.memory_space<vmem>>, %arg8: memref<1x512x64xf32, #tpu.memory_space<vmem>>) attributes {dimension_semantics = [#tpu.dimension_semantics<arbitrary>], iteration_bounds = array<i64: 64>, scalar_prefetch = 0 : i64, scratch_operands = 0 : i64, tpu.core_type = #tpu.core_type<tc>, window_params = [{transform_indices = @transform_0, window_bounds = array<i64: 1, 2048, 128>}, {transform_indices = @transform_1, window_bounds = array<i64: 1, 512, 32>}, {pipeline_mode = #tpu.pipeline_mode<synchronous>, transform_indices = @transform_2, window_bounds = array<i64: 32, 128>}, {pipeline_mode = #tpu.pipeline_mode<synchronous>, transform_indices = @transform_3, window_bounds = array<i64: 32, 128>}, {pipeline_mode = #tpu.pipeline_mode<synchronous>, transform_indices = @transform_4, window_bounds = array<i64: 128, 64>}, {pipeline_mode = #tpu.pipeline_mode<synchronous>, transform_indices = @transform_5, window_bounds = array<i64: 1, 128>}, {pipeline_mode = #tpu.pipeline_mode<synchronous>, transform_indices = @transform_6, window_bounds = array<i64: 1, 64>}, {transform_indices = @transform_7, window_bounds = array<i64: 1, 512, 64>}]} {
    %get3A = arith.constant 0 : index
    %get3A_0 = arith.constant 0 : index
    %get3A_1 = arith.constant 0 : index
    %get3A_2 = vector.load %arg1[%get3A, %get3A_0, %get3A_1] : memref<1x2048x128xf32, #tpu.memory_space<vmem>>, vector<1x2048x128xf32>
    %get3A_3 = vector.shape_cast %get3A_2 : vector<1x2048x128xf32> to vector<2048x128xf32>
    %slice3A = vector.extract_strided_slice %get3A_3 {offsets = [0, 0], sizes = [2048, 32], strides = [1, 1]} : vector<2048x128xf32> to vector<2048x32xf32>
    %slice3A_4 = vector.extract_strided_slice %get3A_3 {offsets = [0, 32], sizes = [2048, 32], strides = [1, 1]} : vector<2048x128xf32> to vector<2048x32xf32>
    %slice3A_5 = vector.extract_strided_slice %get3A_3 {offsets = [0, 64], sizes = [2048, 32], strides = [1, 1]} : vector<2048x128xf32> to vector<2048x32xf32>
    %slice3A_6 = vector.extract_strided_slice %get3A_3 {offsets = [0, 96], sizes = [2048, 32], strides = [1, 1]} : vector<2048x128xf32> to vector<2048x32xf32>
    %concatenate3A = tpu.concatenate %slice3A, %slice3A_4, %slice3A_5, %slice3A_6 in 0 : vector<2048x32xf32>, vector<2048x32xf32>, vector<2048x32xf32>, vector<2048x32xf32> -> vector<8192x32xf32>
    %get3A_7 = arith.constant 0 : index
    %get3A_8 = arith.constant 0 : index
    %get3A_9 = arith.constant 0 : index
    %get3A_10 = vector.load %arg2[%get3A_7, %get3A_8, %get3A_9] : memref<1x512x32xf32, #tpu.memory_space<vmem>>, vector<1x512x32xf32>
    %get3A_11 = vector.shape_cast %get3A_10 : vector<1x512x32xf32> to vector<512x32xf32>
    %get3A_12 = arith.constant 0 : index
    %get3A_13 = arith.constant 0 : index
    %get3A_14 = vector.load %arg4[%get3A_12, %get3A_13] : memref<32x128xf32, #tpu.memory_space<vmem>>, vector<32x128xf32>
    %dot_general3A = arith.constant dense<0.000000e+00> : vector<512x128xf32>
    %dot_general3A_15 = tpu.matmul %get3A_11, %get3A_14, %dot_general3A {dimension_numbers = #tpu.dot_dimension_numbers<[1], [0], [0], [1], [0, 0, 1, 1], [], []>, transpose_lhs_hint = false} : vector<512x32xf32>, vector<32x128xf32>, vector<512x128xf32> -> vector<512x128xf32>
    %get3A_16 = arith.constant 0 : index
    %get3A_17 = arith.constant 0 : index
    %get3A_18 = vector.load %arg6[%get3A_16, %get3A_17] : memref<1x128xf32, #tpu.memory_space<vmem>>, vector<1x128xf32>
    %add3A = vector.broadcast %get3A_18 : vector<1x128xf32> to vector<512x128xf32>
    %add3A_19 = arith.addf %dot_general3A_15, %add3A : vector<512x128xf32>
    %broadcast_in_dim3A = vector.shape_cast %add3A_19 : vector<512x128xf32> to vector<512x1x128xf32>
    %broadcast_in_dim3A_20 = vector.shape_cast %broadcast_in_dim3A : vector<512x1x128xf32> to vector<512x1x128xf32>
    %broadcast_in_dim3A_21 = vector.broadcast %broadcast_in_dim3A_20 : vector<512x1x128xf32> to vector<512x4x128xf32>
    %reshape3A = vector.shape_cast %broadcast_in_dim3A_21 : vector<512x4x128xf32> to vector<2048x128xf32>
    %concatenate3A_22 = tpu.concatenate %reshape3A, %reshape3A, %reshape3A, %reshape3A in 0 : vector<2048x128xf32>, vector<2048x128xf32>, vector<2048x128xf32>, vector<2048x128xf32> -> vector<8192x128xf32>
    %get3A_23 = arith.constant 0 : index
    %get3A_24 = arith.constant 0 : index
    %get3A_25 = vector.load %arg3[%get3A_23, %get3A_24] : memref<32x128xf32, #tpu.memory_space<vmem>>, vector<32x128xf32>
    %dot_general3A_26 = arith.constant dense<0.000000e+00> : vector<8192x128xf32>
    %dot_general3A_27 = tpu.matmul %concatenate3A, %get3A_25, %dot_general3A_26 {dimension_numbers = #tpu.dot_dimension_numbers<[1], [0], [0], [1], [0, 0, 1, 1], [], []>, transpose_lhs_hint = false} : vector<8192x32xf32>, vector<32x128xf32>, vector<8192x128xf32> -> vector<8192x128xf32>
    %add3A_28 = arith.addf %dot_general3A_27, %concatenate3A_22 : vector<8192x128xf32>
    %mul3A = arith.constant 5.000000e-01 : f32
    %mul3A_29 = vector.broadcast %mul3A : f32 to vector<8192x128xf32>
    %mul3A_30 = arith.mulf %mul3A_29, %add3A_28 : vector<8192x128xf32>
    %mul3A_31 = arith.constant 0.707106769 : f32
    %mul3A_32 = vector.broadcast %mul3A_31 : f32 to vector<8192x128xf32>
    %mul3A_33 = arith.mulf %add3A_28, %mul3A_32 : vector<8192x128xf32>
    %erf3A = math.erf %mul3A_33 : vector<8192x128xf32>
    %add3A_34 = arith.constant 1.000000e+00 : f32
    %add3A_35 = vector.broadcast %add3A_34 : f32 to vector<8192x128xf32>
    %add3A_36 = arith.addf %add3A_35, %erf3A : vector<8192x128xf32>
    %mul3A_37 = arith.mulf %mul3A_30, %add3A_36 : vector<8192x128xf32>
    %get3A_38 = arith.constant 0 : index
    %get3A_39 = arith.constant 0 : index
    %get3A_40 = vector.load %arg5[%get3A_38, %get3A_39] : memref<128x64xf32, #tpu.memory_space<vmem>>, vector<128x64xf32>
    %dot_general3A_41 = arith.constant dense<0.000000e+00> : vector<8192x64xf32>
    %dot_general3A_42 = tpu.matmul %mul3A_37, %get3A_40, %dot_general3A_41 {dimension_numbers = #tpu.dot_dimension_numbers<[1], [0], [0], [1], [0, 0, 1, 1], [], []>, transpose_lhs_hint = false} : vector<8192x128xf32>, vector<128x64xf32>, vector<8192x64xf32> -> vector<8192x64xf32>
    %get3A_43 = arith.constant 0 : index
    %get3A_44 = arith.constant 0 : index
    %get3A_45 = vector.load %arg7[%get3A_43, %get3A_44] : memref<1x64xf32, #tpu.memory_space<vmem>>, vector<1x64xf32>
    %add3A_46 = vector.broadcast %get3A_45 : vector<1x64xf32> to vector<8192x64xf32>
    %add3A_47 = arith.addf %dot_general3A_42, %add3A_46 : vector<8192x64xf32>
    %mul3A_48 = arith.constant 5.000000e-01 : f32
    %mul3A_49 = vector.broadcast %mul3A_48 : f32 to vector<8192x64xf32>
    %mul3A_50 = arith.mulf %mul3A_49, %add3A_47 : vector<8192x64xf32>
    %mul3A_51 = arith.constant 0.707106769 : f32
    %mul3A_52 = vector.broadcast %mul3A_51 : f32 to vector<8192x64xf32>
    %mul3A_53 = arith.mulf %add3A_47, %mul3A_52 : vector<8192x64xf32>
    %erf3A_54 = math.erf %mul3A_53 : vector<8192x64xf32>
    %add3A_55 = arith.constant 1.000000e+00 : f32
    %add3A_56 = vector.broadcast %add3A_55 : f32 to vector<8192x64xf32>
    %add3A_57 = arith.addf %add3A_56, %erf3A_54 : vector<8192x64xf32>
    %mul3A_58 = arith.mulf %mul3A_50, %add3A_57 : vector<8192x64xf32>
    %reshape3A_59 = vector.shape_cast %mul3A_58 : vector<8192x64xf32> to vector<4x2048x64xf32>
    %reduce_sum3A = arith.constant dense<0.000000e+00> : vector<2048x64xf32>
    %reduce_sum3A_60 = vector.multi_reduction <add>, %reshape3A_59, %reduce_sum3A [0] : vector<4x2048x64xf32> to vector<2048x64xf32>
    %reshape3A_61 = vector.shape_cast %reduce_sum3A_60 : vector<2048x64xf32> to vector<512x4x64xf32>
    %reduce_sum3A_62 = arith.constant dense<0.000000e+00> : vector<512x64xf32>
    %reduce_sum3A_63 = vector.multi_reduction <add>, %reshape3A_61, %reduce_sum3A_62 [1] : vector<512x4x64xf32> to vector<512x64xf32>
    %mul3A_64 = arith.constant 6.250000e-02 : f32
    %mul3A_65 = vector.broadcast %mul3A_64 : f32 to vector<512x64xf32>
    %mul3A_66 = arith.mulf %reduce_sum3A_63, %mul3A_65 : vector<512x64xf32>
    %swap3A = arith.constant 0 : index
    %swap3A_67 = arith.constant 0 : index
    %swap3A_68 = arith.constant 0 : index
    %swap3A_69 = vector.load %arg8[%swap3A, %swap3A_67, %swap3A_68] : memref<1x512x64xf32, #tpu.memory_space<vmem>>, vector<1x512x64xf32>
    %swap3A_70 = vector.shape_cast %swap3A_69 : vector<1x512x64xf32> to vector<512x64xf32>
    %swap3A_71 = vector.shape_cast %mul3A_66 : vector<512x64xf32> to vector<1x512x64xf32>
    tpu.vector_store %arg8[%swap3A, %swap3A_67, %swap3A_68], %swap3A_71 {strides = array<i32>} : memref<1x512x64xf32, #tpu.memory_space<vmem>>, vector<1x512x64xf32>,
    return
  }
  func.func @transform_0(%arg0: i32) -> (i32, i32, i32) {
    %c0_i32 = arith.constant 0 : i32
    %c0_i32_0 = arith.constant 0 : i32
    %c0_i32_1 = arith.constant 0 : i32
    return %arg0, %c0_i32, %c0_i32_0 : i32, i32, i32
  }
  func.func @transform_1(%arg0: i32) -> (i32, i32, i32) {
    %add3A = arith.constant 64 : i32
    %add3A_0 = arith.addi %arg0, %add3A : i32
    %c0_i32 = arith.constant 0 : i32
    %c0_i32_1 = arith.constant 0 : i32
    %c0_i32_2 = arith.constant 0 : i32
    return %add3A_0, %c0_i32, %c0_i32_1 : i32, i32, i32
  }
  func.func @transform_2(%arg0: i32) -> (i32, i32) {
    %c0_i32 = arith.constant 0 : i32
    %c0_i32_0 = arith.constant 0 : i32
    %c0_i32_1 = arith.constant 0 : i32
    return %c0_i32, %c0_i32_0 : i32, i32
  }
  func.func @transform_3(%arg0: i32) -> (i32, i32) {
    %c0_i32 = arith.constant 0 : i32
    %c0_i32_0 = arith.constant 0 : i32
    %c0_i32_1 = arith.constant 0 : i32
    return %c0_i32, %c0_i32_0 : i32, i32
  }
  func.func @transform_4(%arg0: i32) -> (i32, i32) {
    %c0_i32 = arith.constant 0 : i32
    %c0_i32_0 = arith.constant 0 : i32
    %c0_i32_1 = arith.constant 0 : i32
    return %c0_i32, %c0_i32_0 : i32, i32
  }
  func.func @transform_5(%arg0: i32) -> (i32, i32) {
    %c0_i32 = arith.constant 0 : i32
    %c0_i32_0 = arith.constant 0 : i32
    %c0_i32_1 = arith.constant 0 : i32
    return %c0_i32, %c0_i32_0 : i32, i32
  }
  func.func @transform_6(%arg0: i32) -> (i32, i32) {
    %c0_i32 = arith.constant 0 : i32
    %c0_i32_0 = arith.constant 0 : i32
    %c0_i32_1 = arith.constant 0 : i32
    return %c0_i32, %c0_i32_0 : i32, i32
  }
  func.func @transform_7(%arg0: i32) -> (i32, i32, i32) {
    %c0_i32 = arith.constant 0 : i32
    %c0_i32_0 = arith.constant 0 : i32
    %c0_i32_1 = arith.constant 0 : i32
    return %arg0, %c0_i32, %c0_i32_0 : i32, i32, i32
  }
}

module attributes {stable_mosaic.version = 14 : i64} {
  func.func @_mlp_body(%arg0: i32, %arg1: memref<1x2048x128xf32, #tpu.memory_space<vmem>>, %arg2: memref<1x512x32xf32, #tpu.memory_space<vmem>>, %arg3: memref<32x128xf32, #tpu.memory_space<vmem>>, %arg4: memref<32x128xf32, #tpu.memory_space<vmem>>, %arg5: memref<128x64xf32, #tpu.memory_space<vmem>>, %arg6: memref<1x128xf32, #tpu.memory_space<vmem>>, %arg7: memref<1x64xf32, #tpu.memory_space<vmem>>, %arg8: memref<1x512x64xf32, #tpu.memory_space<vmem>>) attributes {dimension_semantics = [#tpu.dimension_semantics<arbitrary>], iteration_bounds = array<i64: 64>, scalar_prefetch = 0 : i64, scratch_operands = 0 : i64, tpu.core_type = #tpu.core_type<tc>, window_params = [{transform_indices = @transform_0, window_bounds = array<i64: 1, 2048, 128>}, {transform_indices = @transform_1, window_bounds = array<i64: 1, 512, 32>}, {pipeline_mode = #tpu.pipeline_mode<synchronous>, transform_indices = @transform_2, window_bounds = array<i64: 32, 128>}, {pipeline_mode = #tpu.pipeline_mode<synchronous>, transform_indices = @transform_3, window_bounds = array<i64: 32, 128>}, {pipeline_mode = #tpu.pipeline_mode<synchronous>, transform_indices = @transform_4, window_bounds = array<i64: 128, 64>}, {pipeline_mode = #tpu.pipeline_mode<synchronous>, transform_indices = @transform_5, window_bounds = array<i64: 1, 128>}, {pipeline_mode = #tpu.pipeline_mode<synchronous>, transform_indices = @transform_6, window_bounds = array<i64: 1, 64>}, {transform_indices = @transform_7, window_bounds = array<i64: 1, 512, 64>}]} {
    %get3A = arith.constant 0 : index
    %get3A_0 = arith.constant 0 : index
    %get3A_1 = arith.constant 0 : index
    %get3A_2 = vector.load %arg1[%get3A, %get3A_0, %get3A_1] : memref<1x2048x128xf32, #tpu.memory_space<vmem>>, vector<1x2048x128xf32>
    %get3A_3 = vector.shape_cast %get3A_2 : vector<1x2048x128xf32> to vector<2048x128xf32>
    %slice3A = vector.extract_strided_slice %get3A_3 {offsets = [0, 0], sizes = [2048, 32], strides = [1, 1]} : vector<2048x128xf32> to vector<2048x32xf32>
    %slice3A_4 = vector.extract_strided_slice %get3A_3 {offsets = [0, 32], sizes = [2048, 32], strides = [1, 1]} : vector<2048x128xf32> to vector<2048x32xf32>
    %slice3A_5 = vector.extract_strided_slice %get3A_3 {offsets = [0, 64], sizes = [2048, 32], strides = [1, 1]} : vector<2048x128xf32> to vector<2048x32xf32>
    %slice3A_6 = vector.extract_strided_slice %get3A_3 {offsets = [0, 96], sizes = [2048, 32], strides = [1, 1]} : vector<2048x128xf32> to vector<2048x32xf32>
    %concatenate3A = tpu.concatenate %slice3A, %slice3A_4, %slice3A_5, %slice3A_6 in 0 : vector<2048x32xf32>, vector<2048x32xf32>, vector<2048x32xf32>, vector<2048x32xf32> -> vector<8192x32xf32>
    %get3A_7 = arith.constant 0 : index
    %get3A_8 = arith.constant 0 : index
    %get3A_9 = arith.constant 0 : index
    %get3A_10 = vector.load %arg2[%get3A_7, %get3A_8, %get3A_9] : memref<1x512x32xf32, #tpu.memory_space<vmem>>, vector<1x512x32xf32>
    %get3A_11 = vector.shape_cast %get3A_10 : vector<1x512x32xf32> to vector<512x32xf32>
    %get3A_12 = arith.constant 0 : index
    %get3A_13 = arith.constant 0 : index
    %get3A_14 = vector.load %arg4[%get3A_12, %get3A_13] : memref<32x128xf32, #tpu.memory_space<vmem>>, vector<32x128xf32>
    %dot_general3A = arith.constant dense<0.000000e+00> : vector<512x128xf32>
    %dot_general3A_15 = tpu.matmul %get3A_11, %get3A_14, %dot_general3A {dimension_numbers = #tpu.dot_dimension_numbers<[1], [0], [0], [1], [0, 0, 1, 1], [], []>, transpose_lhs_hint = false} : vector<512x32xf32>, vector<32x128xf32>, vector<512x128xf32> -> vector<512x128xf32>
    %get3A_16 = arith.constant 0 : index
    %get3A_17 = arith.constant 0 : index
    %get3A_18 = vector.load %arg6[%get3A_16, %get3A_17] : memref<1x128xf32, #tpu.memory_space<vmem>>, vector<1x128xf32>
    %add3A = vector.broadcast %get3A_18 : vector<1x128xf32> to vector<512x128xf32>
    %add3A_19 = arith.addf %dot_general3A_15, %add3A : vector<512x128xf32>
    %broadcast_in_dim3A = vector.shape_cast %add3A_19 : vector<512x128xf32> to vector<512x1x128xf32>
    %broadcast_in_dim3A_20 = vector.shape_cast %broadcast_in_dim3A : vector<512x1x128xf32> to vector<512x1x128xf32>
    %broadcast_in_dim3A_21 = vector.broadcast %broadcast_in_dim3A_20 : vector<512x1x128xf32> to vector<512x4x128xf32>
    %reshape3A = vector.shape_cast %broadcast_in_dim3A_21 : vector<512x4x128xf32> to vector<2048x128xf32>
    %concatenate3A_22 = tpu.concatenate %reshape3A, %reshape3A, %reshape3A, %reshape3A in 0 : vector<2048x128xf32>, vector<2048x128xf32>, vector<2048x128xf32>, vector<2048x128xf32> -> vector<8192x128xf32>
    %get3A_23 = arith.constant 0 : index
    %get3A_24 = arith.constant 0 : index
    %get3A_25 = vector.load %arg3[%get3A_23, %get3A_24] : memref<32x128xf32, #tpu.memory_space<vmem>>, vector<32x128xf32>
    %dot_general3A_26 = arith.constant dense<0.000000e+00> : vector<8192x128xf32>
    %dot_general3A_27 = tpu.matmul %concatenate3A, %get3A_25, %dot_general3A_26 {dimension_numbers = #tpu.dot_dimension_numbers<[1], [0], [0], [1], [0, 0, 1, 1], [], []>, transpose_lhs_hint = false} : vector<8192x32xf32>, vector<32x128xf32>, vector<8192x128xf32> -> vector<8192x128xf32>
    %add3A_28 = arith.addf %dot_general3A_27, %concatenate3A_22 : vector<8192x128xf32>
    %mul3A = arith.constant 5.000000e-01 : f32
    %mul3A_29 = vector.broadcast %mul3A : f32 to vector<8192x128xf32>
    %mul3A_30 = arith.mulf %mul3A_29, %add3A_28 : vector<8192x128xf32>
    %mul3A_31 = arith.constant 0.707106769 : f32
    %mul3A_32 = vector.broadcast %mul3A_31 : f32 to vector<8192x128xf32>
    %mul3A_33 = arith.mulf %add3A_28, %mul3A_32 : vector<8192x128xf32>
    %erf3A = math.erf %mul3A_33 : vector<8192x128xf32>
    %add3A_34 = arith.constant 1.000000e+00 : f32
    %add3A_35 = vector.broadcast %add3A_34 : f32 to vector<8192x128xf32>
    %add3A_36 = arith.addf %add3A_35, %erf3A : vector<8192x128xf32>
    %mul3A_37 = arith.mulf %mul3A_30, %add3A_36 : vector<8192x128xf32>
    %get3A_38 = arith.constant 0 : index
    %get3A_39 = arith.constant 0 : index
    %get3A_40 = vector.load %arg5[%get3A_38, %get3A_39] : memref<128x64xf32, #tpu.memory_space<vmem>>, vector<128x64xf32>
    %dot_general3A_41 = arith.constant dense<0.000000e+00> : vector<8192x64xf32>
    %dot_general3A_42 = tpu.matmul %mul3A_37, %get3A_40, %dot_general3A_41 {dimension_numbers = #tpu.dot_dimension_numbers<[1], [0], [0], [1], [0, 0, 1, 1], [], []>, transpose_lhs_hint = false} : vector<8192x128xf32>, vector<128x64xf32>, vector<8192x64xf32> -> vector<8192x64xf32>
    %get3A_43 = arith.constant 0 : index
    %get3A_44 = arith.constant 0 : index
    %get3A_45 = vector.load %arg7[%get3A_43, %get3A_44] : memref<1x64xf32, #tpu.memory_space<vmem>>, vector<1x64xf32>
    %add3A_46 = vector.broadcast %get3A_45 : vector<1x64xf32> to vector<8192x64xf32>
    %add3A_47 = arith.addf %dot_general3A_42, %add3A_46 : vector<8192x64xf32>
    %mul3A_48 = arith.constant 5.000000e-01 : f32
    %mul3A_49 = vector.broadcast %mul3A_48 : f32 to vector<8192x64xf32>
    %mul3A_50 = arith.mulf %mul3A_49, %add3A_47 : vector<8192x64xf32>
    %mul3A_51 = arith.constant 0.707106769 : f32
    %mul3A_52 = vector.broadcast %mul3A_51 : f32 to vector<8192x64xf32>
    %mul3A_53 = arith.mulf %add3A_47, %mul3A_52 : vector<8192x64xf32>
    %erf3A_54 = math.erf %mul3A_53 : vector<8192x64xf32>
    %add3A_55 = arith.constant 1.000000e+00 : f32
    %add3A_56 = vector.broadcast %add3A_55 : f32 to vector<8192x64xf32>
    %add3A_57 = arith.addf %add3A_56, %erf3A_54 : vector<8192x64xf32>
    %mul3A_58 = arith.mulf %mul3A_50, %add3A_57 : vector<8192x64xf32>
    %reshape3A_59 = vector.shape_cast %mul3A_58 : vector<8192x64xf32> to vector<4x2048x64xf32>
    %reduce_sum3A = arith.constant dense<0.000000e+00> : vector<2048x64xf32>
    %reduce_sum3A_60 = vector.multi_reduction <add>, %reshape3A_59, %reduce_sum3A [0] : vector<4x2048x64xf32> to vector<2048x64xf32>
    %reshape3A_61 = vector.shape_cast %reduce_sum3A_60 : vector<2048x64xf32> to vector<512x4x64xf32>
    %reduce_sum3A_62 = arith.constant dense<0.000000e+00> : vector<512x64xf32>
    %reduce_sum3A_63 = vector.multi_reduction <add>, %reshape3A_61, %reduce_sum3A_62 [1] : vector<512x4x64xf32> to vector<512x64xf32>
    %mul3A_64 = arith.constant 6.250000e-02 : f32
    %mul3A_65 = vector.broadcast %mul3A_64 : f32 to vector<512x64xf32>
    %mul3A_66 = arith.mulf %reduce_sum3A_63, %mul3A_65 : vector<512x64xf32>
    %swap3A = arith.constant 0 : index
    %swap3A_67 = arith.constant 0 : index
    %swap3A_68 = arith.constant 0 : index
    %swap3A_69 = vector.load %arg8[%swap3A, %swap3A_67, %swap3A_68] : memref<1x512x64xf32, #tpu.memory_space<vmem>>, vector<1x512x64xf32>
    %swap3A_70 = vector.shape_cast %swap3A_69 : vector<1x512x64xf32> to vector<512x64xf32>
    %swap3A_71 = vector.shape_cast %mul3A_66 : vector<512x64xf32> to vector<1x512x64xf32>
    tpu.vector_store %arg8[%swap3A, %swap3A_67, %swap3A_68], %swap3A_71 {strides = array<i32>} : memref<1x512x64xf32, #tpu.memory_space<vmem>>, vector<1x512x64xf32>,
    return
  }
  func.func @transform_0(%arg0: i32) -> (i32, i32, i32) {
    %c0_i32 = arith.constant 0 : i32
    %c0_i32_0 = arith.constant 0 : i32
    %c0_i32_1 = arith.constant 0 : i32
    return %arg0, %c0_i32, %c0_i32_0 : i32, i32, i32
  }
  func.func @transform_1(%arg0: i32) -> (i32, i32, i32) {
    %add3A = arith.constant 0 : i32
    %add3A_0 = arith.addi %arg0, %add3A : i32
    %c0_i32 = arith.constant 0 : i32
    %c0_i32_1 = arith.constant 0 : i32
    %c0_i32_2 = arith.constant 0 : i32
    return %add3A_0, %c0_i32, %c0_i32_1 : i32, i32, i32
  }
  func.func @transform_2(%arg0: i32) -> (i32, i32) {
    %c0_i32 = arith.constant 0 : i32
    %c0_i32_0 = arith.constant 0 : i32
    %c0_i32_1 = arith.constant 0 : i32
    return %c0_i32, %c0_i32_0 : i32, i32
  }
  func.func @transform_3(%arg0: i32) -> (i32, i32) {
    %c0_i32 = arith.constant 0 : i32
    %c0_i32_0 = arith.constant 0 : i32
    %c0_i32_1 = arith.constant 0 : i32
    return %c0_i32, %c0_i32_0 : i32, i32
  }
  func.func @transform_4(%arg0: i32) -> (i32, i32) {
    %c0_i32 = arith.constant 0 : i32
    %c0_i32_0 = arith.constant 0 : i32
    %c0_i32_1 = arith.constant 0 : i32
    return %c0_i32, %c0_i32_0 : i32, i32
  }
  func.func @transform_5(%arg0: i32) -> (i32, i32) {
    %c0_i32 = arith.constant 0 : i32
    %c0_i32_0 = arith.constant 0 : i32
    %c0_i32_1 = arith.constant 0 : i32
    return %c0_i32, %c0_i32_0 : i32, i32
  }
  func.func @transform_6(%arg0: i32) -> (i32, i32) {
    %c0_i32 = arith.constant 0 : i32
    %c0_i32_0 = arith.constant 0 : i32
    %c0_i32_1 = arith.constant 0 : i32
    return %c0_i32, %c0_i32_0 : i32, i32
  }
  func.func @transform_7(%arg0: i32) -> (i32, i32, i32) {
    %c0_i32 = arith.constant 0 : i32
    %c0_i32_0 = arith.constant 0 : i32
    %c0_i32_1 = arith.constant 0 : i32
    return %arg0, %c0_i32, %c0_i32_0 : i32, i32, i32
  }
}

</mosaic_0001>

<sc_bundles>
// kernel: kernel.11.cloned.1.call-start
scs
__scs_entry_jumppad:
0x0: {  	(pc) =	sbr.rel $0x88, $3  }
0x1: {  	(tag) =	ssettag $0x0;
	lr =	simm.s32 $0x1  }
0x2: {  	[smem:$0x3F9B] =	sst lr;
	_ =	strace $0xD0000000  }
0x3: {  	_ = 	snop  }
0x4: {  	_ = 	snop  }
0x5: {  	_ = 	snop  }
0x6: {  	_ = 	snop  }
0x7: {  	_ = 	snop  }
__scs_overlays_trampoline_lowered:
0x8: {  	[smem:$0x3FAA] =	sst s0  }
0x9: {  	[smem:$0x3FAB] =	sst s1  }
0xa: {  	[smem:$0x3FAC] =	sst s2  }
0xb: {  	[smem:$0x3FAD] =	sst s3  }
0xc: {  	[smem:$0x3FAE] =	sst s4  }
0xd: {  	[smem:$0x3FAF] =	sst s5  }
0xe: {  	[smem:$0x3FB0] =	sst s6  }
0xf: {  	[smem:$0x3FB1] =	sst s7  }
0x10: {  	[smem:$0x3FB2] =	sst s8  }
0x11: {  	[smem:$0x3FB3] =	sst s9;
	s0 =	simm.s32 @!p0 $0x0  }
0x12: {  	s1 =	sld [smem:$0x3F99];
	s0 =	simm.s32 @p0 $0x1  }
0x13: {  	[smem:$0x3FB4] =	sst s0;
	s0 =	simm.s32 @!p1 $0x0  }
0x14: {  	s2 =	sld [smem:$0x3F98];
	s0 =	simm.s32 @p1 $0x1  }
0x15: {  	[smem:$0x3FB5] =	sst s0;
	s0 =	simm.s32 @!p2 $0x0  }
0x16: {  	s3 =	sld [smem:$0x3FDB];
	s0 =	simm.s32 @p2 $0x1  }
0x17: {  	s4 =	simm.s32 $0x1BF5;
	[smem:$0x3FB7] =	sst s0  }
0x18: {  	s0 =	sld [smem:$0x3F9A];
	_ =	swait.ge [sflag:s4], $0x0  }
0x19: {  	s7 =	sld [smem:$0x3F9B]  }
0x1a: {  	s8 =	sadd.s32 $0xFFFFE003, lr  }
0x1b: {  	s9 =	sadd.s32 $0xFFFFFEF7, lr;
	s5 =	simm.s32 $0xFFFFFFFF;
	p2 =	slt.u32 s8, $0xFFFFF086  }
0x1c: {  	p1 =	slt.u32 s9, $0xF7A;
	s5 =	simm.s32 @!p2 $0x0  }
0x1d: {  	s5 =	simm.s32 @p1 $0x1;
	p0 =	seq.s32 s7, s2  }
0x1e: {  	s7 =	smul.u32 @!p0 $0xF7A, s2;
	p2 =	seq.s32 @!p0 s5, $0x0  }
0x1f: {  	s9 =	smul.u32 $0xF7A, s1;
	s8 =	simm.s32 @!p0 $0x1BF5;
	p2 =	por !p2, p0  }
0x20: {  	[sflag:s8] =	ssyncset.s32 @!p0 $0xFFFFF086;
	s6 =	sadd.s32 @!p0 s3, s7;
	s7 =	simm.s32 @!p0 $0x108  }
0x21: {  	s3 =	sadd.s32 s3, s9;
	s6 =	sadd.s32 @!p0 $0x88, s6;
	s7 =	simm.s32 @p2 $0x1082  }
0x22: {  	[simem:s7], [sflag:s8] =	dma.local @!p0 [hbm:s6], $0xF7A  }
0x23: {  	s9 =	sor.u32 $0xD0000000, s2;
	s6 =	simm.s32 $0x108;
	_ =	swait.ge @!p0 [sflag:s8], $0x0  }
0x24: {  	s3 =	sadd.s32 $0x88, s3;
	s6 =	simm.s32 @!p1 $0x1082;
	[sflag:s4] =	ssyncset.s32 $0xFFFFF086  }
0x25: {  	[simem:s6], [sflag:s4] =	dma.local [hbm:s3], $0xF7A  }
0x26: {  	[smem:$0x3F9B] =	sst s1;
	(tag) =	ssettag s2;
	_ =	strace s9  }
0x27: {  	s1 =	sld [smem:$0x3FAB]  }
0x28: {  	s2 =	sld [smem:$0x3FAC]  }
0x29: {  	s4 =	sld [smem:$0x3FAE]  }
0x2a: {  	p0 =	seq.s32 s5, $0x0;
	s5 =	sld [smem:$0x3FAF]  }
0x2b: {  	s6 =	sld [smem:$0x3FB0]  }
0x2c: {  	s7 =	sld [smem:$0x3FB1]  }
0x2d: {  	s3 =	simm.s32 $0x108;
	s8 =	sld [smem:$0x3FB2]  }
0x2e: {  	s3 =	simm.s32 @!p0 $0x1082;
	s9 =	sld [smem:$0x3FB3]  }
0x2f: {  	lr =	sadd.s32 s0, s3;
	s0 =	sld [smem:$0x3FAA]  }
0x30: {  	s3 =	sld [smem:$0x3FAD]  }
0x31: {  	[smem:$0x3FB6] =	sst s10  }
0x32: {  	s10 =	sld [smem:$0x3FB4];
	_ =	sdelay $0x3  }
0x33: {  	p0 =	seq.s32 s10, $0x1;
	s10 =	sld [smem:$0x3FB6];
	_ =	sdelay $0x3  }
0x34: {  	[smem:$0x3FB6] =	sst s10  }
0x35: {  	s10 =	sld [smem:$0x3FB5];
	_ =	sdelay $0x3  }
0x36: {  	p1 =	seq.s32 s10, $0x1;
	s10 =	sld [smem:$0x3FB6];
	_ =	sdelay $0x3  }
0x37: {  	[smem:$0x3FB6] =	sst s10  }
0x38: {  	s10 =	sld [smem:$0x3FB7]  }
0x39: {  	_ = 	snop;
	(pc) =	sbr.ind lr, $3  }
0x3a: {  	_ = 	snop  }
0x3b: {  	_ = 	snop  }
0x3c: {  	p2 =	seq.s32 s10, $0x1;
	s10 =	sld [smem:$0x3FB6]  }
0x3d: {  	_ =	shalt  }
0x3e: {  	_ =	shalt  }
0x3f: {  	_ =	shalt  }
0x40: {  	_ =	shalt  }
0x41: {  	_ =	shalt  }
0x42: {  	_ =	shalt  }
0x43: {  	_ =	shalt  }
0x44: {  	_ =	shalt  }
0x45: {  	_ =	shalt  }
0x46: {  	_ =	shalt  }
0x47: {  	_ =	shalt  }
0x48: {  	_ =	shalt  }
0x49: {  	_ =	shalt  }
0x4a: {  	_ =	shalt  }
0x4b: {  	_ =	shalt  }
0x4c: {  	_ =	shalt  }
0x4d: {  	_ =	shalt  }
0x4e: {  	_ =	shalt  }
0x4f: {  	_ =	shalt  }
0x50: {  	_ =	shalt  }
0x51: {  	_ =	shalt  }
0x52: {  	_ =	shalt  }
0x53: {  	_ =	shalt  }
0x54: {  	_ =	shalt  }
0x55: {  	_ =	shalt  }
0x56: {  	_ =	shalt  }
0x57: {  	_ =	shalt  }
0x58: {  	_ =	shalt  }
0x59: {  	_ =	shalt  }
0x5a: {  	_ =	shalt  }
0x5b: {  	_ =	shalt  }
0x5c: {  	_ =	shalt  }
0x5d: {  	_ =	shalt  }
0x5e: {  	_ =	shalt  }
0x5f: {  	_ =	shalt  }
0x60: {  	_ =	shalt  }
0x61: {  	_ =	shalt  }
0x62: {  	_ =	shalt  }
0x63: {  	_ =	shalt  }
0x64: {  	_ =	shalt  }
0x65: {  	_ =	shalt  }
0x66: {  	_ =	shalt  }
0x67: {  	_ =	shalt  }
0x68: {  	_ =	shalt  }
0x69: {  	_ =	shalt  }
0x6a: {  	_ =	shalt  }
0x6b: {  	_ =	shalt  }
0x6c: {  	_ =	shalt  }
0x6d: {  	_ =	shalt  }
0x6e: {  	_ =	shalt  }
0x6f: {  	_ =	shalt  }
0x70: {  	_ =	shalt  }
0x71: {  	_ =	shalt  }
0x72: {  	_ =	shalt  }
0x73: {  	_ =	shalt  }
0x74: {  	_ =	shalt  }
0x75: {  	_ =	shalt  }
0x76: {  	_ =	shalt  }
0x77: {  	_ =	shalt  }
0x78: {  	_ =	shalt  }
0x79: {  	_ =	shalt  }
0x7a: {  	_ =	shalt  }
0x7b: {  	_ =	shalt  }
0x7c: {  	_ =	shalt  }
0x7d: {  	_ =	shalt  }
0x7e: {  	_ =	shalt  }
0x7f: {  	_ =	shalt  }
0x80: {  	_ =	shalt  }
0x81: {  	_ =	shalt  }
0x82: {  	_ =	shalt  }
0x83: {  	_ =	shalt  }
0x84: {  	_ =	shalt  }
0x85: {  	_ =	shalt  }
0x86: {  	_ =	shalt  }
0x87: {  	_ =	shalt  }
.Lfunc_end0:
.L_simem_size_0:
called_computation.1_lowered:
.L_overlay_start_0:
0x88: {  	s2 =	sld [smem:$0x3FD9]  }
0x89: {  	s3 =	sld [smem:$0x3FFE];
	_ =	sdelay $0x1  }
0x8a: {  	s1 =	srdreg.scid  }
0x8b: {  	s0 =	sand.u32 $0x1, s1  }
0x8c: {  	s17 =	sshll.u32 s0, $0xA;
	s2 =	sadd.s32 s3, s2  }
0x8d: {  	s2 =	sadd.s32 s2, s17  }
0x8e: {  	[smem:$0x3FC2] =	sst s2  }
0x8f: {  	_ = 	snop  }
0x90: {  	s2 =	sld [smem:$0x3FD0];
	(tm) =	ssettm $0x1  }
0x91: {  	s18 =	sld [smem:$0x3FFB];
	_ =	sdelay $0x3  }
0x92: {  	_ =	strace s18  }
0x93: {  	s3 =	sld [smem:$0x3FFC];
	_ =	sdelay $0x3  }
0x94: {  	_ =	strace s3  }
0x95: {  	s3 =	sld [smem:$0x3FFD];
	_ =	sdelay $0x3  }
0x96: {  	_ =	strace s3  }
0x97: {  	_ =	strace $0x8FFFFFFF  }
0x98: {  	s19 =	sld [smem:$0x3FDB];
	_ =	sdelay $0x1  }
0x99: {  	s4 =	simm.s32 $_scs_section_size  }
0x9a: {  	s5 =	simm.s32 $_size__tile_overlayer_lowered;
	s6 =	simm.s32 $_tile_overlayer_lowered  }
0x9b: {  	s22 =	simm.s32 $0x1BFF;
	s21 =	sshll.u32 s6, $0x1;
	s3 =	sadd.s32 s4, s19  }
0x9c: {  	s7 =	simm.s32 $0x0;
	s20 =	sshll.u32 s5, $0x1;
	s5 =	sadd.s32 s21, s3  }
0x9d: {  	[timem:s7], [sflag:s22] =	dma.local [hbm:s5], s20  }
0x9e: {  	_ =	swait.ge [sflag:s22], s20  }
0x9f: {  	s4 =	ssub.s32 $0x0, s20;
	[sflag:s22] =	ssyncset.done $0x0  }
0xa0: {  	[sflag:s22] =	ssyncadd.s32 s4;
	_ =	sdelay $0x1  }
0xa1: {  	s23 =	simm.s32 $0x1B8B  }
0xa2: {  	_ =	swait.ge [sflag:s23], $0x1  }
0xa3: {  	[sflag:s23] =	ssyncset.done $0x0  }
0xa4: {  	s25 =	simm.s32 $0x1B8E;
	s24 =	sld [smem:$0x3FFE];
	[sflag:s23] =	ssyncadd.s32 $0xFFFFFFFF  }
0xa5: {  	s26 =	simm.s32 $execute0_lowered;
	[smem:$0x3FD2] =	sst s25  }
0xa6: {  	s5 =	sshll.u32 s26, $0x1;
	_ =	strace $0x80000046;
	[dreg:$0x1] =	wrdreg $0xFFFFFFFF  }
0xa7: {  	s28 =	simm.s32 $_size_execute0_lowered;
	s3 =	sadd.s32 s3, s5;
	[dreg:$0x0] =	wrdreg $0x0  }
0xa8: {  	s5 =	sshll.u32 s28, $0x1;
	[dreg:$0x2] =	wrdreg s3  }
0xa9: {  	[dreg:$0x3] =	wrdreg s5  }
0xaa: {  	[dreg:$0x4] =	wrdreg $0xC0  }
0xab: {  	_ =	task [dreg:s7], $0x5FFFF  }
0xac: {  	[dreg:$0x1] =	wrdreg $0xFFFFFFFF  }
0xad: {  	[dreg:$0x0] =	wrdreg $0x60  }
0xae: {  	[dreg:$0x2] =	wrdreg s2  }
0xaf: {  	[dreg:$0x3] =	wrdreg s24  }
0xb0: {  	[dreg:$0x4] =	wrdreg $0xA  }
0xb1: {  	_ =	task.clear_ibuf [dreg:s7], $0x5FFFF;
	_ =	strace $0x90000046  }
0xb2: {  	s29 =	simm.s32 $0xA;
	_ =	strace $0x80000048  }
0xb3: {  	_ =	swait.ge [sflag:s29], $0x1  }
0xb4: {  	[sflag:s29] =	ssyncadd.s32 $0xFFFFFFFF  }
0xb5: {  	_ =	strace $0x90000048  }
0xb6: {  	_ =	sfence  }
0xb7: {  	s30 =	sld [smem:$0x0];
	_ =	sdelay $0x2  }
0xb8: {  	s31 =	sshll.u32 s1, $0xD;
	s1 =	sshrl.u32 s1, $0x2  }
0xb9: {  	s3 =	sand.u32 $0x4000, s31;
	s1 =	sadd.s32 s1, s30  }
0xba: {  	s0 =	sor.u32 s3, s0;
	s1 =	sshll.u32 s1, $0x11  }
0xbb: {  	s0 =	sor.u32 s1, s0  }
0xbc: {  	s0 =	sadd.s32 $0x8F2B, s0  }
0xbd: {  	[sflag:s0] =	ssyncadd.remote.s32 $0x1  }
0xbe: {  	_ =	sfence.sel $0xFFFF  }
0xbf: {  	[dreg:$0x0] =	wrdreg $0xFFFFFFFF;
	(pc) =	sbr.abs _section_cstart, $3  }
0xc0: {  	[dreg:$0x1] =	wrdreg $0xFFFFFFFF  }
0xc1: {  	_ =	task.clear_ibuf [dreg:s7], $0x2FFFF;
	_ =	strace $0x9FFFFFFF  }
0xc2: {  	(tm) =	ssettm $0x7FFFFFFF  }
0xc3: {  	_ =	shalt  }
tec
execute0_lowered:
.L_overlay_start_1:
0x0: {  	(tag) =	ssettag $0x1  }
0x1: {  	s4 =	rddreg [dreg:$0x0]  }
0x2: {  	s5 =	rddreg [dreg:$0x1]  }
0x3: {  	s0 =	rddreg [dreg:$0x2]  }
0x4: {  	s2 =	simm.s32 $0x0;
	s1 =	stileid.u32;
	s7 =	srdreg.scid  }
0x5: {  	s11 =	simm.s32 $0x6000;
	s12 =	simm.s32 $0x7000;
	s13 =	simm.s32 $0x1  }
0x6: {  	s14 =	simm.s32 $0x2;
	s15 =	simm.s32 $0x3;
	s16 =	simm.s32 $0x4  }
0x7: {  	s17 =	simm.s32 $0x5;
	s18 =	simm.s32 $0x6;
	s19 =	simm.s32 $0x7  }
0x8: {  	s20 =	simm.s32 $0x8;
	s21 =	simm.s32 $0x0;
	[smem:$0x7FF] =	sst s2  }
0x9: {  	s6 =	sshll.u32 s1, $0x11;
	s3 =	sadd.s32 $0x201C00, s5;
	s31 =	sand.u32 $0x1, s7  }
0xa: {  	s8 =	sshll.u32 s1, $0xF;
	_ =	strace $0x80000047;
	s5 =	sadd.s32 s6, s5  }
0xb: {  	s7 =	ssub.s32 $0x2, s31;
	s9 =	sshll.u32 s31, $0xE;
	s6 =	sshll.u32 s31, $0x10  }
0xc: {  	s10 =	sshrl.u32 s7, $0x1;
	s8 =	sor.u32 s9, s8;
	s6 =	sadd.s32 s6, s5  }
0xd: {  	s9 =	simm.s32 $0x4000;
	s7 =	ssub.s32 s7, s10;
	s8 =	sshrl.u32 s8, $0x3  }
0xe: {  	s6 =	sadd.s32 $0x241C00, s6;
	s10 =	simm.s32 $0x5000;
	s4 =	sadd.s32 s4, s8  }
0xf: {  	s5 =	smax.u32 s7, $0x1;
	s7 =	simm.s32 $0x9;
	s8 =	simm.s32 $0x80  }
.LBB2_1:
0x10: {  	[tilespmem:s2], [sflag:$0x9] =	stream.linear.gather [hbm4b:s4+s2], $0x4000, $0x38;
	[tilespmem:$0x8000] =	vst v63  }
0x11: {  	_ =	swait.ge [sflag:s7], $0x4000  }
0x12: {  	[sflag:s7] =	ssyncset.done $0x0  }
0x13: {  	s22 =	simm.s32 $0x0;
	[sflag:s7] =	ssyncadd.s32 $0xFFFFC000  }
0x14: {  	[tilespmem:s9], [sflag:$0x1] =	stream.indirect.gather [hbm4b:s3+s8], $0x20, s22, s8, $0xb8;
	[tilespmem:$0x8000] =	vst v63  }
0x15: {  	s26 =	simm.s32 $0x80  }
0x16: {  	[tilespmem:s10], [sflag:$0x2] =	stream.indirect.gather [hbm4b:s3+s8], $0x20, s26, s8, $0xb8;
	[tilespmem:$0x8000] =	vst v63  }
0x17: {  	s28 =	simm.s32 $0x100  }
0x18: {  	[tilespmem:s11], [sflag:$0x3] =	stream.indirect.gather [hbm4b:s3+s8], $0x20, s28, s8, $0xb8;
	[tilespmem:$0x8000] =	vst v63  }
0x19: {  	s29 =	simm.s32 $0x180  }
0x1a: {  	[tilespmem:s12], [sflag:$0x4] =	stream.indirect.gather [hbm4b:s3+s8], $0x20, s29, s8, $0xb8;
	[tilespmem:$0x8000] =	vst v63  }
0x1b: {  	_ =	swait.ge [sflag:s13], $0x1000  }
0x1c: {  	[sflag:s13] =	ssyncset.done $0x0  }
0x1d: {  	s30 =	sadd.s32 $0x0, s6;
	[sflag:s13] =	ssyncadd.s32 $0xFFFFF000  }
0x1e: {  	[hbm4b:s30+s2] =	stream.linear.scatter [tilespmem:s9], [sflag:$0x5], $0x1000, $0x38;
	[tilespmem:$0x8000] =	vst v63  }
0x1f: {  	_ =	swait.ge [sflag:s14], $0x1000  }
0x20: {  	[sflag:s14] =	ssyncset.done $0x0  }
0x21: {  	s23 =	sadd.s32 $0x200, s30;
	[sflag:s14] =	ssyncadd.s32 $0xFFFFF000  }
0x22: {  	[hbm4b:s23+s2] =	stream.linear.scatter [tilespmem:s10], [sflag:$0x6], $0x1000, $0x38;
	[tilespmem:$0x8000] =	vst v63  }
0x23: {  	_ =	swait.ge [sflag:s15], $0x1000  }
0x24: {  	[sflag:s15] =	ssyncset.done $0x0  }
0x25: {  	s31 =	sadd.s32 $0x400, s30;
	[sflag:s15] =	ssyncadd.s32 $0xFFFFF000  }
0x26: {  	[hbm4b:s31+s2] =	stream.linear.scatter [tilespmem:s11], [sflag:$0x7], $0x1000, $0x38;
	[tilespmem:$0x8000] =	vst v63  }
0x27: {  	_ =	swait.ge [sflag:s16], $0x1000  }
0x28: {  	[sflag:s16] =	ssyncset.done $0x0  }
0x29: {  	s22 =	sadd.s32 $0x600, s30;
	[sflag:s16] =	ssyncadd.s32 $0xFFFFF000  }
0x2a: {  	[hbm4b:s22+s2] =	stream.linear.scatter [tilespmem:s12], [sflag:$0x8], $0x1000, $0x38;
	[tilespmem:$0x8000] =	vst v63  }
0x2b: {  	_ =	swait.ge [sflag:s17], $0x1000  }
0x2c: {  	[sflag:s17] =	ssyncset.done $0x0  }
0x2d: {  	[sflag:s17] =	ssyncadd.s32 $0xFFFFF000  }
0x2e: {  	_ =	swait.ge [sflag:s18], $0x1000  }
0x2f: {  	[sflag:s18] =	ssyncset.done $0x0  }
0x30: {  	[sflag:s18] =	ssyncadd.s32 $0xFFFFF000  }
0x31: {  	_ =	swait.ge [sflag:s19], $0x1000  }
0x32: {  	[sflag:s19] =	ssyncset.done $0x0  }
0x33: {  	[sflag:s19] =	ssyncadd.s32 $0xFFFFF000  }
0x34: {  	_ =	swait.ge [sflag:s20], $0x1000  }
0x35: {  	s24 =	simm.s32 $0x1000;
	s22 =	simm.s32 $0x800;
	[sflag:s20] =	ssyncset.done $0x0  }
.LBB2_2:
0x36: {  	s25 =	sshra.s32 s22, $0x2  }
0x37: {  	[sflag:s20] =	ssyncadd.s32 $0xFFFFF000;
	s26 =	smov.u32 s24;
	s23 =	sadd.s32 $0x800, s24  }
0x38: {  	[tilespmem:s9], [sflag:$0x1] =	stream.indirect.gather [hbm4b:s3+s8], $0x20, s25, s8, $0xb8;
	[tilespmem:$0x8000] =	vst v63  }
0x39: {  	p0 =	sne.s32 s24, $0xF800;
	s24 =	sadd.s32 $0x80, s25  }
0x3a: {  	[tilespmem:s10], [sflag:$0x2] =	stream.indirect.gather [hbm4b:s3+s8], $0x20, s24, s8, $0xb8;
	[tilespmem:$0x8000] =	vst v63  }
0x3b: {  	s24 =	sadd.s32 $0x100, s25  }
0x3c: {  	[tilespmem:s11], [sflag:$0x3] =	stream.indirect.gather [hbm4b:s3+s8], $0x20, s24, s8, $0xb8;
	[tilespmem:$0x8000] =	vst v63  }
0x3d: {  	s24 =	sadd.s32 $0x180, s25  }
0x3e: {  	[tilespmem:s12], [sflag:$0x4] =	stream.indirect.gather [hbm4b:s3+s8], $0x20, s24, s8, $0xb8;
	[tilespmem:$0x8000] =	vst v63  }
0x3f: {  	_ =	swait.ge [sflag:s13], $0x1000  }
0x40: {  	[sflag:s13] =	ssyncset.done $0x0  }
0x41: {  	s24 =	sadd.s32 s22, s6;
	s22 =	smov.u32 s26;
	[sflag:s13] =	ssyncadd.s32 $0xFFFFF000  }
0x42: {  	[hbm4b:s24+s2] =	stream.linear.scatter [tilespmem:s9], [sflag:$0x5], $0x1000, $0x38;
	[tilespmem:$0x8000] =	vst v63  }
0x43: {  	_ =	swait.ge [sflag:s14], $0x1000  }
0x44: {  	[sflag:s14] =	ssyncset.done $0x0  }
0x45: {  	s25 =	sadd.s32 $0x200, s24;
	[sflag:s14] =	ssyncadd.s32 $0xFFFFF000  }
0x46: {  	[hbm4b:s25+s2] =	stream.linear.scatter [tilespmem:s10], [sflag:$0x6], $0x1000, $0x38;
	[tilespmem:$0x8000] =	vst v63  }
0x47: {  	_ =	swait.ge [sflag:s15], $0x1000  }
0x48: {  	[sflag:s15] =	ssyncset.done $0x0  }
0x49: {  	s25 =	sadd.s32 $0x400, s24;
	[sflag:s15] =	ssyncadd.s32 $0xFFFFF000  }
0x4a: {  	[hbm4b:s25+s2] =	stream.linear.scatter [tilespmem:s11], [sflag:$0x7], $0x1000, $0x38;
	[tilespmem:$0x8000] =	vst v63  }
0x4b: {  	_ =	swait.ge [sflag:s16], $0x1000  }
0x4c: {  	[sflag:s16] =	ssyncset.done $0x0  }
0x4d: {  	s24 =	sadd.s32 $0x600, s24;
	[sflag:s16] =	ssyncadd.s32 $0xFFFFF000  }
0x4e: {  	[hbm4b:s24+s2] =	stream.linear.scatter [tilespmem:s12], [sflag:$0x8], $0x1000, $0x38;
	[tilespmem:$0x8000] =	vst v63  }
0x4f: {  	_ =	swait.ge [sflag:s17], $0x1000  }
0x50: {  	[sflag:s17] =	ssyncset.done $0x0  }
0x51: {  	[sflag:s17] =	ssyncadd.s32 $0xFFFFF000  }
0x52: {  	_ =	swait.ge [sflag:s18], $0x1000  }
0x53: {  	[sflag:s18] =	ssyncset.done $0x0  }
0x54: {  	[sflag:s18] =	ssyncadd.s32 $0xFFFFF000  }
.Ltmp0:
0x55: {  	_ =	swait.ge [sflag:s19], $0x1000;
	(pc) =	sbr.rel @p0 .LBB2_2-.Ltmp0, $4  }
0x56: {  	[sflag:s19] =	ssyncset.done $0x0  }
0x57: {  	[sflag:s19] =	ssyncadd.s32 $0xFFFFF000  }
0x58: {  	_ =	swait.ge [sflag:s20], $0x1000  }
0x59: {  	s24 =	smov.u32 s23;
	[sflag:s20] =	ssyncset.done $0x0  }
0x5a: {  	s23 =	sshra.s32 s22, $0x2;
	[sflag:s20] =	ssyncadd.s32 $0xFFFFF000  }
0x5b: {  	[tilespmem:s9], [sflag:$0x1] =	stream.indirect.gather [hbm4b:s3+s8], $0x20, s23, s8, $0xb8;
	[tilespmem:$0x8000] =	vst v63  }
0x5c: {  	s24 =	sadd.s32 $0x80, s23  }
0x5d: {  	[tilespmem:s10], [sflag:$0x2] =	stream.indirect.gather [hbm4b:s3+s8], $0x20, s24, s8, $0xb8;
	[tilespmem:$0x8000] =	vst v63  }
0x5e: {  	s28 =	sadd.s32 $0x100, s23  }
0x5f: {  	[tilespmem:s11], [sflag:$0x3] =	stream.indirect.gather [hbm4b:s3+s8], $0x20, s28, s8, $0xb8;
	[tilespmem:$0x8000] =	vst v63  }
0x60: {  	s23 =	sadd.s32 $0x180, s23  }
0x61: {  	[tilespmem:s12], [sflag:$0x4] =	stream.indirect.gather [hbm4b:s3+s8], $0x20, s23, s8, $0xb8;
	[tilespmem:$0x8000] =	vst v63  }
0x62: {  	_ =	swait.ge [sflag:s13], $0x1000  }
0x63: {  	[sflag:s13] =	ssyncset.done $0x0  }
0x64: {  	s29 =	sadd.s32 s22, s6;
	[sflag:s13] =	ssyncadd.s32 $0xFFFFF000  }
0x65: {  	[hbm4b:s29+s2] =	stream.linear.scatter [tilespmem:s9], [sflag:$0x5], $0x1000, $0x38;
	[tilespmem:$0x8000] =	vst v63  }
0x66: {  	_ =	swait.ge [sflag:s14], $0x1000  }
0x67: {  	[sflag:s14] =	ssyncset.done $0x0  }
0x68: {  	s30 =	sadd.s32 $0x200, s29;
	[sflag:s14] =	ssyncadd.s32 $0xFFFFF000  }
0x69: {  	[hbm4b:s30+s2] =	stream.linear.scatter [tilespmem:s10], [sflag:$0x6], $0x1000, $0x38;
	[tilespmem:$0x8000] =	vst v63  }
0x6a: {  	_ =	swait.ge [sflag:s15], $0x1000  }
0x6b: {  	[sflag:s15] =	ssyncset.done $0x0  }
0x6c: {  	s31 =	sadd.s32 $0x400, s29;
	[sflag:s15] =	ssyncadd.s32 $0xFFFFF000  }
0x6d: {  	[hbm4b:s31+s2] =	stream.linear.scatter [tilespmem:s11], [sflag:$0x7], $0x1000, $0x38;
	[tilespmem:$0x8000] =	vst v63  }
0x6e: {  	_ =	swait.ge [sflag:s16], $0x1000  }
0x6f: {  	[sflag:s16] =	ssyncset.done $0x0  }
0x70: {  	s22 =	sadd.s32 $0x600, s29;
	[sflag:s16] =	ssyncadd.s32 $0xFFFFF000  }
0x71: {  	[hbm4b:s22+s2] =	stream.linear.scatter [tilespmem:s12], [sflag:$0x8], $0x1000, $0x38;
	[tilespmem:$0x8000] =	vst v63  }
0x72: {  	_ =	swait.ge [sflag:s17], $0x1000  }
0x73: {  	[sflag:s17] =	ssyncset.done $0x0  }
0x74: {  	[sflag:s17] =	ssyncadd.s32 $0xFFFFF000  }
0x75: {  	_ =	swait.ge [sflag:s18], $0x1000  }
0x76: {  	[sflag:s18] =	ssyncset.done $0x0  }
0x77: {  	s21 =	sadd.s32 $0x1, s21;
	[sflag:s18] =	ssyncadd.s32 $0xFFFFF000  }
0x78: {  	p0 =	sne.s32 s21, s5;
	_ =	swait.ge [sflag:s19], $0x1000  }
.Ltmp1:
0x79: {  	[sflag:s19] =	ssyncset.done $0x0;
	(pc) =	sbr.rel @p0 .LBB2_1-.Ltmp1, $4  }
0x7a: {  	[sflag:s19] =	ssyncadd.s32 $0xFFFFF000  }
0x7b: {  	_ =	swait.ge [sflag:s20], $0x1000  }
0x7c: {  	[sflag:s20] =	ssyncset.done $0x0  }
0x7d: {  	[sflag:s20] =	ssyncadd.s32 $0xFFFFF000  }
0x7e: {  	_ =	sfence.sel $0x180000  }
0x7f: {  	[bflag:$0x0] =	sbarrier.arrive $0xFFFF  }
0x80: {  	p0 =	sne.s32 s1, $0x0;
	_ =	strace $0x90000047  }
0x81: {  	s0 =	sadd.s32 @!p0 $0x100000, s0;
	[bflag:$0x2] =	sbarrier.arrive $0xFFFF  }
0x82: {  	[sflag:s0] =	ssyncadd.tile.s32 @!p0 $0x1;
	_ =	shalt  }
.Lfunc_end2:
_tile_overlayer_lowered:
.L_overlay_start_2:
0x83: {  	(tag) =	ssettag $0x2  }
0x84: {  	s0 =	rddreg [dreg:$0x0];
	s2 =	stileid.u32  }
0x85: {  	s1 =	rddreg [dreg:$0x1];
	p0 =	sne.s32 s2, $0x0  }
0x86: {  	s3 =	rddreg [dreg:$0x2];
	[bflag:$0x3] =	sbarrier.arrive $0xFFFF;
	s2 =	simm.s32 @!p0 $0x1C09  }
0x87: {  	[timem:s3], [sflag:s2] =	dma.local @!p0 [hbm:s0], s1  }
0x88: {  	s0 =	simm.s32 @!p0 $0x9  }
0x89: {  	_ =	swait.ge @!p0 [sflag:s0], s1  }
0x8a: {  	s1 =	ssub.s32 @!p0 $0x0, s1;
	[sflag:s0] =	ssyncset.done @!p0 $0x0  }
0x8b: {  	[sflag:s0] =	ssyncadd.s32 @!p0 s1  }
0x8c: {  	[bflag:$0x3] =	sbarrier.arrive $0xFFFF  }
0x8d: {  	_ =	shalt  }

// kernel: kernel.8.cloned.1.call-start
scs
__scs_entry_jumppad:
0x0: {  	(pc) =	sbr.rel $0x88, $3  }
0x1: {  	(tag) =	ssettag $0x0;
	lr =	simm.s32 $0x1  }
0x2: {  	[smem:$0x3F9B] =	sst lr;
	_ =	strace $0xD0000000  }
0x3: {  	_ = 	snop  }
0x4: {  	_ = 	snop  }
0x5: {  	_ = 	snop  }
0x6: {  	_ = 	snop  }
0x7: {  	_ = 	snop  }
__scs_overlays_trampoline_lowered:
0x8: {  	[smem:$0x3FAA] =	sst s0  }
0x9: {  	[smem:$0x3FAB] =	sst s1  }
0xa: {  	[smem:$0x3FAC] =	sst s2  }
0xb: {  	[smem:$0x3FAD] =	sst s3  }
0xc: {  	[smem:$0x3FAE] =	sst s4  }
0xd: {  	[smem:$0x3FAF] =	sst s5  }
0xe: {  	[smem:$0x3FB0] =	sst s6  }
0xf: {  	[smem:$0x3FB1] =	sst s7  }
0x10: {  	[smem:$0x3FB2] =	sst s8  }
0x11: {  	[smem:$0x3FB3] =	sst s9;
	s0 =	simm.s32 @!p0 $0x0  }
0x12: {  	s1 =	sld [smem:$0x3F99];
	s0 =	simm.s32 @p0 $0x1  }
0x13: {  	[smem:$0x3FB4] =	sst s0;
	s0 =	simm.s32 @!p1 $0x0  }
0x14: {  	s2 =	sld [smem:$0x3F98];
	s0 =	simm.s32 @p1 $0x1  }
0x15: {  	[smem:$0x3FB5] =	sst s0;
	s0 =	simm.s32 @!p2 $0x0  }
0x16: {  	s3 =	sld [smem:$0x3FDB];
	s0 =	simm.s32 @p2 $0x1  }
0x17: {  	s4 =	simm.s32 $0x1BF5;
	[smem:$0x3FB7] =	sst s0  }
0x18: {  	s0 =	sld [smem:$0x3F9A];
	_ =	swait.ge [sflag:s4], $0x0  }
0x19: {  	s7 =	sld [smem:$0x3F9B]  }
0x1a: {  	s8 =	sadd.s32 $0xFFFFE003, lr  }
0x1b: {  	s9 =	sadd.s32 $0xFFFFFEF7, lr;
	s5 =	simm.s32 $0xFFFFFFFF;
	p2 =	slt.u32 s8, $0xFFFFF086  }
0x1c: {  	p1 =	slt.u32 s9, $0xF7A;
	s5 =	simm.s32 @!p2 $0x0  }
0x1d: {  	s5 =	simm.s32 @p1 $0x1;
	p0 =	seq.s32 s7, s2  }
0x1e: {  	s7 =	smul.u32 @!p0 $0xF7A, s2;
	p2 =	seq.s32 @!p0 s5, $0x0  }
0x1f: {  	s9 =	smul.u32 $0xF7A, s1;
	s8 =	simm.s32 @!p0 $0x1BF5;
	p2 =	por !p2, p0  }
0x20: {  	[sflag:s8] =	ssyncset.s32 @!p0 $0xFFFFF086;
	s6 =	sadd.s32 @!p0 s3, s7;
	s7 =	simm.s32 @!p0 $0x108  }
0x21: {  	s3 =	sadd.s32 s3, s9;
	s6 =	sadd.s32 @!p0 $0x88, s6;
	s7 =	simm.s32 @p2 $0x1082  }
0x22: {  	[simem:s7], [sflag:s8] =	dma.local @!p0 [hbm:s6], $0xF7A  }
0x23: {  	s9 =	sor.u32 $0xD0000000, s2;
	s6 =	simm.s32 $0x108;
	_ =	swait.ge @!p0 [sflag:s8], $0x0  }
0x24: {  	s3 =	sadd.s32 $0x88, s3;
	s6 =	simm.s32 @!p1 $0x1082;
	[sflag:s4] =	ssyncset.s32 $0xFFFFF086  }
0x25: {  	[simem:s6], [sflag:s4] =	dma.local [hbm:s3], $0xF7A  }
0x26: {  	[smem:$0x3F9B] =	sst s1;
	(tag) =	ssettag s2;
	_ =	strace s9  }
0x27: {  	s1 =	sld [smem:$0x3FAB]  }
0x28: {  	s2 =	sld [smem:$0x3FAC]  }
0x29: {  	s4 =	sld [smem:$0x3FAE]  }
0x2a: {  	p0 =	seq.s32 s5, $0x0;
	s5 =	sld [smem:$0x3FAF]  }
0x2b: {  	s6 =	sld [smem:$0x3FB0]  }
0x2c: {  	s7 =	sld [smem:$0x3FB1]  }
0x2d: {  	s3 =	simm.s32 $0x108;
	s8 =	sld [smem:$0x3FB2]  }
0x2e: {  	s3 =	simm.s32 @!p0 $0x1082;
	s9 =	sld [smem:$0x3FB3]  }
0x2f: {  	lr =	sadd.s32 s0, s3;
	s0 =	sld [smem:$0x3FAA]  }
0x30: {  	s3 =	sld [smem:$0x3FAD]  }
0x31: {  	[smem:$0x3FB6] =	sst s10  }
0x32: {  	s10 =	sld [smem:$0x3FB4];
	_ =	sdelay $0x3  }
0x33: {  	p0 =	seq.s32 s10, $0x1;
	s10 =	sld [smem:$0x3FB6];
	_ =	sdelay $0x3  }
0x34: {  	[smem:$0x3FB6] =	sst s10  }
0x35: {  	s10 =	sld [smem:$0x3FB5];
	_ =	sdelay $0x3  }
0x36: {  	p1 =	seq.s32 s10, $0x1;
	s10 =	sld [smem:$0x3FB6];
	_ =	sdelay $0x3  }
0x37: {  	[smem:$0x3FB6] =	sst s10  }
0x38: {  	s10 =	sld [smem:$0x3FB7]  }
0x39: {  	_ = 	snop;
	(pc) =	sbr.ind lr, $3  }
0x3a: {  	_ = 	snop  }
0x3b: {  	_ = 	snop  }
0x3c: {  	p2 =	seq.s32 s10, $0x1;
	s10 =	sld [smem:$0x3FB6]  }
0x3d: {  	_ =	shalt  }
0x3e: {  	_ =	shalt  }
0x3f: {  	_ =	shalt  }
0x40: {  	_ =	shalt  }
0x41: {  	_ =	shalt  }
0x42: {  	_ =	shalt  }
0x43: {  	_ =	shalt  }
0x44: {  	_ =	shalt  }
0x45: {  	_ =	shalt  }
0x46: {  	_ =	shalt  }
0x47: {  	_ =	shalt  }
0x48: {  	_ =	shalt  }
0x49: {  	_ =	shalt  }
0x4a: {  	_ =	shalt  }
0x4b: {  	_ =	shalt  }
0x4c: {  	_ =	shalt  }
0x4d: {  	_ =	shalt  }
0x4e: {  	_ =	shalt  }
0x4f: {  	_ =	shalt  }
0x50: {  	_ =	shalt  }
0x51: {  	_ =	shalt  }
0x52: {  	_ =	shalt  }
0x53: {  	_ =	shalt  }
0x54: {  	_ =	shalt  }
0x55: {  	_ =	shalt  }
0x56: {  	_ =	shalt  }
0x57: {  	_ =	shalt  }
0x58: {  	_ =	shalt  }
0x59: {  	_ =	shalt  }
0x5a: {  	_ =	shalt  }
0x5b: {  	_ =	shalt  }
0x5c: {  	_ =	shalt  }
0x5d: {  	_ =	shalt  }
0x5e: {  	_ =	shalt  }
0x5f: {  	_ =	shalt  }
0x60: {  	_ =	shalt  }
0x61: {  	_ =	shalt  }
0x62: {  	_ =	shalt  }
0x63: {  	_ =	shalt  }
0x64: {  	_ =	shalt  }
0x65: {  	_ =	shalt  }
0x66: {  	_ =	shalt  }
0x67: {  	_ =	shalt  }
0x68: {  	_ =	shalt  }
0x69: {  	_ =	shalt  }
0x6a: {  	_ =	shalt  }
0x6b: {  	_ =	shalt  }
0x6c: {  	_ =	shalt  }
0x6d: {  	_ =	shalt  }
0x6e: {  	_ =	shalt  }
0x6f: {  	_ =	shalt  }
0x70: {  	_ =	shalt  }
0x71: {  	_ =	shalt  }
0x72: {  	_ =	shalt  }
0x73: {  	_ =	shalt  }
0x74: {  	_ =	shalt  }
0x75: {  	_ =	shalt  }
0x76: {  	_ =	shalt  }
0x77: {  	_ =	shalt  }
0x78: {  	_ =	shalt  }
0x79: {  	_ =	shalt  }
0x7a: {  	_ =	shalt  }
0x7b: {  	_ =	shalt  }
0x7c: {  	_ =	shalt  }
0x7d: {  	_ =	shalt  }
0x7e: {  	_ =	shalt  }
0x7f: {  	_ =	shalt  }
0x80: {  	_ =	shalt  }
0x81: {  	_ =	shalt  }
0x82: {  	_ =	shalt  }
0x83: {  	_ =	shalt  }
0x84: {  	_ =	shalt  }
0x85: {  	_ =	shalt  }
0x86: {  	_ =	shalt  }
0x87: {  	_ =	shalt  }
.Lfunc_end0:
.L_simem_size_0:
called_computation_lowered:
.L_overlay_start_0:
0x88: {  	s2 =	sld [smem:$0x3FD9]  }
0x89: {  	s3 =	sld [smem:$0x3FFE];
	_ =	sdelay $0x1  }
0x8a: {  	s1 =	srdreg.scid  }
0x8b: {  	s0 =	sand.u32 $0x1, s1  }
0x8c: {  	s17 =	sshll.u32 s0, $0xA;
	s2 =	sadd.s32 s3, s2  }
0x8d: {  	s2 =	sadd.s32 s2, s17  }
0x8e: {  	[smem:$0x3FC2] =	sst s2  }
0x8f: {  	_ = 	snop  }
0x90: {  	(tm) =	ssettm $0x1  }
0x91: {  	s18 =	sld [smem:$0x3FFB];
	_ =	sdelay $0x3  }
0x92: {  	_ =	strace s18  }
0x93: {  	s2 =	sld [smem:$0x3FFC];
	_ =	sdelay $0x3  }
0x94: {  	_ =	strace s2  }
0x95: {  	s2 =	sld [smem:$0x3FFD];
	_ =	sdelay $0x3  }
0x96: {  	_ =	strace s2  }
0x97: {  	_ =	strace $0x8FFFFFFF  }
0x98: {  	s19 =	sld [smem:$0x3FDB];
	_ =	sdelay $0x1  }
0x99: {  	s20 =	simm.s32 $_scs_section_size  }
0x9a: {  	s4 =	simm.s32 $_size__tile_overlayer_lowered;
	s5 =	simm.s32 $_tile_overlayer_lowered  }
0x9b: {  	s6 =	simm.s32 $0x1BFF;
	s21 =	sshll.u32 s5, $0x1;
	s3 =	sadd.s32 s20, s19  }
0x9c: {  	s22 =	simm.s32 $0x0;
	s4 =	sshll.u32 s4, $0x1;
	s5 =	sadd.s32 s21, s3  }
0x9d: {  	[timem:s22], [sflag:s6] =	dma.local [hbm:s5], s4  }
0x9e: {  	_ =	swait.ge [sflag:s6], s4  }
0x9f: {  	s4 =	ssub.s32 $0x0, s4;
	[sflag:s6] =	ssyncset.done $0x0  }
0xa0: {  	[sflag:s6] =	ssyncadd.s32 s4;
	_ =	sdelay $0x1  }
0xa1: {  	s23 =	simm.s32 $0x1B8B  }
0xa2: {  	_ =	swait.ge [sflag:s23], $0x1  }
0xa3: {  	[sflag:s23] =	ssyncset.done $0x0  }
0xa4: {  	[sflag:s23] =	ssyncadd.s32 $0xFFFFFFFF  }
0xa5: {  	s4 =	sld [smem:$0x0]  }
0xa6: {  	s5 =	sand.u32 $0xFFFFFFFE, s1  }
0xa7: {  	p0 =	sne.s32 s1, s5  }
0xa8: {  	s5 =	sshll.u32 @p0 s5, $0xE  }
0xa9: {  	s5 =	sadd.s32 @p0 $0x11B8D, s5;
	s6 =	sshll.u32 @p0 s4, $0x11  }
0xaa: {  	s5 =	sor.u32 @p0 s6, s5  }
0xab: {  	[sflag:s5] =	ssyncadd.remote.s32 @p0 $0x1;
	_ =	sdelay $0x1  }
0xac: {  	s5 =	simm.s32 @p0 $0x1B8D  }
0xad: {  	_ =	swait.eq @p0 [sflag:s5], $0x1  }
0xae: {  	[sflag:s5] =	ssyncadd.s32 @p0 $0xFFFFFFFF  }
0xaf: {  	s6 =	sshll.u32 @!p0 s1, $0xE  }
0xb0: {  	s6 =	sor.u32 @!p0 $0x4000, s6;
	s5 =	simm.s32 @!p0 $0x1B8D  }
0xb1: {  	s4 =	sshll.u32 @!p0 s4, $0x11;
	s6 =	sadd.s32 @!p0 $0x11B8D, s6;
	_ =	swait.eq @!p0 [sflag:s5], $0x1  }
0xb2: {  	s4 =	sor.u32 @!p0 s4, s6;
	[sflag:s5] =	ssyncadd.s32 @!p0 $0xFFFFFFFF  }
0xb3: {  	s25 =	simm.s32 $0x1B8E;
	s24 =	sld [smem:$0x3FFE];
	[sflag:s4] =	ssyncadd.remote.s32 @!p0 $0x1  }
0xb4: {  	s26 =	simm.s32 $execute0_lowered;
	[smem:$0x3FD2] =	sst s25  }
0xb5: {  	s5 =	sshll.u32 s26, $0x1;
	_ =	strace $0x80000049;
	[dreg:$0x1] =	wrdreg $0xFFFFFFFF  }
0xb6: {  	s28 =	simm.s32 $_size_execute0_lowered;
	s3 =	sadd.s32 s3, s5;
	[dreg:$0x0] =	wrdreg $0x0  }
0xb7: {  	s5 =	sshll.u32 s28, $0x1;
	[dreg:$0x2] =	wrdreg s3  }
0xb8: {  	[dreg:$0x3] =	wrdreg s5  }
0xb9: {  	[dreg:$0x4] =	wrdreg $0xC0  }
0xba: {  	_ =	task [dreg:s22], $0x5FFFF  }
0xbb: {  	[dreg:$0x1] =	wrdreg $0xFFFFFFFF  }
0xbc: {  	[dreg:$0x0] =	wrdreg $0x60  }
0xbd: {  	[dreg:$0x2] =	wrdreg s24  }
0xbe: {  	[dreg:$0x3] =	wrdreg $0x9  }
0xbf: {  	_ =	task.clear_ibuf [dreg:s22], $0x4FFFF;
	_ =	strace $0x90000049  }
0xc0: {  	s29 =	simm.s32 $0x9;
	_ =	strace $0x8000004B  }
0xc1: {  	_ =	swait.ge [sflag:s29], $0x1  }
0xc2: {  	[sflag:s29] =	ssyncadd.s32 $0xFFFFFFFF  }
0xc3: {  	_ =	strace $0x9000004B  }
0xc4: {  	_ =	sfence  }
0xc5: {  	s30 =	sld [smem:$0x0];
	_ =	sdelay $0x2  }
0xc6: {  	s31 =	sshll.u32 s1, $0xD;
	s1 =	sshrl.u32 s1, $0x2  }
0xc7: {  	s4 =	sand.u32 $0x4000, s31;
	s1 =	sadd.s32 s1, s30  }
0xc8: {  	s0 =	sor.u32 s4, s0;
	s1 =	sshll.u32 s1, $0x11  }
0xc9: {  	s0 =	sor.u32 s1, s0  }
0xca: {  	s0 =	sadd.s32 $0x8F2B, s0  }
0xcb: {  	[sflag:s0] =	ssyncadd.remote.s32 $0x1  }
0xcc: {  	_ =	sfence.sel $0xFFFF  }
0xcd: {  	[dreg:$0x0] =	wrdreg $0xFFFFFFFF;
	(pc) =	sbr.abs _section_cstart, $3  }
0xce: {  	[dreg:$0x1] =	wrdreg $0xFFFFFFFF  }
0xcf: {  	_ =	task.clear_ibuf [dreg:s22], $0x2FFFF;
	_ =	strace $0x9FFFFFFF  }
0xd0: {  	(tm) =	ssettm $0x7FFFFFFF  }
0xd1: {  	_ =	shalt  }
tec
execute0_lowered:
.L_overlay_start_1:
0x0: {  	(tag) =	ssettag $0x1  }
0x1: {  	s3 =	rddreg [dreg:$0x0]  }
0x2: {  	s2 =	srdreg.scid;
	s0 =	rddreg [dreg:$0x1]  }
0x3: {  	s1 =	stileid.u32;
	s9 =	simm.s32 $0x4000;
	s10 =	simm.s32 $0x5000  }
0x4: {  	s11 =	simm.s32 $0x6000;
	s12 =	simm.s32 $0x7000;
	s13 =	simm.s32 $0x1  }
0x5: {  	s14 =	simm.s32 $0x2;
	s15 =	simm.s32 $0x3;
	s16 =	simm.s32 $0x4  }
0x6: {  	s17 =	simm.s32 $0x5;
	s18 =	simm.s32 $0x6;
	s19 =	simm.s32 $0x7  }
0x7: {  	s20 =	simm.s32 $0x8;
	s21 =	simm.s32 $0x0;
	s4 =	sand.u32 $0x1, s2  }
0x8: {  	s2 =	simm.s32 $0x0;
	s5 =	sshll.u32 s1, $0xF;
	s31 =	sshll.u32 s1, $0x11  }
0x9: {  	s6 =	sshll.u32 s4, $0xE;
	[smem:$0x7FF] =	sst s2;
	s7 =	ssub.s32 $0x2, s4  }
0xa: {  	s4 =	sshll.u32 s4, $0x10;
	s5 =	sor.u32 s6, s5;
	_ =	strace $0x8000004A  }
0xb: {  	s6 =	sadd.s32 s31, s3;
	s8 =	sshrl.u32 s7, $0x1;
	s5 =	sshrl.u32 s5, $0x3  }
0xc: {  	s7 =	ssub.s32 s7, s8;
	s6 =	sadd.s32 s4, s6;
	s8 =	simm.s32 $0x80  }
0xd: {  	s5 =	sadd.s32 s5, s3;
	s3 =	sadd.s32 $0x201C00, s3;
	s6 =	sadd.s32 $0x441C00, s6  }
0xe: {  	s4 =	sadd.s32 $0x101C00, s5;
	s5 =	smax.u32 s7, $0x1;
	s7 =	simm.s32 $0x9  }
.LBB2_1:
0xf: {  	[tilespmem:s2], [sflag:$0x9] =	stream.linear.gather [hbm4b:s4+s2], $0x4000, $0x38;
	[tilespmem:$0x8000] =	vst v63  }
0x10: {  	_ =	swait.ge [sflag:s7], $0x4000  }
0x11: {  	[sflag:s7] =	ssyncset.done $0x0  }
0x12: {  	s22 =	simm.s32 $0x0;
	[sflag:s7] =	ssyncadd.s32 $0xFFFFC000  }
0x13: {  	[tilespmem:s9], [sflag:$0x1] =	stream.indirect.gather [hbm4b:s3+s8], $0x20, s22, s8, $0xb8;
	[tilespmem:$0x8000] =	vst v63  }
0x14: {  	s26 =	simm.s32 $0x80  }
0x15: {  	[tilespmem:s10], [sflag:$0x2] =	stream.indirect.gather [hbm4b:s3+s8], $0x20, s26, s8, $0xb8;
	[tilespmem:$0x8000] =	vst v63  }
0x16: {  	s28 =	simm.s32 $0x100  }
0x17: {  	[tilespmem:s11], [sflag:$0x3] =	stream.indirect.gather [hbm4b:s3+s8], $0x20, s28, s8, $0xb8;
	[tilespmem:$0x8000] =	vst v63  }
0x18: {  	s29 =	simm.s32 $0x180  }
0x19: {  	[tilespmem:s12], [sflag:$0x4] =	stream.indirect.gather [hbm4b:s3+s8], $0x20, s29, s8, $0xb8;
	[tilespmem:$0x8000] =	vst v63  }
0x1a: {  	_ =	swait.ge [sflag:s13], $0x1000  }
0x1b: {  	[sflag:s13] =	ssyncset.done $0x0  }
0x1c: {  	s30 =	sadd.s32 $0x0, s6;
	[sflag:s13] =	ssyncadd.s32 $0xFFFFF000  }
0x1d: {  	[hbm4b:s30+s2] =	stream.linear.scatter [tilespmem:s9], [sflag:$0x5], $0x1000, $0x38;
	[tilespmem:$0x8000] =	vst v63  }
0x1e: {  	_ =	swait.ge [sflag:s14], $0x1000  }
0x1f: {  	[sflag:s14] =	ssyncset.done $0x0  }
0x20: {  	s23 =	sadd.s32 $0x200, s30;
	[sflag:s14] =	ssyncadd.s32 $0xFFFFF000  }
0x21: {  	[hbm4b:s23+s2] =	stream.linear.scatter [tilespmem:s10], [sflag:$0x6], $0x1000, $0x38;
	[tilespmem:$0x8000] =	vst v63  }
0x22: {  	_ =	swait.ge [sflag:s15], $0x1000  }
0x23: {  	[sflag:s15] =	ssyncset.done $0x0  }
0x24: {  	s31 =	sadd.s32 $0x400, s30;
	[sflag:s15] =	ssyncadd.s32 $0xFFFFF000  }
0x25: {  	[hbm4b:s31+s2] =	stream.linear.scatter [tilespmem:s11], [sflag:$0x7], $0x1000, $0x38;
	[tilespmem:$0x8000] =	vst v63  }
0x26: {  	_ =	swait.ge [sflag:s16], $0x1000  }
0x27: {  	[sflag:s16] =	ssyncset.done $0x0  }
0x28: {  	s22 =	sadd.s32 $0x600, s30;
	[sflag:s16] =	ssyncadd.s32 $0xFFFFF000  }
0x29: {  	[hbm4b:s22+s2] =	stream.linear.scatter [tilespmem:s12], [sflag:$0x8], $0x1000, $0x38;
	[tilespmem:$0x8000] =	vst v63  }
0x2a: {  	_ =	swait.ge [sflag:s17], $0x1000  }
0x2b: {  	[sflag:s17] =	ssyncset.done $0x0  }
0x2c: {  	[sflag:s17] =	ssyncadd.s32 $0xFFFFF000  }
0x2d: {  	_ =	swait.ge [sflag:s18], $0x1000  }
0x2e: {  	[sflag:s18] =	ssyncset.done $0x0  }
0x2f: {  	[sflag:s18] =	ssyncadd.s32 $0xFFFFF000  }
0x30: {  	_ =	swait.ge [sflag:s19], $0x1000  }
0x31: {  	[sflag:s19] =	ssyncset.done $0x0  }
0x32: {  	[sflag:s19] =	ssyncadd.s32 $0xFFFFF000  }
0x33: {  	_ =	swait.ge [sflag:s20], $0x1000  }
0x34: {  	s24 =	simm.s32 $0x1000;
	s22 =	simm.s32 $0x800;
	[sflag:s20] =	ssyncset.done $0x0  }
.LBB2_2:
0x35: {  	s25 =	sshra.s32 s22, $0x2  }
0x36: {  	[sflag:s20] =	ssyncadd.s32 $0xFFFFF000;
	s26 =	smov.u32 s24;
	s23 =	sadd.s32 $0x800, s24  }
0x37: {  	[tilespmem:s9], [sflag:$0x1] =	stream.indirect.gather [hbm4b:s3+s8], $0x20, s25, s8, $0xb8;
	[tilespmem:$0x8000] =	vst v63  }
0x38: {  	p0 =	sne.s32 s24, $0xF800;
	s24 =	sadd.s32 $0x80, s25  }
0x39: {  	[tilespmem:s10], [sflag:$0x2] =	stream.indirect.gather [hbm4b:s3+s8], $0x20, s24, s8, $0xb8;
	[tilespmem:$0x8000] =	vst v63  }
0x3a: {  	s24 =	sadd.s32 $0x100, s25  }
0x3b: {  	[tilespmem:s11], [sflag:$0x3] =	stream.indirect.gather [hbm4b:s3+s8], $0x20, s24, s8, $0xb8;
	[tilespmem:$0x8000] =	vst v63  }
0x3c: {  	s24 =	sadd.s32 $0x180, s25  }
0x3d: {  	[tilespmem:s12], [sflag:$0x4] =	stream.indirect.gather [hbm4b:s3+s8], $0x20, s24, s8, $0xb8;
	[tilespmem:$0x8000] =	vst v63  }
0x3e: {  	_ =	swait.ge [sflag:s13], $0x1000  }
0x3f: {  	[sflag:s13] =	ssyncset.done $0x0  }
0x40: {  	s24 =	sadd.s32 s22, s6;
	s22 =	smov.u32 s26;
	[sflag:s13] =	ssyncadd.s32 $0xFFFFF000  }
0x41: {  	[hbm4b:s24+s2] =	stream.linear.scatter [tilespmem:s9], [sflag:$0x5], $0x1000, $0x38;
	[tilespmem:$0x8000] =	vst v63  }
0x42: {  	_ =	swait.ge [sflag:s14], $0x1000  }
0x43: {  	[sflag:s14] =	ssyncset.done $0x0  }
0x44: {  	s25 =	sadd.s32 $0x200, s24;
	[sflag:s14] =	ssyncadd.s32 $0xFFFFF000  }
0x45: {  	[hbm4b:s25+s2] =	stream.linear.scatter [tilespmem:s10], [sflag:$0x6], $0x1000, $0x38;
	[tilespmem:$0x8000] =	vst v63  }
0x46: {  	_ =	swait.ge [sflag:s15], $0x1000  }
0x47: {  	[sflag:s15] =	ssyncset.done $0x0  }
0x48: {  	s25 =	sadd.s32 $0x400, s24;
	[sflag:s15] =	ssyncadd.s32 $0xFFFFF000  }
0x49: {  	[hbm4b:s25+s2] =	stream.linear.scatter [tilespmem:s11], [sflag:$0x7], $0x1000, $0x38;
	[tilespmem:$0x8000] =	vst v63  }
0x4a: {  	_ =	swait.ge [sflag:s16], $0x1000  }
0x4b: {  	[sflag:s16] =	ssyncset.done $0x0  }
0x4c: {  	s24 =	sadd.s32 $0x600, s24;
	[sflag:s16] =	ssyncadd.s32 $0xFFFFF000  }
0x4d: {  	[hbm4b:s24+s2] =	stream.linear.scatter [tilespmem:s12], [sflag:$0x8], $0x1000, $0x38;
	[tilespmem:$0x8000] =	vst v63  }
0x4e: {  	_ =	swait.ge [sflag:s17], $0x1000  }
0x4f: {  	[sflag:s17] =	ssyncset.done $0x0  }
0x50: {  	[sflag:s17] =	ssyncadd.s32 $0xFFFFF000  }
0x51: {  	_ =	swait.ge [sflag:s18], $0x1000  }
0x52: {  	[sflag:s18] =	ssyncset.done $0x0  }
0x53: {  	[sflag:s18] =	ssyncadd.s32 $0xFFFFF000  }
.Ltmp0:
0x54: {  	_ =	swait.ge [sflag:s19], $0x1000;
	(pc) =	sbr.rel @p0 .LBB2_2-.Ltmp0, $4  }
0x55: {  	[sflag:s19] =	ssyncset.done $0x0  }
0x56: {  	[sflag:s19] =	ssyncadd.s32 $0xFFFFF000  }
0x57: {  	_ =	swait.ge [sflag:s20], $0x1000  }
0x58: {  	s24 =	smov.u32 s23;
	[sflag:s20] =	ssyncset.done $0x0  }
0x59: {  	s23 =	sshra.s32 s22, $0x2;
	[sflag:s20] =	ssyncadd.s32 $0xFFFFF000  }
0x5a: {  	[tilespmem:s9], [sflag:$0x1] =	stream.indirect.gather [hbm4b:s3+s8], $0x20, s23, s8, $0xb8;
	[tilespmem:$0x8000] =	vst v63  }
0x5b: {  	s24 =	sadd.s32 $0x80, s23  }
0x5c: {  	[tilespmem:s10], [sflag:$0x2] =	stream.indirect.gather [hbm4b:s3+s8], $0x20, s24, s8, $0xb8;
	[tilespmem:$0x8000] =	vst v63  }
0x5d: {  	s28 =	sadd.s32 $0x100, s23  }
0x5e: {  	[tilespmem:s11], [sflag:$0x3] =	stream.indirect.gather [hbm4b:s3+s8], $0x20, s28, s8, $0xb8;
	[tilespmem:$0x8000] =	vst v63  }
0x5f: {  	s23 =	sadd.s32 $0x180, s23  }
0x60: {  	[tilespmem:s12], [sflag:$0x4] =	stream.indirect.gather [hbm4b:s3+s8], $0x20, s23, s8, $0xb8;
	[tilespmem:$0x8000] =	vst v63  }
0x61: {  	_ =	swait.ge [sflag:s13], $0x1000  }
0x62: {  	[sflag:s13] =	ssyncset.done $0x0  }
0x63: {  	s29 =	sadd.s32 s22, s6;
	[sflag:s13] =	ssyncadd.s32 $0xFFFFF000  }
0x64: {  	[hbm4b:s29+s2] =	stream.linear.scatter [tilespmem:s9], [sflag:$0x5], $0x1000, $0x38;
	[tilespmem:$0x8000] =	vst v63  }
0x65: {  	_ =	swait.ge [sflag:s14], $0x1000  }
0x66: {  	[sflag:s14] =	ssyncset.done $0x0  }
0x67: {  	s30 =	sadd.s32 $0x200, s29;
	[sflag:s14] =	ssyncadd.s32 $0xFFFFF000  }
0x68: {  	[hbm4b:s30+s2] =	stream.linear.scatter [tilespmem:s10], [sflag:$0x6], $0x1000, $0x38;
	[tilespmem:$0x8000] =	vst v63  }
0x69: {  	_ =	swait.ge [sflag:s15], $0x1000  }
0x6a: {  	[sflag:s15] =	ssyncset.done $0x0  }
0x6b: {  	s31 =	sadd.s32 $0x400, s29;
	[sflag:s15] =	ssyncadd.s32 $0xFFFFF000  }
0x6c: {  	[hbm4b:s31+s2] =	stream.linear.scatter [tilespmem:s11], [sflag:$0x7], $0x1000, $0x38;
	[tilespmem:$0x8000] =	vst v63  }
0x6d: {  	_ =	swait.ge [sflag:s16], $0x1000  }
0x6e: {  	[sflag:s16] =	ssyncset.done $0x0  }
0x6f: {  	s22 =	sadd.s32 $0x600, s29;
	[sflag:s16] =	ssyncadd.s32 $0xFFFFF000  }
0x70: {  	[hbm4b:s22+s2] =	stream.linear.scatter [tilespmem:s12], [sflag:$0x8], $0x1000, $0x38;
	[tilespmem:$0x8000] =	vst v63  }
0x71: {  	_ =	swait.ge [sflag:s17], $0x1000  }
0x72: {  	[sflag:s17] =	ssyncset.done $0x0  }
0x73: {  	[sflag:s17] =	ssyncadd.s32 $0xFFFFF000  }
0x74: {  	_ =	swait.ge [sflag:s18], $0x1000  }
0x75: {  	[sflag:s18] =	ssyncset.done $0x0  }
0x76: {  	s21 =	sadd.s32 $0x1, s21;
	[sflag:s18] =	ssyncadd.s32 $0xFFFFF000  }
0x77: {  	p0 =	sne.s32 s21, s5;
	_ =	swait.ge [sflag:s19], $0x1000  }
.Ltmp1:
0x78: {  	[sflag:s19] =	ssyncset.done $0x0;
	(pc) =	sbr.rel @p0 .LBB2_1-.Ltmp1, $4  }
0x79: {  	[sflag:s19] =	ssyncadd.s32 $0xFFFFF000  }
0x7a: {  	_ =	swait.ge [sflag:s20], $0x1000  }
0x7b: {  	[sflag:s20] =	ssyncset.done $0x0  }
0x7c: {  	[sflag:s20] =	ssyncadd.s32 $0xFFFFF000  }
0x7d: {  	_ =	sfence.sel $0x180000  }
0x7e: {  	[bflag:$0x0] =	sbarrier.arrive $0xFFFF  }
0x7f: {  	p0 =	sne.s32 s1, $0x0;
	_ =	strace $0x9000004A  }
0x80: {  	s0 =	sadd.s32 @!p0 $0x100000, s0;
	[bflag:$0x2] =	sbarrier.arrive $0xFFFF  }
0x81: {  	[sflag:s0] =	ssyncadd.tile.s32 @!p0 $0x1;
	_ =	shalt  }
.Lfunc_end2:
_tile_overlayer_lowered:
.L_overlay_start_2:
0x82: {  	(tag) =	ssettag $0x2  }
0x83: {  	s0 =	rddreg [dreg:$0x0];
	s2 =	stileid.u32  }
0x84: {  	s1 =	rddreg [dreg:$0x1];
	p0 =	sne.s32 s2, $0x0  }
0x85: {  	s3 =	rddreg [dreg:$0x2];
	[bflag:$0x3] =	sbarrier.arrive $0xFFFF;
	s2 =	simm.s32 @!p0 $0x1C09  }
0x86: {  	[timem:s3], [sflag:s2] =	dma.local @!p0 [hbm:s0], s1  }
0x87: {  	s0 =	simm.s32 @!p0 $0x9  }
0x88: {  	_ =	swait.ge @!p0 [sflag:s0], s1  }
0x89: {  	s1 =	ssub.s32 @!p0 $0x0, s1;
	[sflag:s0] =	ssyncset.done @!p0 $0x0  }
0x8a: {  	[sflag:s0] =	ssyncadd.s32 @!p0 s1  }
0x8b: {  	[bflag:$0x3] =	sbarrier.arrive $0xFFFF  }
0x8c: {  	_ =	shalt  }

</sc_bundles>
